<compile_context>
chip_gen: v7x
topology: tpu7x:2x2x1
jax: 0.10.2.dev20260603
libtpu: 0.0.44.dev20260713+nightly
codegen_flags: <defaults>
</compile_context>

<pallas_src>
import functools

import jax
import jax.numpy as jnp
from jax import lax
from jax.experimental import pallas as pl
from jax.experimental.pallas import tpu as pltpu
from jax.experimental.pallas import tpu_sc as plsc

N = 10000
E = 320000
FIN = 128
HID = 128
HH = HID // 2
C = 40
CP = 48

NC = 2
NS = 16
NW = NC * NS
K = 80
NJ = E // NW // K
DEGW = 16
DEPTH = 5
DDEPTH = 5
L = 16

RB = 1000


def _mesh():
    return plsc.VectorSubcoreMesh(core_axis_name="c", subcore_axis_name="s")


def _pipelined_agg(tab, acc, idx_row, dst_row, rows, gsems, ssems, njt):
    del ssems
    for t in range(DEPTH):
        pltpu.async_copy(tab.at[idx_row(t)], rows.at[t], gsems[t])

    def body(jb, carry):
        for t in range(DEPTH):
            j = jb * DEPTH + t
            pltpu.make_async_copy(tab.at[idx_row(j)], rows.at[t], gsems[t]).wait()
            pltpu.sync_copy(rows.at[t], acc.at[dst_row(j)], add=True)

            @pl.when(j + DEPTH < njt)
            def _():
                pltpu.async_copy(tab.at[idx_row(j + DEPTH)], rows.at[t], gsems[t])
        return carry

    lax.fori_loop(0, njt // DEPTH, body, 0)


@functools.partial(
    pl.kernel,
    out_type=jax.ShapeDtypeStruct((N, FIN), jnp.float32),
    mesh=_mesh(),
    compiler_params=pltpu.CompilerParams(use_tc_tiling_on_sc=False),
    scratch_types=[
        pltpu.VMEM((NJ, K), jnp.int32),
        pltpu.VMEM((K, DEGW), jnp.float32),
        pltpu.VMEM_SHARED((N, DEGW), jnp.float32),
        [pltpu.SemaphoreType.DMA] * DDEPTH,
    ],
)
def _deg(eib_hbm, ones_hbm, zeros_hbm, out_hbm, dst_v, ones_v, acc, sems):
    c = lax.axis_index("c")
    s = lax.axis_index("s")
    w = c * NS + s

    @pl.when(s == 0)
    def _():
        pltpu.sync_copy(zeros_hbm, acc)

    pltpu.sync_copy(ones_hbm, ones_v)
    pltpu.sync_copy(eib_hbm.at[1, w], dst_v)
    plsc.subcore_barrier()

    def body(j, carry):
        for t in range(DDEPTH):
            jj = j * DDEPTH + t
            pltpu.async_copy(ones_v, acc.at[dst_v.at[jj]], sems[t], add=True)

            @pl.when(jj >= DDEPTH)
            def _():
                pltpu.make_async_copy(ones_v, acc.at[dst_v.at[jj - DDEPTH]],
                                      sems[t]).wait()
        return carry

    lax.fori_loop(0, NJ // DDEPTH, body, 0)
    for t in range(DDEPTH):
        j = NJ - DDEPTH + t
        pltpu.make_async_copy(ones_v, acc.at[dst_v.at[j]],
                              sems[j % DDEPTH]).wait()
    plsc.subcore_barrier()

    @pl.when(s == 0)
    def _():
        pltpu.sync_copy(acc, out_hbm.at[:, pl.ds(DEGW * c, DEGW)])


@functools.partial(
    pl.kernel,
    out_type=jax.ShapeDtypeStruct((N, FIN), jnp.float32),
    mesh=_mesh(),
    compiler_params=pltpu.CompilerParams(use_tc_tiling_on_sc=False),
    scratch_types=[
        pltpu.VMEM((2, NJ, K), jnp.int32),
        pltpu.VMEM((2, NJ, K), jnp.int32),
        pltpu.VMEM((DEPTH, K, HH), jnp.float32),
        pltpu.VMEM_SHARED((N, HH), jnp.float32),
        [pltpu.SemaphoreType.DMA] * DEPTH,
        [pltpu.SemaphoreType.DMA] * DEPTH,
    ],
)
def _agg_split(g1v_hbm, eib_hbm, zeros_hbm, out_hbm,
               src_v, dst_v, rows, acc, gsems, ssems):
    c = lax.axis_index("c")
    s = lax.axis_index("s")

    @pl.when(s == 0)
    def _():
        pltpu.sync_copy(zeros_hbm, acc)

    pltpu.sync_copy(eib_hbm.at[0, pl.ds(2 * s, 2)], src_v)
    pltpu.sync_copy(eib_hbm.at[1, pl.ds(2 * s, 2)], dst_v)

    for q in range(2):
        def dbl(j, carry):
            for t in range(K // L):
                v = src_v[q, j, pl.ds(t * L, L)]
                src_v[q, j, pl.ds(t * L, L)] = v + v + c
            return carry

        lax.fori_loop(0, NJ, dbl, 0)
    plsc.subcore_barrier()

    for q in range(2):
        _pipelined_agg(g1v_hbm, acc,
                       lambda j: src_v.at[q, j], lambda j: dst_v.at[q, j],
                       rows, gsems, ssems, NJ)
    plsc.subcore_barrier()

    @pl.when(s == 0)
    def _():
        pltpu.sync_copy(acc, out_hbm.at[:, pl.ds(HH * c, HH)])


@functools.partial(
    pl.kernel,
    out_type=jax.ShapeDtypeStruct((N, FIN), jnp.float32),
    mesh=_mesh(),
    compiler_params=pltpu.CompilerParams(use_tc_tiling_on_sc=False),
    scratch_types=[
        pltpu.VMEM((NJ, K), jnp.int32),
        pltpu.VMEM((NJ, K), jnp.int32),
        pltpu.VMEM((DEPTH, K, CP), jnp.float32),
        pltpu.VMEM_SHARED((N, CP), jnp.float32),
        [pltpu.SemaphoreType.DMA] * DEPTH,
        [pltpu.SemaphoreType.DMA] * DEPTH,
    ],
)
def _agg_full(g_hbm, eib_hbm, zeros_hbm, out_hbm,
              src_v, dst_v, rows, acc, gsems, ssems):
    c = lax.axis_index("c")
    s = lax.axis_index("s")
    w = c * NS + s

    @pl.when(s == 0)
    def _():
        pltpu.sync_copy(zeros_hbm, acc)

    pltpu.sync_copy(eib_hbm.at[0, w], src_v)
    pltpu.sync_copy(eib_hbm.at[1, w], dst_v)
    plsc.subcore_barrier()

    _pipelined_agg(g_hbm, acc,
                   lambda j: src_v.at[j], lambda j: dst_v.at[j],
                   rows, gsems, ssems, NJ)
    plsc.subcore_barrier()

    @pl.when(s == 0)
    def _():
        pltpu.sync_copy(acc, out_hbm.at[:, pl.ds(CP * c, CP)])


def _dinv_of(dg_ref):
    d = dg_ref[:, 0:1] + dg_ref[:, 16:17] + 1.0
    return lax.rsqrt(jnp.maximum(d, 1.0))


def _mm1_body(x_ref, w_ref, dg_ref, o_ref):
    dinv = _dinv_of(dg_ref)
    o_ref[...] = jnp.dot(x_ref[...], w_ref[...],
                         preferred_element_type=jnp.float32) * dinv


def _mid_body(s1_ref, g1_ref, dg_ref, b1_ref, w2_ref, o_ref):
    dinv = _dinv_of(dg_ref)
    z = (s1_ref[...] + g1_ref[...]) * dinv + b1_ref[...]
    h = jnp.maximum(z, 0.0)
    o_ref[...] = jnp.dot(h, w2_ref[...],
                         preferred_element_type=jnp.float32) * dinv


def _fin_body(s2_ref, g2_ref, dg_ref, b2_ref, o_ref):
    dinv = _dinv_of(dg_ref)
    z = (s2_ref[:, :CP] + s2_ref[:, CP:2 * CP] + g2_ref[...]) * dinv \
        + b2_ref[...]
    col = lax.broadcasted_iota(jnp.int32, (RB, CP), 1)
    valid = col < C
    zm = jnp.where(valid, z, -jnp.inf)
    m = jnp.max(zm, axis=1, keepdims=True)
    e = jnp.where(valid, jnp.exp(z - m), 0.0)
    ssum = jnp.sum(e, axis=1, keepdims=True)
    o_ref[...] = (z - m - jnp.log(ssum))[:, :C]


def _row_spec(width):
    return pl.BlockSpec((RB, width), lambda i: (i, 0))


def _const_spec(shape):
    return pl.BlockSpec(shape, lambda i: (0,) * len(shape))


@jax.jit
def kernel(x, edge_index, W1, b1, W2, b2):
    eib = edge_index.reshape(2, NW, NJ, K)
    ones16 = jnp.ones((K, DEGW), jnp.float32)
    zeros16 = jnp.zeros((N, DEGW), jnp.float32)
    zeros64 = jnp.zeros((N, HH), jnp.float32)
    zeros48 = jnp.zeros((N, CP), jnp.float32)
    W2p = jnp.pad(W2, ((0, 0), (0, CP - C)))
    b1r = b1.reshape(1, HID)
    b2r = jnp.pad(b2, (0, CP - C)).reshape(1, CP)

    dga = _deg(eib, ones16, zeros16)
    dg_spec = _row_spec(FIN)

    g1 = pl.pallas_call(
        _mm1_body,
        grid=(N // RB,),
        in_specs=[_row_spec(FIN), _const_spec((FIN, HID)), dg_spec],
        out_specs=_row_spec(HID),
        out_shape=jax.ShapeDtypeStruct((N, HID), jnp.float32),
    )(x, W1, dga)

    s1 = _agg_split(g1.reshape(2 * N, HH), eib, zeros64)

    g2 = pl.pallas_call(
        _mid_body,
        grid=(N // RB,),
        in_specs=[_row_spec(HID), _row_spec(HID), dg_spec,
                  _const_spec((1, HID)), _const_spec((HID, CP))],
        out_specs=_row_spec(CP),
        out_shape=jax.ShapeDtypeStruct((N, CP), jnp.float32),
    )(s1, g1, dga, b1r, W2p)

    s2 = _agg_full(g2, eib, zeros48)

    out = pl.pallas_call(
        _fin_body,
        grid=(N // RB,),
        in_specs=[_row_spec(FIN), _row_spec(CP), dg_spec,
                  _const_spec((1, CP))],
        out_specs=_row_spec(C),
        out_shape=jax.ShapeDtypeStruct((N, C), jnp.float32),
    )(s2, g2, dga, b2r)

    return out

# --- scband reference (transcript-rebuilt; emitter-appended) ---
"""Pipeline reference for scband-gcn-53472342835548 (READ-ONLY COPY).

The authoritative reference and input builder live on the scoring server;
editing this copy changes nothing except your own understanding.
"""

import jax, jax.numpy as jnp
import numpy as np

N = 10000
E = 320000
F_IN = 128
HID = 128
C = 40


def setup_inputs(seed: int = 0) -> dict:
    key = jax.random.key(seed)
    k1, k2, k3, k4, k5, k6 = jax.random.split(key, 6)
    x = jax.random.normal(k1, (N, F_IN), dtype=jnp.float32)
    edge_index = jax.random.randint(k2, (2, E), 0, N, dtype=jnp.int32)
    # GCNConv parameters (glorot-ish scale)
    W1 = jax.random.normal(k3, (F_IN, HID), dtype=jnp.float32) * (1.0 / np.sqrt(F_IN))
    b1 = jnp.zeros((HID,), dtype=jnp.float32)
    W2 = jax.random.normal(k4, (HID, C), dtype=jnp.float32) * (1.0 / np.sqrt(HID))
    b2 = jnp.zeros((C,), dtype=jnp.float32)
    return {"x": x, "edge_index": edge_index, "W1": W1, "b1": b1, "W2": W2, "b2": b2}


def _gcn_conv(x, edge_index, W, b):
    # PyG GCNConv: linear transform, add self-loops, symmetric normalization,
    # scatter-add aggregation by destination node, then bias.
    src = edge_index[0]
    dst = edge_index[1]
    loop = jnp.arange(N, dtype=src.dtype)
    src = jnp.concatenate([src, loop])
    dst = jnp.concatenate([dst, loop])
    deg = jnp.zeros((N,), dtype=jnp.float32).at[dst].add(1.0)
    dinv = jax.lax.rsqrt(jnp.maximum(deg, 1.0))
    norm = dinv[src] * dinv[dst]
    h = x @ W
    msg = jnp.take(h, src, axis=0) * norm[:, None]
    out = jnp.zeros((N, W.shape[1]), dtype=jnp.float32).at[dst].add(msg)
    return out + b


def reference(x, edge_index, W1, b1, W2, b2):
    h = _gcn_conv(x, edge_index, W1, b1)
    h = jax.nn.relu(h)
    # F.dropout(p=0.4144) -> identity in deterministic eval reference
    h = _gcn_conv(h, edge_index, W2, b2)
    return jax.nn.log_softmax(h, axis=1)

if __name__ == "__main__":
    import jax
    _d = setup_inputs()
    print(jax.jit(kernel)(*tuple(_d.values())))

</pallas_src>

<mosaic_0001>
#map = affine_map<(d0, d1) -> (0, 0, 0, 0)>
#map1 = affine_map<(d0, d1) -> (0, 0)>
module attributes {stable_mosaic.version = 14 : i64} {
  func.func @_deg(%arg0: i32, %arg1: i32, %arg2: memref<2x32x125x80xi32, #tpu.memory_space<hbm>>, %arg3: memref<80x16xf32, #tpu.memory_space<hbm>>, %arg4: memref<10000x16xf32, #tpu.memory_space<hbm>>, %arg5: memref<10000x128xf32, #tpu.memory_space<hbm>>, %arg6: memref<125x80xi32, #tpu.memory_space<vmem>>, %arg7: memref<80x16xf32, #tpu.memory_space<vmem>>, %arg8: memref<10000x16xf32, #tpu.memory_space<vmem_shared>>, %arg9: memref<!tpu.dma_semaphore, #tpu.memory_space<semaphore_mem>>, %arg10: memref<!tpu.dma_semaphore, #tpu.memory_space<semaphore_mem>>, %arg11: memref<!tpu.dma_semaphore, #tpu.memory_space<semaphore_mem>>, %arg12: memref<!tpu.dma_semaphore, #tpu.memory_space<semaphore_mem>>, %arg13: memref<!tpu.dma_semaphore, #tpu.memory_space<semaphore_mem>>) attributes {dimension_semantics = [#tpu.dimension_semantics<core_parallel>, #tpu.dimension_semantics<subcore_parallel>], iteration_bounds = array<i64: 2, 16>, scalar_prefetch = 0 : i64, scratch_operands = 8 : i64, tpu.core_type = #tpu.core_type<sc_vector_subcore>, window_params = [{transform_indices = #map}, {transform_indices = #map1}, {transform_indices = #map1}, {transform_indices = #map1}]} {
    %mul3A = arith.constant 16 : i32
    %mul3A_0 = arith.muli %arg0, %mul3A : i32
    %add3A = arith.addi %mul3A_0, %arg1 : i32
    %eq3A = arith.constant 0 : i32
    %eq3A_1 = arith.cmpi eq, %arg1, %eq3A : i32
    %convert_element_type3A = arith.extui %eq3A_1 : i1 to i32
    %cond3A = arith.constant 0 : i32
    %cond3A_2 = arith.cmpi ne, %convert_element_type3A, %cond3A : i32
    scf.if %cond3A_2 {
      "tpu.region"() ({
        %run_scoped3A_48 = tpu.sem_alloc : memref<!tpu.dma_semaphore, #tpu.memory_space<semaphore_mem>>
        tpu.enqueue_dma source(%arg4 : memref<10000x16xf32, #tpu.memory_space<hbm>>) target(%arg8 : memref<10000x16xf32, #tpu.memory_space<vmem_shared>>) target_semaphore(%run_scoped3A_48 : memref<!tpu.dma_semaphore, #tpu.memory_space<semaphore_mem>>)
        tpu.wait_dma2 semaphore(%run_scoped3A_48 : memref<!tpu.dma_semaphore, #tpu.memory_space<semaphore_mem>>) src(%arg4 : memref<10000x16xf32, #tpu.memory_space<hbm>>) dst(%arg8 : memref<10000x16xf32, #tpu.memory_space<vmem_shared>>)
        tpu.yield
      }) : () -> ()
    } else {
    }
    "tpu.region"() ({
      %run_scoped3A_48 = tpu.sem_alloc : memref<!tpu.dma_semaphore, #tpu.memory_space<semaphore_mem>>
      tpu.enqueue_dma source(%arg3 : memref<80x16xf32, #tpu.memory_space<hbm>>) target(%arg7 : memref<80x16xf32, #tpu.memory_space<vmem>>) target_semaphore(%run_scoped3A_48 : memref<!tpu.dma_semaphore, #tpu.memory_space<semaphore_mem>>)
      tpu.wait_dma2 semaphore(%run_scoped3A_48 : memref<!tpu.dma_semaphore, #tpu.memory_space<semaphore_mem>>) src(%arg3 : memref<80x16xf32, #tpu.memory_space<hbm>>) dst(%arg7 : memref<80x16xf32, #tpu.memory_space<vmem>>)
      tpu.yield
    }) : () -> ()
    %run_scoped3A = arith.constant 1 : i32
    "tpu.region"() ({
      %run_scoped3A_48 = tpu.sem_alloc : memref<!tpu.dma_semaphore, #tpu.memory_space<semaphore_mem>>
      %dma_start3A = arith.constant 0 : i32
      %dma_start3A_49 = arith.constant 0 : i32
      %dma_start3A_50 = tpu.memref_slice %arg2[%run_scoped3A, %add3A, %dma_start3A, %dma_start3A_49] : memref<2x32x125x80xi32, #tpu.memory_space<hbm>> -> memref<1x1x125x80xi32, #tpu.memory_space<hbm>>
      %dma_start3A_51 = tpu.memref_squeeze %dma_start3A_50 : memref<1x1x125x80xi32, #tpu.memory_space<hbm>> -> memref<125x80xi32, #tpu.memory_space<hbm>>
      %dma_start3A_52 = arith.constant 0 : i32
      %dma_start3A_53 = arith.constant 0 : i32
      %dma_start3A_54 = tpu.memref_slice %arg2[%run_scoped3A, %add3A, %dma_start3A_52, %dma_start3A_53] : memref<2x32x125x80xi32, #tpu.memory_space<hbm>> -> memref<1x1x125x80xi32, #tpu.memory_space<hbm>>
      %dma_start3A_55 = tpu.memref_squeeze %dma_start3A_54 : memref<1x1x125x80xi32, #tpu.memory_space<hbm>> -> memref<125x80xi32, #tpu.memory_space<hbm>>
      tpu.enqueue_dma source(%dma_start3A_55 : memref<125x80xi32, #tpu.memory_space<hbm>>) target(%arg6 : memref<125x80xi32, #tpu.memory_space<vmem>>) target_semaphore(%run_scoped3A_48 : memref<!tpu.dma_semaphore, #tpu.memory_space<semaphore_mem>>)
      %dma_wait3A_56 = arith.constant 0 : i32
      %dma_wait3A_57 = arith.constant 0 : i32
      %dma_wait3A_58 = tpu.memref_slice %arg2[%run_scoped3A, %add3A, %dma_wait3A_56, %dma_wait3A_57] : memref<2x32x125x80xi32, #tpu.memory_space<hbm>> -> memref<1x1x125x80xi32, #tpu.memory_space<hbm>>
      %dma_wait3A_59 = tpu.memref_squeeze %dma_wait3A_58 : memref<1x1x125x80xi32, #tpu.memory_space<hbm>> -> memref<125x80xi32, #tpu.memory_space<hbm>>
      %dma_wait3A_60 = arith.constant 0 : i32
      %dma_wait3A_61 = arith.constant 0 : i32
      %dma_wait3A_62 = tpu.memref_slice %arg2[%run_scoped3A, %add3A, %dma_wait3A_60, %dma_wait3A_61] : memref<2x32x125x80xi32, #tpu.memory_space<hbm>> -> memref<1x1x125x80xi32, #tpu.memory_space<hbm>>
      %dma_wait3A_63 = tpu.memref_squeeze %dma_wait3A_62 : memref<1x1x125x80xi32, #tpu.memory_space<hbm>> -> memref<125x80xi32, #tpu.memory_space<hbm>>
      tpu.wait_dma2 semaphore(%run_scoped3A_48 : memref<!tpu.dma_semaphore, #tpu.memory_space<semaphore_mem>>) src(%dma_wait3A_63 : memref<125x80xi32, #tpu.memory_space<hbm>>) dst(%arg6 : memref<125x80xi32, #tpu.memory_space<vmem>>)
      tpu.yield
    }) : () -> ()
    %barrier3A = arith.constant 0 : index
    tpu.barrier barrier_id(%barrier3A)
    %scan3A = arith.constant 0 : i32
    %scan3A_3 = arith.constant 0 : i32
    %scan3A_4 = arith.constant 25 : i32
    %scan3A_5 = arith.addi %scan3A_3, %scan3A_4 : i32
    %scan3A_6 = arith.constant 1 : i32
    scf.for %scan3A_48 = %scan3A_3 to %scan3A_5 step %scan3A_6  : i32 {
      %mul3A_49 = arith.constant 5 : i32
      %mul3A_50 = arith.muli %scan3A_48, %mul3A_49 : i32
      %add3A_51 = arith.constant 0 : i32
      %add3A_52 = arith.addi %mul3A_50, %add3A_51 : i32
      %dma_start3A = arith.constant 0 : i32
      %dma_start3A_53 = tpu.memref_slice %arg6[%add3A_52, %dma_start3A] : memref<125x80xi32, #tpu.memory_space<vmem>> -> memref<1x80xi32, #tpu.memory_space<vmem>>
      %dma_start3A_54 = tpu.memref_squeeze %dma_start3A_53 : memref<1x80xi32, #tpu.memory_space<vmem>> -> memref<80xi32, #tpu.memory_space<vmem>>
      %dma_start3A_55 = arith.constant 0 : i32
      %dma_start3A_56 = arith.constant 0 : i32
      %dma_start3A_57 = tpu.memref_slice %arg8[%dma_start3A_55, %dma_start3A_56] : memref<10000x16xf32, #tpu.memory_space<vmem_shared>> -> memref<10000x16xf32, #tpu.memory_space<vmem_shared>>
      tpu.enqueue_indirect_dma source(%arg7 : memref<80x16xf32, #tpu.memory_space<vmem>>) target(%dma_start3A_57 : memref<10000x16xf32, #tpu.memory_space<vmem_shared>>) offsets(%dma_start3A_54 : memref<80xi32, #tpu.memory_space<vmem>>) semaphore(%arg9 : memref<!tpu.dma_semaphore, #tpu.memory_space<semaphore_mem>>) {add = true}
      %ge3A = arith.constant 5 : i32
      %ge3A_58 = arith.cmpi sge, %add3A_52, %ge3A : i32
      %convert_element_type3A_59 = arith.extui %ge3A_58 : i1 to i32
      %cond3A_60 = arith.constant 0 : i32
      %cond3A_61 = arith.cmpi ne, %convert_element_type3A_59, %cond3A_60 : i32
      scf.if %cond3A_61 {
        %sub3A = arith.constant 5 : i32
        %sub3A_122 = arith.subi %add3A_52, %sub3A : i32
        %dma_wait3A_123 = arith.constant 0 : i32
        %dma_wait3A_124 = tpu.memref_slice %arg6[%sub3A_122, %dma_wait3A_123] : memref<125x80xi32, #tpu.memory_space<vmem>> -> memref<1x80xi32, #tpu.memory_space<vmem>>
        %dma_wait3A_125 = tpu.memref_squeeze %dma_wait3A_124 : memref<1x80xi32, #tpu.memory_space<vmem>> -> memref<80xi32, #tpu.memory_space<vmem>>
        %dma_wait3A_126 = arith.constant 0 : i32
        %dma_wait3A_127 = arith.constant 0 : i32
        %dma_wait3A_128 = tpu.memref_slice %arg8[%dma_wait3A_126, %dma_wait3A_127] : memref<10000x16xf32, #tpu.memory_space<vmem_shared>> -> memref<10000x16xf32, #tpu.memory_space<vmem_shared>>
        tpu.wait_indirect_dma semaphore(%arg9 : memref<!tpu.dma_semaphore, #tpu.memory_space<semaphore_mem>>) src(%arg7 : memref<80x16xf32, #tpu.memory_space<vmem>>) dst(%dma_wait3A_128 : memref<10000x16xf32, #tpu.memory_space<vmem_shared>>)
      } else {
      }
      %mul3A_62 = arith.constant 5 : i32
      %mul3A_63 = arith.muli %scan3A_48, %mul3A_62 : i32
      %add3A_64 = arith.constant 1 : i32
      %add3A_65 = arith.addi %mul3A_63, %add3A_64 : i32
      %dma_start3A_66 = arith.constant 0 : i32
      %dma_start3A_67 = tpu.memref_slice %arg6[%add3A_65, %dma_start3A_66] : memref<125x80xi32, #tpu.memory_space<vmem>> -> memref<1x80xi32, #tpu.memory_space<vmem>>
      %dma_start3A_68 = tpu.memref_squeeze %dma_start3A_67 : memref<1x80xi32, #tpu.memory_space<vmem>> -> memref<80xi32, #tpu.memory_space<vmem>>
      %dma_start3A_69 = arith.constant 0 : i32
      %dma_start3A_70 = arith.constant 0 : i32
      %dma_start3A_71 = tpu.memref_slice %arg8[%dma_start3A_69, %dma_start3A_70] : memref<10000x16xf32, #tpu.memory_space<vmem_shared>> -> memref<10000x16xf32, #tpu.memory_space<vmem_shared>>
      tpu.enqueue_indirect_dma source(%arg7 : memref<80x16xf32, #tpu.memory_space<vmem>>) target(%dma_start3A_71 : memref<10000x16xf32, #tpu.memory_space<vmem_shared>>) offsets(%dma_start3A_68 : memref<80xi32, #tpu.memory_space<vmem>>) semaphore(%arg10 : memref<!tpu.dma_semaphore, #tpu.memory_space<semaphore_mem>>) {add = true}
      %ge3A_72 = arith.constant 5 : i32
      %ge3A_73 = arith.cmpi sge, %add3A_65, %ge3A_72 : i32
      %convert_element_type3A_74 = arith.extui %ge3A_73 : i1 to i32
      %cond3A_75 = arith.constant 0 : i32
      %cond3A_76 = arith.cmpi ne, %convert_element_type3A_74, %cond3A_75 : i32
      scf.if %cond3A_76 {
        %sub3A = arith.constant 5 : i32
        %sub3A_122 = arith.subi %add3A_65, %sub3A : i32
        %dma_wait3A_123 = arith.constant 0 : i32
        %dma_wait3A_124 = tpu.memref_slice %arg6[%sub3A_122, %dma_wait3A_123] : memref<125x80xi32, #tpu.memory_space<vmem>> -> memref<1x80xi32, #tpu.memory_space<vmem>>
        %dma_wait3A_125 = tpu.memref_squeeze %dma_wait3A_124 : memref<1x80xi32, #tpu.memory_space<vmem>> -> memref<80xi32, #tpu.memory_space<vmem>>
        %dma_wait3A_126 = arith.constant 0 : i32
        %dma_wait3A_127 = arith.constant 0 : i32
        %dma_wait3A_128 = tpu.memref_slice %arg8[%dma_wait3A_126, %dma_wait3A_127] : memref<10000x16xf32, #tpu.memory_space<vmem_shared>> -> memref<10000x16xf32, #tpu.memory_space<vmem_shared>>
        tpu.wait_indirect_dma semaphore(%arg10 : memref<!tpu.dma_semaphore, #tpu.memory_space<semaphore_mem>>) src(%arg7 : memref<80x16xf32, #tpu.memory_space<vmem>>) dst(%dma_wait3A_128 : memref<10000x16xf32, #tpu.memory_space<vmem_shared>>)
      } else {
      }
      %mul3A_77 = arith.constant 5 : i32
      %mul3A_78 = arith.muli %scan3A_48, %mul3A_77 : i32
      %add3A_79 = arith.constant 2 : i32
      %add3A_80 = arith.addi %mul3A_78, %add3A_79 : i32
      %dma_start3A_81 = arith.constant 0 : i32
      %dma_start3A_82 = tpu.memref_slice %arg6[%add3A_80, %dma_start3A_81] : memref<125x80xi32, #tpu.memory_space<vmem>> -> memref<1x80xi32, #tpu.memory_space<vmem>>
      %dma_start3A_83 = tpu.memref_squeeze %dma_start3A_82 : memref<1x80xi32, #tpu.memory_space<vmem>> -> memref<80xi32, #tpu.memory_space<vmem>>
      %dma_start3A_84 = arith.constant 0 : i32
      %dma_start3A_85 = arith.constant 0 : i32
      %dma_start3A_86 = tpu.memref_slice %arg8[%dma_start3A_84, %dma_start3A_85] : memref<10000x16xf32, #tpu.memory_space<vmem_shared>> -> memref<10000x16xf32, #tpu.memory_space<vmem_shared>>
      tpu.enqueue_indirect_dma source(%arg7 : memref<80x16xf32, #tpu.memory_space<vmem>>) target(%dma_start3A_86 : memref<10000x16xf32, #tpu.memory_space<vmem_shared>>) offsets(%dma_start3A_83 : memref<80xi32, #tpu.memory_space<vmem>>) semaphore(%arg11 : memref<!tpu.dma_semaphore, #tpu.memory_space<semaphore_mem>>) {add = true}
      %ge3A_87 = arith.constant 5 : i32
      %ge3A_88 = arith.cmpi sge, %add3A_80, %ge3A_87 : i32
      %convert_element_type3A_89 = arith.extui %ge3A_88 : i1 to i32
      %cond3A_90 = arith.constant 0 : i32
      %cond3A_91 = arith.cmpi ne, %convert_element_type3A_89, %cond3A_90 : i32
      scf.if %cond3A_91 {
        %sub3A = arith.constant 5 : i32
        %sub3A_122 = arith.subi %add3A_80, %sub3A : i32
        %dma_wait3A_123 = arith.constant 0 : i32
        %dma_wait3A_124 = tpu.memref_slice %arg6[%sub3A_122, %dma_wait3A_123] : memref<125x80xi32, #tpu.memory_space<vmem>> -> memref<1x80xi32, #tpu.memory_space<vmem>>
        %dma_wait3A_125 = tpu.memref_squeeze %dma_wait3A_124 : memref<1x80xi32, #tpu.memory_space<vmem>> -> memref<80xi32, #tpu.memory_space<vmem>>
        %dma_wait3A_126 = arith.constant 0 : i32
        %dma_wait3A_127 = arith.constant 0 : i32
        %dma_wait3A_128 = tpu.memref_slice %arg8[%dma_wait3A_126, %dma_wait3A_127] : memref<10000x16xf32, #tpu.memory_space<vmem_shared>> -> memref<10000x16xf32, #tpu.memory_space<vmem_shared>>
        tpu.wait_indirect_dma semaphore(%arg11 : memref<!tpu.dma_semaphore, #tpu.memory_space<semaphore_mem>>) src(%arg7 : memref<80x16xf32, #tpu.memory_space<vmem>>) dst(%dma_wait3A_128 : memref<10000x16xf32, #tpu.memory_space<vmem_shared>>)
      } else {
      }
      %mul3A_92 = arith.constant 5 : i32
      %mul3A_93 = arith.muli %scan3A_48, %mul3A_92 : i32
      %add3A_94 = arith.constant 3 : i32
      %add3A_95 = arith.addi %mul3A_93, %add3A_94 : i32
      %dma_start3A_96 = arith.constant 0 : i32
      %dma_start3A_97 = tpu.memref_slice %arg6[%add3A_95, %dma_start3A_96] : memref<125x80xi32, #tpu.memory_space<vmem>> -> memref<1x80xi32, #tpu.memory_space<vmem>>
      %dma_start3A_98 = tpu.memref_squeeze %dma_start3A_97 : memref<1x80xi32, #tpu.memory_space<vmem>> -> memref<80xi32, #tpu.memory_space<vmem>>
      %dma_start3A_99 = arith.constant 0 : i32
      %dma_start3A_100 = arith.constant 0 : i32
      %dma_start3A_101 = tpu.memref_slice %arg8[%dma_start3A_99, %dma_start3A_100] : memref<10000x16xf32, #tpu.memory_space<vmem_shared>> -> memref<10000x16xf32, #tpu.memory_space<vmem_shared>>
      tpu.enqueue_indirect_dma source(%arg7 : memref<80x16xf32, #tpu.memory_space<vmem>>) target(%dma_start3A_101 : memref<10000x16xf32, #tpu.memory_space<vmem_shared>>) offsets(%dma_start3A_98 : memref<80xi32, #tpu.memory_space<vmem>>) semaphore(%arg12 : memref<!tpu.dma_semaphore, #tpu.memory_space<semaphore_mem>>) {add = true}
      %ge3A_102 = arith.constant 5 : i32
      %ge3A_103 = arith.cmpi sge, %add3A_95, %ge3A_102 : i32
      %convert_element_type3A_104 = arith.extui %ge3A_103 : i1 to i32
      %cond3A_105 = arith.constant 0 : i32
      %cond3A_106 = arith.cmpi ne, %convert_element_type3A_104, %cond3A_105 : i32
      scf.if %cond3A_106 {
        %sub3A = arith.constant 5 : i32
        %sub3A_122 = arith.subi %add3A_95, %sub3A : i32
        %dma_wait3A_123 = arith.constant 0 : i32
        %dma_wait3A_124 = tpu.memref_slice %arg6[%sub3A_122, %dma_wait3A_123] : memref<125x80xi32, #tpu.memory_space<vmem>> -> memref<1x80xi32, #tpu.memory_space<vmem>>
        %dma_wait3A_125 = tpu.memref_squeeze %dma_wait3A_124 : memref<1x80xi32, #tpu.memory_space<vmem>> -> memref<80xi32, #tpu.memory_space<vmem>>
        %dma_wait3A_126 = arith.constant 0 : i32
        %dma_wait3A_127 = arith.constant 0 : i32
        %dma_wait3A_128 = tpu.memref_slice %arg8[%dma_wait3A_126, %dma_wait3A_127] : memref<10000x16xf32, #tpu.memory_space<vmem_shared>> -> memref<10000x16xf32, #tpu.memory_space<vmem_shared>>
        tpu.wait_indirect_dma semaphore(%arg12 : memref<!tpu.dma_semaphore, #tpu.memory_space<semaphore_mem>>) src(%arg7 : memref<80x16xf32, #tpu.memory_space<vmem>>) dst(%dma_wait3A_128 : memref<10000x16xf32, #tpu.memory_space<vmem_shared>>)
      } else {
      }
      %mul3A_107 = arith.constant 5 : i32
      %mul3A_108 = arith.muli %scan3A_48, %mul3A_107 : i32
      %add3A_109 = arith.constant 4 : i32
      %add3A_110 = arith.addi %mul3A_108, %add3A_109 : i32
      %dma_start3A_111 = arith.constant 0 : i32
      %dma_start3A_112 = tpu.memref_slice %arg6[%add3A_110, %dma_start3A_111] : memref<125x80xi32, #tpu.memory_space<vmem>> -> memref<1x80xi32, #tpu.memory_space<vmem>>
      %dma_start3A_113 = tpu.memref_squeeze %dma_start3A_112 : memref<1x80xi32, #tpu.memory_space<vmem>> -> memref<80xi32, #tpu.memory_space<vmem>>
      %dma_start3A_114 = arith.constant 0 : i32
      %dma_start3A_115 = arith.constant 0 : i32
      %dma_start3A_116 = tpu.memref_slice %arg8[%dma_start3A_114, %dma_start3A_115] : memref<10000x16xf32, #tpu.memory_space<vmem_shared>> -> memref<10000x16xf32, #tpu.memory_space<vmem_shared>>
      tpu.enqueue_indirect_dma source(%arg7 : memref<80x16xf32, #tpu.memory_space<vmem>>) target(%dma_start3A_116 : memref<10000x16xf32, #tpu.memory_space<vmem_shared>>) offsets(%dma_start3A_113 : memref<80xi32, #tpu.memory_space<vmem>>) semaphore(%arg13 : memref<!tpu.dma_semaphore, #tpu.memory_space<semaphore_mem>>) {add = true}
      %ge3A_117 = arith.constant 5 : i32
      %ge3A_118 = arith.cmpi sge, %add3A_110, %ge3A_117 : i32
      %convert_element_type3A_119 = arith.extui %ge3A_118 : i1 to i32
      %cond3A_120 = arith.constant 0 : i32
      %cond3A_121 = arith.cmpi ne, %convert_element_type3A_119, %cond3A_120 : i32
      scf.if %cond3A_121 {
        %sub3A = arith.constant 5 : i32
        %sub3A_122 = arith.subi %add3A_110, %sub3A : i32
        %dma_wait3A_123 = arith.constant 0 : i32
        %dma_wait3A_124 = tpu.memref_slice %arg6[%sub3A_122, %dma_wait3A_123] : memref<125x80xi32, #tpu.memory_space<vmem>> -> memref<1x80xi32, #tpu.memory_space<vmem>>
        %dma_wait3A_125 = tpu.memref_squeeze %dma_wait3A_124 : memref<1x80xi32, #tpu.memory_space<vmem>> -> memref<80xi32, #tpu.memory_space<vmem>>
        %dma_wait3A_126 = arith.constant 0 : i32
        %dma_wait3A_127 = arith.constant 0 : i32
        %dma_wait3A_128 = tpu.memref_slice %arg8[%dma_wait3A_126, %dma_wait3A_127] : memref<10000x16xf32, #tpu.memory_space<vmem_shared>> -> memref<10000x16xf32, #tpu.memory_space<vmem_shared>>
        tpu.wait_indirect_dma semaphore(%arg13 : memref<!tpu.dma_semaphore, #tpu.memory_space<semaphore_mem>>) src(%arg7 : memref<80x16xf32, #tpu.memory_space<vmem>>) dst(%dma_wait3A_128 : memref<10000x16xf32, #tpu.memory_space<vmem_shared>>)
      } else {
      }
    }
    %scan3A_7 = arith.constant 25 : i32
    %dma_wait3A = arith.constant 120 : i32
    %dma_wait3A_8 = arith.constant 0 : i32
    %dma_wait3A_9 = tpu.memref_slice %arg6[%dma_wait3A, %dma_wait3A_8] : memref<125x80xi32, #tpu.memory_space<vmem>> -> memref<1x80xi32, #tpu.memory_space<vmem>>
    %dma_wait3A_10 = tpu.memref_squeeze %dma_wait3A_9 : memref<1x80xi32, #tpu.memory_space<vmem>> -> memref<80xi32, #tpu.memory_space<vmem>>
    %dma_wait3A_11 = arith.constant 0 : i32
    %dma_wait3A_12 = arith.constant 0 : i32
    %dma_wait3A_13 = tpu.memref_slice %arg8[%dma_wait3A_11, %dma_wait3A_12] : memref<10000x16xf32, #tpu.memory_space<vmem_shared>> -> memref<10000x16xf32, #tpu.memory_space<vmem_shared>>
    tpu.wait_indirect_dma semaphore(%arg9 : memref<!tpu.dma_semaphore, #tpu.memory_space<semaphore_mem>>) src(%arg7 : memref<80x16xf32, #tpu.memory_space<vmem>>) dst(%dma_wait3A_13 : memref<10000x16xf32, #tpu.memory_space<vmem_shared>>)
    %dma_wait3A_14 = arith.constant 121 : i32
    %dma_wait3A_15 = arith.constant 0 : i32
    %dma_wait3A_16 = tpu.memref_slice %arg6[%dma_wait3A_14, %dma_wait3A_15] : memref<125x80xi32, #tpu.memory_space<vmem>> -> memref<1x80xi32, #tpu.memory_space<vmem>>
    %dma_wait3A_17 = tpu.memref_squeeze %dma_wait3A_16 : memref<1x80xi32, #tpu.memory_space<vmem>> -> memref<80xi32, #tpu.memory_space<vmem>>
    %dma_wait3A_18 = arith.constant 0 : i32
    %dma_wait3A_19 = arith.constant 0 : i32
    %dma_wait3A_20 = tpu.memref_slice %arg8[%dma_wait3A_18, %dma_wait3A_19] : memref<10000x16xf32, #tpu.memory_space<vmem_shared>> -> memref<10000x16xf32, #tpu.memory_space<vmem_shared>>
    tpu.wait_indirect_dma semaphore(%arg10 : memref<!tpu.dma_semaphore, #tpu.memory_space<semaphore_mem>>) src(%arg7 : memref<80x16xf32, #tpu.memory_space<vmem>>) dst(%dma_wait3A_20 : memref<10000x16xf32, #tpu.memory_space<vmem_shared>>)
    %dma_wait3A_21 = arith.constant 122 : i32
    %dma_wait3A_22 = arith.constant 0 : i32
    %dma_wait3A_23 = tpu.memref_slice %arg6[%dma_wait3A_21, %dma_wait3A_22] : memref<125x80xi32, #tpu.memory_space<vmem>> -> memref<1x80xi32, #tpu.memory_space<vmem>>
    %dma_wait3A_24 = tpu.memref_squeeze %dma_wait3A_23 : memref<1x80xi32, #tpu.memory_space<vmem>> -> memref<80xi32, #tpu.memory_space<vmem>>
    %dma_wait3A_25 = arith.constant 0 : i32
    %dma_wait3A_26 = arith.constant 0 : i32
    %dma_wait3A_27 = tpu.memref_slice %arg8[%dma_wait3A_25, %dma_wait3A_26] : memref<10000x16xf32, #tpu.memory_space<vmem_shared>> -> memref<10000x16xf32, #tpu.memory_space<vmem_shared>>
    tpu.wait_indirect_dma semaphore(%arg11 : memref<!tpu.dma_semaphore, #tpu.memory_space<semaphore_mem>>) src(%arg7 : memref<80x16xf32, #tpu.memory_space<vmem>>) dst(%dma_wait3A_27 : memref<10000x16xf32, #tpu.memory_space<vmem_shared>>)
    %dma_wait3A_28 = arith.constant 123 : i32
    %dma_wait3A_29 = arith.constant 0 : i32
    %dma_wait3A_30 = tpu.memref_slice %arg6[%dma_wait3A_28, %dma_wait3A_29] : memref<125x80xi32, #tpu.memory_space<vmem>> -> memref<1x80xi32, #tpu.memory_space<vmem>>
    %dma_wait3A_31 = tpu.memref_squeeze %dma_wait3A_30 : memref<1x80xi32, #tpu.memory_space<vmem>> -> memref<80xi32, #tpu.memory_space<vmem>>
    %dma_wait3A_32 = arith.constant 0 : i32
    %dma_wait3A_33 = arith.constant 0 : i32
    %dma_wait3A_34 = tpu.memref_slice %arg8[%dma_wait3A_32, %dma_wait3A_33] : memref<10000x16xf32, #tpu.memory_space<vmem_shared>> -> memref<10000x16xf32, #tpu.memory_space<vmem_shared>>
    tpu.wait_indirect_dma semaphore(%arg12 : memref<!tpu.dma_semaphore, #tpu.memory_space<semaphore_mem>>) src(%arg7 : memref<80x16xf32, #tpu.memory_space<vmem>>) dst(%dma_wait3A_34 : memref<10000x16xf32, #tpu.memory_space<vmem_shared>>)
    %dma_wait3A_35 = arith.constant 124 : i32
    %dma_wait3A_36 = arith.constant 0 : i32
    %dma_wait3A_37 = tpu.memref_slice %arg6[%dma_wait3A_35, %dma_wait3A_36] : memref<125x80xi32, #tpu.memory_space<vmem>> -> memref<1x80xi32, #tpu.memory_space<vmem>>
    %dma_wait3A_38 = tpu.memref_squeeze %dma_wait3A_37 : memref<1x80xi32, #tpu.memory_space<vmem>> -> memref<80xi32, #tpu.memory_space<vmem>>
    %dma_wait3A_39 = arith.constant 0 : i32
    %dma_wait3A_40 = arith.constant 0 : i32
    %dma_wait3A_41 = tpu.memref_slice %arg8[%dma_wait3A_39, %dma_wait3A_40] : memref<10000x16xf32, #tpu.memory_space<vmem_shared>> -> memref<10000x16xf32, #tpu.memory_space<vmem_shared>>
    tpu.wait_indirect_dma semaphore(%arg13 : memref<!tpu.dma_semaphore, #tpu.memory_space<semaphore_mem>>) src(%arg7 : memref<80x16xf32, #tpu.memory_space<vmem>>) dst(%dma_wait3A_41 : memref<10000x16xf32, #tpu.memory_space<vmem_shared>>)
    %barrier3A_42 = arith.constant 0 : index
    tpu.barrier barrier_id(%barrier3A_42)
    %eq3A_43 = arith.constant 0 : i32
    %eq3A_44 = arith.cmpi eq, %arg1, %eq3A_43 : i32
    %convert_element_type3A_45 = arith.extui %eq3A_44 : i1 to i32
    %cond3A_46 = arith.constant 0 : i32
    %cond3A_47 = arith.cmpi ne, %convert_element_type3A_45, %cond3A_46 : i32
    scf.if %cond3A_47 {
      %mul3A_48 = arith.constant 16 : i32
      %mul3A_49 = arith.muli %mul3A_48, %arg0 : i32
      "tpu.region"() ({
        %run_scoped3A_50 = tpu.sem_alloc : memref<!tpu.dma_semaphore, #tpu.memory_space<semaphore_mem>>
        %dma_start3A = arith.constant 0 : i32
        %dma_start3A_51 = tpu.memref_slice %arg5[%dma_start3A, %mul3A_49] : memref<10000x128xf32, #tpu.memory_space<hbm>> -> memref<10000x16xf32, #tpu.memory_space<hbm>>
        tpu.enqueue_dma source(%arg8 : memref<10000x16xf32, #tpu.memory_space<vmem_shared>>) target(%dma_start3A_51 : memref<10000x16xf32, #tpu.memory_space<hbm>>) target_semaphore(%run_scoped3A_50 : memref<!tpu.dma_semaphore, #tpu.memory_space<semaphore_mem>>)
        %dma_wait3A_52 = arith.constant 0 : i32
        %dma_wait3A_53 = tpu.memref_slice %arg5[%dma_wait3A_52, %mul3A_49] : memref<10000x128xf32, #tpu.memory_space<hbm>> -> memref<10000x16xf32, #tpu.memory_space<hbm>>
        tpu.wait_dma2 semaphore(%run_scoped3A_50 : memref<!tpu.dma_semaphore, #tpu.memory_space<semaphore_mem>>) src(%arg8 : memref<10000x16xf32, #tpu.memory_space<vmem_shared>>) dst(%dma_wait3A_53 : memref<10000x16xf32, #tpu.memory_space<hbm>>)
        tpu.yield
      }) : () -> ()
    } else {
    }
    return
  }
}

#map = affine_map<(d0, d1) -> (0, 0)>
#map1 = affine_map<(d0, d1) -> (0, 0, 0, 0)>
module attributes {stable_mosaic.version = 14 : i64} {
  func.func @_agg_split(%arg0: i32, %arg1: i32, %arg2: memref<20000x64xf32, #tpu.memory_space<hbm>>, %arg3: memref<2x32x125x80xi32, #tpu.memory_space<hbm>>, %arg4: memref<10000x64xf32, #tpu.memory_space<hbm>>, %arg5: memref<10000x128xf32, #tpu.memory_space<hbm>>, %arg6: memref<2x125x80xi32, #tpu.memory_space<vmem>>, %arg7: memref<2x125x80xi32, #tpu.memory_space<vmem>>, %arg8: memref<5x80x64xf32, #tpu.memory_space<vmem>>, %arg9: memref<10000x64xf32, #tpu.memory_space<vmem_shared>>, %arg10: memref<!tpu.dma_semaphore, #tpu.memory_space<semaphore_mem>>, %arg11: memref<!tpu.dma_semaphore, #tpu.memory_space<semaphore_mem>>, %arg12: memref<!tpu.dma_semaphore, #tpu.memory_space<semaphore_mem>>, %arg13: memref<!tpu.dma_semaphore, #tpu.memory_space<semaphore_mem>>, %arg14: memref<!tpu.dma_semaphore, #tpu.memory_space<semaphore_mem>>, %arg15: memref<!tpu.dma_semaphore, #tpu.memory_space<semaphore_mem>>, %arg16: memref<!tpu.dma_semaphore, #tpu.memory_space<semaphore_mem>>, %arg17: memref<!tpu.dma_semaphore, #tpu.memory_space<semaphore_mem>>, %arg18: memref<!tpu.dma_semaphore, #tpu.memory_space<semaphore_mem>>, %arg19: memref<!tpu.dma_semaphore, #tpu.memory_space<semaphore_mem>>) attributes {dimension_semantics = [#tpu.dimension_semantics<core_parallel>, #tpu.dimension_semantics<subcore_parallel>], iteration_bounds = array<i64: 2, 16>, scalar_prefetch = 0 : i64, scratch_operands = 14 : i64, tpu.core_type = #tpu.core_type<sc_vector_subcore>, window_params = [{transform_indices = #map}, {transform_indices = #map1}, {transform_indices = #map}, {transform_indices = #map}]} {
    %eq3A = arith.constant 0 : i32
    %eq3A_0 = arith.cmpi eq, %arg1, %eq3A : i32
    %convert_element_type3A = arith.extui %eq3A_0 : i1 to i32
    %cond3A = arith.constant 0 : i32
    %cond3A_1 = arith.cmpi ne, %convert_element_type3A, %cond3A : i32
    scf.if %cond3A_1 {
      "tpu.region"() ({
        %run_scoped3A_164 = tpu.sem_alloc : memref<!tpu.dma_semaphore, #tpu.memory_space<semaphore_mem>>
        tpu.enqueue_dma source(%arg4 : memref<10000x64xf32, #tpu.memory_space<hbm>>) target(%arg9 : memref<10000x64xf32, #tpu.memory_space<vmem_shared>>) target_semaphore(%run_scoped3A_164 : memref<!tpu.dma_semaphore, #tpu.memory_space<semaphore_mem>>)
        tpu.wait_dma2 semaphore(%run_scoped3A_164 : memref<!tpu.dma_semaphore, #tpu.memory_space<semaphore_mem>>) src(%arg4 : memref<10000x64xf32, #tpu.memory_space<hbm>>) dst(%arg9 : memref<10000x64xf32, #tpu.memory_space<vmem_shared>>)
        tpu.yield
      }) : () -> ()
    } else {
    }
    %mul3A = arith.constant 2 : i32
    %mul3A_2 = arith.muli %mul3A, %arg1 : i32
    %run_scoped3A = arith.constant 0 : i32
    "tpu.region"() ({
      %run_scoped3A_164 = tpu.sem_alloc : memref<!tpu.dma_semaphore, #tpu.memory_space<semaphore_mem>>
      %dma_start3A_165 = arith.constant 0 : i32
      %dma_start3A_166 = arith.constant 0 : i32
      %dma_start3A_167 = tpu.memref_slice %arg3[%run_scoped3A, %mul3A_2, %dma_start3A_165, %dma_start3A_166] : memref<2x32x125x80xi32, #tpu.memory_space<hbm>> -> memref<1x2x125x80xi32, #tpu.memory_space<hbm>>
      %dma_start3A_168 = tpu.memref_squeeze %dma_start3A_167 : memref<1x2x125x80xi32, #tpu.memory_space<hbm>> -> memref<2x125x80xi32, #tpu.memory_space<hbm>>
      %dma_start3A_169 = arith.constant 0 : i32
      %dma_start3A_170 = arith.constant 0 : i32
      %dma_start3A_171 = tpu.memref_slice %arg3[%run_scoped3A, %mul3A_2, %dma_start3A_169, %dma_start3A_170] : memref<2x32x125x80xi32, #tpu.memory_space<hbm>> -> memref<1x2x125x80xi32, #tpu.memory_space<hbm>>
      %dma_start3A_172 = tpu.memref_squeeze %dma_start3A_171 : memref<1x2x125x80xi32, #tpu.memory_space<hbm>> -> memref<2x125x80xi32, #tpu.memory_space<hbm>>
      tpu.enqueue_dma source(%dma_start3A_172 : memref<2x125x80xi32, #tpu.memory_space<hbm>>) target(%arg6 : memref<2x125x80xi32, #tpu.memory_space<vmem>>) target_semaphore(%run_scoped3A_164 : memref<!tpu.dma_semaphore, #tpu.memory_space<semaphore_mem>>)
      %dma_wait3A = arith.constant 0 : i32
      %dma_wait3A_173 = arith.constant 0 : i32
      %dma_wait3A_174 = tpu.memref_slice %arg3[%run_scoped3A, %mul3A_2, %dma_wait3A, %dma_wait3A_173] : memref<2x32x125x80xi32, #tpu.memory_space<hbm>> -> memref<1x2x125x80xi32, #tpu.memory_space<hbm>>
      %dma_wait3A_175 = tpu.memref_squeeze %dma_wait3A_174 : memref<1x2x125x80xi32, #tpu.memory_space<hbm>> -> memref<2x125x80xi32, #tpu.memory_space<hbm>>
      %dma_wait3A_176 = arith.constant 0 : i32
      %dma_wait3A_177 = arith.constant 0 : i32
      %dma_wait3A_178 = tpu.memref_slice %arg3[%run_scoped3A, %mul3A_2, %dma_wait3A_176, %dma_wait3A_177] : memref<2x32x125x80xi32, #tpu.memory_space<hbm>> -> memref<1x2x125x80xi32, #tpu.memory_space<hbm>>
      %dma_wait3A_179 = tpu.memref_squeeze %dma_wait3A_178 : memref<1x2x125x80xi32, #tpu.memory_space<hbm>> -> memref<2x125x80xi32, #tpu.memory_space<hbm>>
      tpu.wait_dma2 semaphore(%run_scoped3A_164 : memref<!tpu.dma_semaphore, #tpu.memory_space<semaphore_mem>>) src(%dma_wait3A_179 : memref<2x125x80xi32, #tpu.memory_space<hbm>>) dst(%arg6 : memref<2x125x80xi32, #tpu.memory_space<vmem>>)
      tpu.yield
    }) : () -> ()
    %mul3A_3 = arith.constant 2 : i32
    %mul3A_4 = arith.muli %mul3A_3, %arg1 : i32
    %run_scoped3A_5 = arith.constant 1 : i32
    "tpu.region"() ({
      %run_scoped3A_164 = tpu.sem_alloc : memref<!tpu.dma_semaphore, #tpu.memory_space<semaphore_mem>>
      %dma_start3A_165 = arith.constant 0 : i32
      %dma_start3A_166 = arith.constant 0 : i32
      %dma_start3A_167 = tpu.memref_slice %arg3[%run_scoped3A_5, %mul3A_4, %dma_start3A_165, %dma_start3A_166] : memref<2x32x125x80xi32, #tpu.memory_space<hbm>> -> memref<1x2x125x80xi32, #tpu.memory_space<hbm>>
      %dma_start3A_168 = tpu.memref_squeeze %dma_start3A_167 : memref<1x2x125x80xi32, #tpu.memory_space<hbm>> -> memref<2x125x80xi32, #tpu.memory_space<hbm>>
      %dma_start3A_169 = arith.constant 0 : i32
      %dma_start3A_170 = arith.constant 0 : i32
      %dma_start3A_171 = tpu.memref_slice %arg3[%run_scoped3A_5, %mul3A_4, %dma_start3A_169, %dma_start3A_170] : memref<2x32x125x80xi32, #tpu.memory_space<hbm>> -> memref<1x2x125x80xi32, #tpu.memory_space<hbm>>
      %dma_start3A_172 = tpu.memref_squeeze %dma_start3A_171 : memref<1x2x125x80xi32, #tpu.memory_space<hbm>> -> memref<2x125x80xi32, #tpu.memory_space<hbm>>
      tpu.enqueue_dma source(%dma_start3A_172 : memref<2x125x80xi32, #tpu.memory_space<hbm>>) target(%arg7 : memref<2x125x80xi32, #tpu.memory_space<vmem>>) target_semaphore(%run_scoped3A_164 : memref<!tpu.dma_semaphore, #tpu.memory_space<semaphore_mem>>)
      %dma_wait3A = arith.constant 0 : i32
      %dma_wait3A_173 = arith.constant 0 : i32
      %dma_wait3A_174 = tpu.memref_slice %arg3[%run_scoped3A_5, %mul3A_4, %dma_wait3A, %dma_wait3A_173] : memref<2x32x125x80xi32, #tpu.memory_space<hbm>> -> memref<1x2x125x80xi32, #tpu.memory_space<hbm>>
      %dma_wait3A_175 = tpu.memref_squeeze %dma_wait3A_174 : memref<1x2x125x80xi32, #tpu.memory_space<hbm>> -> memref<2x125x80xi32, #tpu.memory_space<hbm>>
      %dma_wait3A_176 = arith.constant 0 : i32
      %dma_wait3A_177 = arith.constant 0 : i32
      %dma_wait3A_178 = tpu.memref_slice %arg3[%run_scoped3A_5, %mul3A_4, %dma_wait3A_176, %dma_wait3A_177] : memref<2x32x125x80xi32, #tpu.memory_space<hbm>> -> memref<1x2x125x80xi32, #tpu.memory_space<hbm>>
      %dma_wait3A_179 = tpu.memref_squeeze %dma_wait3A_178 : memref<1x2x125x80xi32, #tpu.memory_space<hbm>> -> memref<2x125x80xi32, #tpu.memory_space<hbm>>
      tpu.wait_dma2 semaphore(%run_scoped3A_164 : memref<!tpu.dma_semaphore, #tpu.memory_space<semaphore_mem>>) src(%dma_wait3A_179 : memref<2x125x80xi32, #tpu.memory_space<hbm>>) dst(%arg7 : memref<2x125x80xi32, #tpu.memory_space<vmem>>)
      tpu.yield
    }) : () -> ()
    %scan3A = arith.constant 0 : i32
    %scan3A_6 = arith.constant 0 : i32
    %scan3A_7 = arith.constant 125 : i32
    %scan3A_8 = arith.addi %scan3A_6, %scan3A_7 : i32
    %scan3A_9 = arith.constant 1 : i32
    scf.for %scan3A_164 = %scan3A_6 to %scan3A_8 step %scan3A_9  : i32 {
      %get3A = arith.constant 0 : i32
      %get3A_165 = arith.index_cast %get3A : i32 to index
      %get3A_166 = arith.index_cast %scan3A_164 : i32 to index
      %get3A_167 = arith.constant 0 : index
      %get3A_168 = tpu.vector_load %arg6[%get3A_165, %get3A_166, %get3A_167] {strides = array<i32>} : memref<2x125x80xi32, #tpu.memory_space<vmem>>, vector<1x1x16xi32>,
      %get3A_169 = vector.shape_cast %get3A_168 : vector<1x1x16xi32> to vector<16xi32>
      %add3A = arith.addi %get3A_169, %get3A_169 : vector<16xi32>
      %add3A_170 = vector.broadcast %arg0 : i32 to vector<16xi32>
      %add3A_171 = arith.addi %add3A, %add3A_170 : vector<16xi32>
      %swap3A = arith.constant 0 : i32
      %swap3A_172 = arith.index_cast %swap3A : i32 to index
      %swap3A_173 = arith.index_cast %scan3A_164 : i32 to index
      %swap3A_174 = arith.constant 0 : index
      %swap3A_175 = tpu.vector_load %arg6[%swap3A_172, %swap3A_173, %swap3A_174] {strides = array<i32>} : memref<2x125x80xi32, #tpu.memory_space<vmem>>, vector<1x1x16xi32>,
      %swap3A_176 = vector.shape_cast %swap3A_175 : vector<1x1x16xi32> to vector<16xi32>
      %swap3A_177 = vector.shape_cast %add3A_171 : vector<16xi32> to vector<1x1x16xi32>
      tpu.vector_store %arg6[%swap3A_172, %swap3A_173, %swap3A_174], %swap3A_177 {strides = array<i32>} : memref<2x125x80xi32, #tpu.memory_space<vmem>>, vector<1x1x16xi32>,
      %get3A_178 = arith.constant 0 : i32
      %get3A_179 = arith.index_cast %get3A_178 : i32 to index
      %get3A_180 = arith.index_cast %scan3A_164 : i32 to index
      %get3A_181 = arith.constant 16 : index
      %get3A_182 = tpu.vector_load %arg6[%get3A_179, %get3A_180, %get3A_181] {strides = array<i32>} : memref<2x125x80xi32, #tpu.memory_space<vmem>>, vector<1x1x16xi32>,
      %get3A_183 = vector.shape_cast %get3A_182 : vector<1x1x16xi32> to vector<16xi32>
      %add3A_184 = arith.addi %get3A_183, %get3A_183 : vector<16xi32>
      %add3A_185 = vector.broadcast %arg0 : i32 to vector<16xi32>
      %add3A_186 = arith.addi %add3A_184, %add3A_185 : vector<16xi32>
      %swap3A_187 = arith.constant 0 : i32
      %swap3A_188 = arith.index_cast %swap3A_187 : i32 to index
      %swap3A_189 = arith.index_cast %scan3A_164 : i32 to index
      %swap3A_190 = arith.constant 16 : index
      %swap3A_191 = tpu.vector_load %arg6[%swap3A_188, %swap3A_189, %swap3A_190] {strides = array<i32>} : memref<2x125x80xi32, #tpu.memory_space<vmem>>, vector<1x1x16xi32>,
      %swap3A_192 = vector.shape_cast %swap3A_191 : vector<1x1x16xi32> to vector<16xi32>
      %swap3A_193 = vector.shape_cast %add3A_186 : vector<16xi32> to vector<1x1x16xi32>
      tpu.vector_store %arg6[%swap3A_188, %swap3A_189, %swap3A_190], %swap3A_193 {strides = array<i32>} : memref<2x125x80xi32, #tpu.memory_space<vmem>>, vector<1x1x16xi32>,
      %get3A_194 = arith.constant 0 : i32
      %get3A_195 = arith.index_cast %get3A_194 : i32 to index
      %get3A_196 = arith.index_cast %scan3A_164 : i32 to index
      %get3A_197 = arith.constant 32 : index
      %get3A_198 = tpu.vector_load %arg6[%get3A_195, %get3A_196, %get3A_197] {strides = array<i32>} : memref<2x125x80xi32, #tpu.memory_space<vmem>>, vector<1x1x16xi32>,
      %get3A_199 = vector.shape_cast %get3A_198 : vector<1x1x16xi32> to vector<16xi32>
      %add3A_200 = arith.addi %get3A_199, %get3A_199 : vector<16xi32>
      %add3A_201 = vector.broadcast %arg0 : i32 to vector<16xi32>
      %add3A_202 = arith.addi %add3A_200, %add3A_201 : vector<16xi32>
      %swap3A_203 = arith.constant 0 : i32
      %swap3A_204 = arith.index_cast %swap3A_203 : i32 to index
      %swap3A_205 = arith.index_cast %scan3A_164 : i32 to index
      %swap3A_206 = arith.constant 32 : index
      %swap3A_207 = tpu.vector_load %arg6[%swap3A_204, %swap3A_205, %swap3A_206] {strides = array<i32>} : memref<2x125x80xi32, #tpu.memory_space<vmem>>, vector<1x1x16xi32>,
      %swap3A_208 = vector.shape_cast %swap3A_207 : vector<1x1x16xi32> to vector<16xi32>
      %swap3A_209 = vector.shape_cast %add3A_202 : vector<16xi32> to vector<1x1x16xi32>
      tpu.vector_store %arg6[%swap3A_204, %swap3A_205, %swap3A_206], %swap3A_209 {strides = array<i32>} : memref<2x125x80xi32, #tpu.memory_space<vmem>>, vector<1x1x16xi32>,
      %get3A_210 = arith.constant 0 : i32
      %get3A_211 = arith.index_cast %get3A_210 : i32 to index
      %get3A_212 = arith.index_cast %scan3A_164 : i32 to index
      %get3A_213 = arith.constant 48 : index
      %get3A_214 = tpu.vector_load %arg6[%get3A_211, %get3A_212, %get3A_213] {strides = array<i32>} : memref<2x125x80xi32, #tpu.memory_space<vmem>>, vector<1x1x16xi32>,
      %get3A_215 = vector.shape_cast %get3A_214 : vector<1x1x16xi32> to vector<16xi32>
      %add3A_216 = arith.addi %get3A_215, %get3A_215 : vector<16xi32>
      %add3A_217 = vector.broadcast %arg0 : i32 to vector<16xi32>
      %add3A_218 = arith.addi %add3A_216, %add3A_217 : vector<16xi32>
      %swap3A_219 = arith.constant 0 : i32
      %swap3A_220 = arith.index_cast %swap3A_219 : i32 to index
      %swap3A_221 = arith.index_cast %scan3A_164 : i32 to index
      %swap3A_222 = arith.constant 48 : index
      %swap3A_223 = tpu.vector_load %arg6[%swap3A_220, %swap3A_221, %swap3A_222] {strides = array<i32>} : memref<2x125x80xi32, #tpu.memory_space<vmem>>, vector<1x1x16xi32>,
      %swap3A_224 = vector.shape_cast %swap3A_223 : vector<1x1x16xi32> to vector<16xi32>
      %swap3A_225 = vector.shape_cast %add3A_218 : vector<16xi32> to vector<1x1x16xi32>
      tpu.vector_store %arg6[%swap3A_220, %swap3A_221, %swap3A_222], %swap3A_225 {strides = array<i32>} : memref<2x125x80xi32, #tpu.memory_space<vmem>>, vector<1x1x16xi32>,
      %get3A_226 = arith.constant 0 : i32
      %get3A_227 = arith.index_cast %get3A_226 : i32 to index
      %get3A_228 = arith.index_cast %scan3A_164 : i32 to index
      %get3A_229 = arith.constant 64 : index
      %get3A_230 = tpu.vector_load %arg6[%get3A_227, %get3A_228, %get3A_229] {strides = array<i32>} : memref<2x125x80xi32, #tpu.memory_space<vmem>>, vector<1x1x16xi32>,
      %get3A_231 = vector.shape_cast %get3A_230 : vector<1x1x16xi32> to vector<16xi32>
      %add3A_232 = arith.addi %get3A_231, %get3A_231 : vector<16xi32>
      %add3A_233 = vector.broadcast %arg0 : i32 to vector<16xi32>
      %add3A_234 = arith.addi %add3A_232, %add3A_233 : vector<16xi32>
      %swap3A_235 = arith.constant 0 : i32
      %swap3A_236 = arith.index_cast %swap3A_235 : i32 to index
      %swap3A_237 = arith.index_cast %scan3A_164 : i32 to index
      %swap3A_238 = arith.constant 64 : index
      %swap3A_239 = tpu.vector_load %arg6[%swap3A_236, %swap3A_237, %swap3A_238] {strides = array<i32>} : memref<2x125x80xi32, #tpu.memory_space<vmem>>, vector<1x1x16xi32>,
      %swap3A_240 = vector.shape_cast %swap3A_239 : vector<1x1x16xi32> to vector<16xi32>
      %swap3A_241 = vector.shape_cast %add3A_234 : vector<16xi32> to vector<1x1x16xi32>
      tpu.vector_store %arg6[%swap3A_236, %swap3A_237, %swap3A_238], %swap3A_241 {strides = array<i32>} : memref<2x125x80xi32, #tpu.memory_space<vmem>>, vector<1x1x16xi32>,
    }
    %scan3A_10 = arith.constant 125 : i32
    %scan3A_11 = arith.constant 0 : i32
    %scan3A_12 = arith.constant 0 : i32
    %scan3A_13 = arith.constant 125 : i32
    %scan3A_14 = arith.addi %scan3A_12, %scan3A_13 : i32
    %scan3A_15 = arith.constant 1 : i32
    scf.for %scan3A_164 = %scan3A_12 to %scan3A_14 step %scan3A_15  : i32 {
      %get3A = arith.constant 1 : i32
      %get3A_165 = arith.index_cast %get3A : i32 to index
      %get3A_166 = arith.index_cast %scan3A_164 : i32 to index
      %get3A_167 = arith.constant 0 : index
      %get3A_168 = tpu.vector_load %arg6[%get3A_165, %get3A_166, %get3A_167] {strides = array<i32>} : memref<2x125x80xi32, #tpu.memory_space<vmem>>, vector<1x1x16xi32>,
      %get3A_169 = vector.shape_cast %get3A_168 : vector<1x1x16xi32> to vector<16xi32>
      %add3A = arith.addi %get3A_169, %get3A_169 : vector<16xi32>
      %add3A_170 = vector.broadcast %arg0 : i32 to vector<16xi32>
      %add3A_171 = arith.addi %add3A, %add3A_170 : vector<16xi32>
      %swap3A = arith.constant 1 : i32
      %swap3A_172 = arith.index_cast %swap3A : i32 to index
      %swap3A_173 = arith.index_cast %scan3A_164 : i32 to index
      %swap3A_174 = arith.constant 0 : index
      %swap3A_175 = tpu.vector_load %arg6[%swap3A_172, %swap3A_173, %swap3A_174] {strides = array<i32>} : memref<2x125x80xi32, #tpu.memory_space<vmem>>, vector<1x1x16xi32>,
      %swap3A_176 = vector.shape_cast %swap3A_175 : vector<1x1x16xi32> to vector<16xi32>
      %swap3A_177 = vector.shape_cast %add3A_171 : vector<16xi32> to vector<1x1x16xi32>
      tpu.vector_store %arg6[%swap3A_172, %swap3A_173, %swap3A_174], %swap3A_177 {strides = array<i32>} : memref<2x125x80xi32, #tpu.memory_space<vmem>>, vector<1x1x16xi32>,
      %get3A_178 = arith.constant 1 : i32
      %get3A_179 = arith.index_cast %get3A_178 : i32 to index
      %get3A_180 = arith.index_cast %scan3A_164 : i32 to index
      %get3A_181 = arith.constant 16 : index
      %get3A_182 = tpu.vector_load %arg6[%get3A_179, %get3A_180, %get3A_181] {strides = array<i32>} : memref<2x125x80xi32, #tpu.memory_space<vmem>>, vector<1x1x16xi32>,
      %get3A_183 = vector.shape_cast %get3A_182 : vector<1x1x16xi32> to vector<16xi32>
      %add3A_184 = arith.addi %get3A_183, %get3A_183 : vector<16xi32>
      %add3A_185 = vector.broadcast %arg0 : i32 to vector<16xi32>
      %add3A_186 = arith.addi %add3A_184, %add3A_185 : vector<16xi32>
      %swap3A_187 = arith.constant 1 : i32
      %swap3A_188 = arith.index_cast %swap3A_187 : i32 to index
      %swap3A_189 = arith.index_cast %scan3A_164 : i32 to index
      %swap3A_190 = arith.constant 16 : index
      %swap3A_191 = tpu.vector_load %arg6[%swap3A_188, %swap3A_189, %swap3A_190] {strides = array<i32>} : memref<2x125x80xi32, #tpu.memory_space<vmem>>, vector<1x1x16xi32>,
      %swap3A_192 = vector.shape_cast %swap3A_191 : vector<1x1x16xi32> to vector<16xi32>
      %swap3A_193 = vector.shape_cast %add3A_186 : vector<16xi32> to vector<1x1x16xi32>
      tpu.vector_store %arg6[%swap3A_188, %swap3A_189, %swap3A_190], %swap3A_193 {strides = array<i32>} : memref<2x125x80xi32, #tpu.memory_space<vmem>>, vector<1x1x16xi32>,
      %get3A_194 = arith.constant 1 : i32
      %get3A_195 = arith.index_cast %get3A_194 : i32 to index
      %get3A_196 = arith.index_cast %scan3A_164 : i32 to index
      %get3A_197 = arith.constant 32 : index
      %get3A_198 = tpu.vector_load %arg6[%get3A_195, %get3A_196, %get3A_197] {strides = array<i32>} : memref<2x125x80xi32, #tpu.memory_space<vmem>>, vector<1x1x16xi32>,
      %get3A_199 = vector.shape_cast %get3A_198 : vector<1x1x16xi32> to vector<16xi32>
      %add3A_200 = arith.addi %get3A_199, %get3A_199 : vector<16xi32>
      %add3A_201 = vector.broadcast %arg0 : i32 to vector<16xi32>
      %add3A_202 = arith.addi %add3A_200, %add3A_201 : vector<16xi32>
      %swap3A_203 = arith.constant 1 : i32
      %swap3A_204 = arith.index_cast %swap3A_203 : i32 to index
      %swap3A_205 = arith.index_cast %scan3A_164 : i32 to index
      %swap3A_206 = arith.constant 32 : index
      %swap3A_207 = tpu.vector_load %arg6[%swap3A_204, %swap3A_205, %swap3A_206] {strides = array<i32>} : memref<2x125x80xi32, #tpu.memory_space<vmem>>, vector<1x1x16xi32>,
      %swap3A_208 = vector.shape_cast %swap3A_207 : vector<1x1x16xi32> to vector<16xi32>
      %swap3A_209 = vector.shape_cast %add3A_202 : vector<16xi32> to vector<1x1x16xi32>
      tpu.vector_store %arg6[%swap3A_204, %swap3A_205, %swap3A_206], %swap3A_209 {strides = array<i32>} : memref<2x125x80xi32, #tpu.memory_space<vmem>>, vector<1x1x16xi32>,
      %get3A_210 = arith.constant 1 : i32
      %get3A_211 = arith.index_cast %get3A_210 : i32 to index
      %get3A_212 = arith.index_cast %scan3A_164 : i32 to index
      %get3A_213 = arith.constant 48 : index
      %get3A_214 = tpu.vector_load %arg6[%get3A_211, %get3A_212, %get3A_213] {strides = array<i32>} : memref<2x125x80xi32, #tpu.memory_space<vmem>>, vector<1x1x16xi32>,
      %get3A_215 = vector.shape_cast %get3A_214 : vector<1x1x16xi32> to vector<16xi32>
      %add3A_216 = arith.addi %get3A_215, %get3A_215 : vector<16xi32>
      %add3A_217 = vector.broadcast %arg0 : i32 to vector<16xi32>
      %add3A_218 = arith.addi %add3A_216, %add3A_217 : vector<16xi32>
      %swap3A_219 = arith.constant 1 : i32
      %swap3A_220 = arith.index_cast %swap3A_219 : i32 to index
      %swap3A_221 = arith.index_cast %scan3A_164 : i32 to index
      %swap3A_222 = arith.constant 48 : index
      %swap3A_223 = tpu.vector_load %arg6[%swap3A_220, %swap3A_221, %swap3A_222] {strides = array<i32>} : memref<2x125x80xi32, #tpu.memory_space<vmem>>, vector<1x1x16xi32>,
      %swap3A_224 = vector.shape_cast %swap3A_223 : vector<1x1x16xi32> to vector<16xi32>
      %swap3A_225 = vector.shape_cast %add3A_218 : vector<16xi32> to vector<1x1x16xi32>
      tpu.vector_store %arg6[%swap3A_220, %swap3A_221, %swap3A_222], %swap3A_225 {strides = array<i32>} : memref<2x125x80xi32, #tpu.memory_space<vmem>>, vector<1x1x16xi32>,
      %get3A_226 = arith.constant 1 : i32
      %get3A_227 = arith.index_cast %get3A_226 : i32 to index
      %get3A_228 = arith.index_cast %scan3A_164 : i32 to index
      %get3A_229 = arith.constant 64 : index
      %get3A_230 = tpu.vector_load %arg6[%get3A_227, %get3A_228, %get3A_229] {strides = array<i32>} : memref<2x125x80xi32, #tpu.memory_space<vmem>>, vector<1x1x16xi32>,
      %get3A_231 = vector.shape_cast %get3A_230 : vector<1x1x16xi32> to vector<16xi32>
      %add3A_232 = arith.addi %get3A_231, %get3A_231 : vector<16xi32>
      %add3A_233 = vector.broadcast %arg0 : i32 to vector<16xi32>
      %add3A_234 = arith.addi %add3A_232, %add3A_233 : vector<16xi32>
      %swap3A_235 = arith.constant 1 : i32
      %swap3A_236 = arith.index_cast %swap3A_235 : i32 to index
      %swap3A_237 = arith.index_cast %scan3A_164 : i32 to index
      %swap3A_238 = arith.constant 64 : index
      %swap3A_239 = tpu.vector_load %arg6[%swap3A_236, %swap3A_237, %swap3A_238] {strides = array<i32>} : memref<2x125x80xi32, #tpu.memory_space<vmem>>, vector<1x1x16xi32>,
      %swap3A_240 = vector.shape_cast %swap3A_239 : vector<1x1x16xi32> to vector<16xi32>
      %swap3A_241 = vector.shape_cast %add3A_234 : vector<16xi32> to vector<1x1x16xi32>
      tpu.vector_store %arg6[%swap3A_236, %swap3A_237, %swap3A_238], %swap3A_241 {strides = array<i32>} : memref<2x125x80xi32, #tpu.memory_space<vmem>>, vector<1x1x16xi32>,
    }
    %scan3A_16 = arith.constant 125 : i32
    %barrier3A = arith.constant 0 : index
    tpu.barrier barrier_id(%barrier3A)
    %dma_start3A = arith.constant 0 : i32
    %dma_start3A_17 = arith.constant 0 : i32
    %dma_start3A_18 = arith.constant 0 : i32
    %dma_start3A_19 = arith.constant 0 : i32
    %dma_start3A_20 = arith.constant 0 : i32
    %dma_start3A_21 = tpu.memref_slice %arg8[%dma_start3A_18, %dma_start3A_19, %dma_start3A_20] : memref<5x80x64xf32, #tpu.memory_space<vmem>> -> memref<1x80x64xf32, #tpu.memory_space<vmem>>
    %dma_start3A_22 = tpu.memref_squeeze %dma_start3A_21 : memref<1x80x64xf32, #tpu.memory_space<vmem>> -> memref<80x64xf32, #tpu.memory_space<vmem>>
    %dma_start3A_23 = arith.constant 0 : i32
    %dma_start3A_24 = tpu.memref_slice %arg6[%dma_start3A, %dma_start3A_17, %dma_start3A_23] : memref<2x125x80xi32, #tpu.memory_space<vmem>> -> memref<1x1x80xi32, #tpu.memory_space<vmem>>
    %dma_start3A_25 = tpu.memref_squeeze %dma_start3A_24 : memref<1x1x80xi32, #tpu.memory_space<vmem>> -> memref<80xi32, #tpu.memory_space<vmem>>
    %dma_start3A_26 = arith.constant 0 : i32
    %dma_start3A_27 = arith.constant 0 : i32
    %dma_start3A_28 = tpu.memref_slice %arg2[%dma_start3A_26, %dma_start3A_27] : memref<20000x64xf32, #tpu.memory_space<hbm>> -> memref<20000x64xf32, #tpu.memory_space<hbm>>
    tpu.enqueue_indirect_dma source(%dma_start3A_28 : memref<20000x64xf32, #tpu.memory_space<hbm>>) target(%dma_start3A_22 : memref<80x64xf32, #tpu.memory_space<vmem>>) offsets(%dma_start3A_25 : memref<80xi32, #tpu.memory_space<vmem>>) semaphore(%arg10 : memref<!tpu.dma_semaphore, #tpu.memory_space<semaphore_mem>>)
    %dma_start3A_29 = arith.constant 0 : i32
    %dma_start3A_30 = arith.constant 1 : i32
    %dma_start3A_31 = arith.constant 1 : i32
    %dma_start3A_32 = arith.constant 0 : i32
    %dma_start3A_33 = arith.constant 0 : i32
    %dma_start3A_34 = tpu.memref_slice %arg8[%dma_start3A_31, %dma_start3A_32, %dma_start3A_33] : memref<5x80x64xf32, #tpu.memory_space<vmem>> -> memref<1x80x64xf32, #tpu.memory_space<vmem>>
    %dma_start3A_35 = tpu.memref_squeeze %dma_start3A_34 : memref<1x80x64xf32, #tpu.memory_space<vmem>> -> memref<80x64xf32, #tpu.memory_space<vmem>>
    %dma_start3A_36 = arith.constant 0 : i32
    %dma_start3A_37 = tpu.memref_slice %arg6[%dma_start3A_29, %dma_start3A_30, %dma_start3A_36] : memref<2x125x80xi32, #tpu.memory_space<vmem>> -> memref<1x1x80xi32, #tpu.memory_space<vmem>>
    %dma_start3A_38 = tpu.memref_squeeze %dma_start3A_37 : memref<1x1x80xi32, #tpu.memory_space<vmem>> -> memref<80xi32, #tpu.memory_space<vmem>>
    %dma_start3A_39 = arith.constant 0 : i32
    %dma_start3A_40 = arith.constant 0 : i32
    %dma_start3A_41 = tpu.memref_slice %arg2[%dma_start3A_39, %dma_start3A_40] : memref<20000x64xf32, #tpu.memory_space<hbm>> -> memref<20000x64xf32, #tpu.memory_space<hbm>>
    tpu.enqueue_indirect_dma source(%dma_start3A_41 : memref<20000x64xf32, #tpu.memory_space<hbm>>) target(%dma_start3A_35 : memref<80x64xf32, #tpu.memory_space<vmem>>) offsets(%dma_start3A_38 : memref<80xi32, #tpu.memory_space<vmem>>) semaphore(%arg11 : memref<!tpu.dma_semaphore, #tpu.memory_space<semaphore_mem>>)
    %dma_start3A_42 = arith.constant 0 : i32
    %dma_start3A_43 = arith.constant 2 : i32
    %dma_start3A_44 = arith.constant 2 : i32
    %dma_start3A_45 = arith.constant 0 : i32
    %dma_start3A_46 = arith.constant 0 : i32
    %dma_start3A_47 = tpu.memref_slice %arg8[%dma_start3A_44, %dma_start3A_45, %dma_start3A_46] : memref<5x80x64xf32, #tpu.memory_space<vmem>> -> memref<1x80x64xf32, #tpu.memory_space<vmem>>
    %dma_start3A_48 = tpu.memref_squeeze %dma_start3A_47 : memref<1x80x64xf32, #tpu.memory_space<vmem>> -> memref<80x64xf32, #tpu.memory_space<vmem>>
    %dma_start3A_49 = arith.constant 0 : i32
    %dma_start3A_50 = tpu.memref_slice %arg6[%dma_start3A_42, %dma_start3A_43, %dma_start3A_49] : memref<2x125x80xi32, #tpu.memory_space<vmem>> -> memref<1x1x80xi32, #tpu.memory_space<vmem>>
    %dma_start3A_51 = tpu.memref_squeeze %dma_start3A_50 : memref<1x1x80xi32, #tpu.memory_space<vmem>> -> memref<80xi32, #tpu.memory_space<vmem>>
    %dma_start3A_52 = arith.constant 0 : i32
    %dma_start3A_53 = arith.constant 0 : i32
    %dma_start3A_54 = tpu.memref_slice %arg2[%dma_start3A_52, %dma_start3A_53] : memref<20000x64xf32, #tpu.memory_space<hbm>> -> memref<20000x64xf32, #tpu.memory_space<hbm>>
    tpu.enqueue_indirect_dma source(%dma_start3A_54 : memref<20000x64xf32, #tpu.memory_space<hbm>>) target(%dma_start3A_48 : memref<80x64xf32, #tpu.memory_space<vmem>>) offsets(%dma_start3A_51 : memref<80xi32, #tpu.memory_space<vmem>>) semaphore(%arg12 : memref<!tpu.dma_semaphore, #tpu.memory_space<semaphore_mem>>)
    %dma_start3A_55 = arith.constant 0 : i32
    %dma_start3A_56 = arith.constant 3 : i32
    %dma_start3A_57 = arith.constant 3 : i32
    %dma_start3A_58 = arith.constant 0 : i32
    %dma_start3A_59 = arith.constant 0 : i32
    %dma_start3A_60 = tpu.memref_slice %arg8[%dma_start3A_57, %dma_start3A_58, %dma_start3A_59] : memref<5x80x64xf32, #tpu.memory_space<vmem>> -> memref<1x80x64xf32, #tpu.memory_space<vmem>>
    %dma_start3A_61 = tpu.memref_squeeze %dma_start3A_60 : memref<1x80x64xf32, #tpu.memory_space<vmem>> -> memref<80x64xf32, #tpu.memory_space<vmem>>
    %dma_start3A_62 = arith.constant 0 : i32
    %dma_start3A_63 = tpu.memref_slice %arg6[%dma_start3A_55, %dma_start3A_56, %dma_start3A_62] : memref<2x125x80xi32, #tpu.memory_space<vmem>> -> memref<1x1x80xi32, #tpu.memory_space<vmem>>
    %dma_start3A_64 = tpu.memref_squeeze %dma_start3A_63 : memref<1x1x80xi32, #tpu.memory_space<vmem>> -> memref<80xi32, #tpu.memory_space<vmem>>
    %dma_start3A_65 = arith.constant 0 : i32
    %dma_start3A_66 = arith.constant 0 : i32
    %dma_start3A_67 = tpu.memref_slice %arg2[%dma_start3A_65, %dma_start3A_66] : memref<20000x64xf32, #tpu.memory_space<hbm>> -> memref<20000x64xf32, #tpu.memory_space<hbm>>
    tpu.enqueue_indirect_dma source(%dma_start3A_67 : memref<20000x64xf32, #tpu.memory_space<hbm>>) target(%dma_start3A_61 : memref<80x64xf32, #tpu.memory_space<vmem>>) offsets(%dma_start3A_64 : memref<80xi32, #tpu.memory_space<vmem>>) semaphore(%arg13 : memref<!tpu.dma_semaphore, #tpu.memory_space<semaphore_mem>>)
    %dma_start3A_68 = arith.constant 0 : i32
    %dma_start3A_69 = arith.constant 4 : i32
    %dma_start3A_70 = arith.constant 4 : i32
    %dma_start3A_71 = arith.constant 0 : i32
    %dma_start3A_72 = arith.constant 0 : i32
    %dma_start3A_73 = tpu.memref_slice %arg8[%dma_start3A_70, %dma_start3A_71, %dma_start3A_72] : memref<5x80x64xf32, #tpu.memory_space<vmem>> -> memref<1x80x64xf32, #tpu.memory_space<vmem>>
    %dma_start3A_74 = tpu.memref_squeeze %dma_start3A_73 : memref<1x80x64xf32, #tpu.memory_space<vmem>> -> memref<80x64xf32, #tpu.memory_space<vmem>>
    %dma_start3A_75 = arith.constant 0 : i32
    %dma_start3A_76 = tpu.memref_slice %arg6[%dma_start3A_68, %dma_start3A_69, %dma_start3A_75] : memref<2x125x80xi32, #tpu.memory_space<vmem>> -> memref<1x1x80xi32, #tpu.memory_space<vmem>>
    %dma_start3A_77 = tpu.memref_squeeze %dma_start3A_76 : memref<1x1x80xi32, #tpu.memory_space<vmem>> -> memref<80xi32, #tpu.memory_space<vmem>>
    %dma_start3A_78 = arith.constant 0 : i32
    %dma_start3A_79 = arith.constant 0 : i32
    %dma_start3A_80 = tpu.memref_slice %arg2[%dma_start3A_78, %dma_start3A_79] : memref<20000x64xf32, #tpu.memory_space<hbm>> -> memref<20000x64xf32, #tpu.memory_space<hbm>>
    tpu.enqueue_indirect_dma source(%dma_start3A_80 : memref<20000x64xf32, #tpu.memory_space<hbm>>) target(%dma_start3A_74 : memref<80x64xf32, #tpu.memory_space<vmem>>) offsets(%dma_start3A_77 : memref<80xi32, #tpu.memory_space<vmem>>) semaphore(%arg14 : memref<!tpu.dma_semaphore, #tpu.memory_space<semaphore_mem>>)
    %scan3A_81 = arith.constant 0 : i32
    %scan3A_82 = arith.constant 0 : i32
    %scan3A_83 = arith.constant 25 : i32
    %scan3A_84 = arith.addi %scan3A_82, %scan3A_83 : i32
    %scan3A_85 = arith.constant 1 : i32
    scf.for %scan3A_164 = %scan3A_82 to %scan3A_84 step %scan3A_85  : i32 {
      %mul3A_165 = arith.constant 5 : i32
      %mul3A_166 = arith.muli %scan3A_164, %mul3A_165 : i32
      %add3A = arith.constant 0 : i32
      %add3A_167 = arith.addi %mul3A_166, %add3A : i32
      %dma_wait3A = arith.constant 0 : i32
      %dma_wait3A_168 = arith.constant 0 : i32
      %dma_wait3A_169 = arith.constant 0 : i32
      %dma_wait3A_170 = arith.constant 0 : i32
      %dma_wait3A_171 = tpu.memref_slice %arg8[%dma_wait3A_168, %dma_wait3A_169, %dma_wait3A_170] : memref<5x80x64xf32, #tpu.memory_space<vmem>> -> memref<1x80x64xf32, #tpu.memory_space<vmem>>
      %dma_wait3A_172 = tpu.memref_squeeze %dma_wait3A_171 : memref<1x80x64xf32, #tpu.memory_space<vmem>> -> memref<80x64xf32, #tpu.memory_space<vmem>>
      %dma_wait3A_173 = arith.constant 0 : i32
      %dma_wait3A_174 = tpu.memref_slice %arg6[%dma_wait3A, %add3A_167, %dma_wait3A_173] : memref<2x125x80xi32, #tpu.memory_space<vmem>> -> memref<1x1x80xi32, #tpu.memory_space<vmem>>
      %dma_wait3A_175 = tpu.memref_squeeze %dma_wait3A_174 : memref<1x1x80xi32, #tpu.memory_space<vmem>> -> memref<80xi32, #tpu.memory_space<vmem>>
      %dma_wait3A_176 = arith.constant 0 : i32
      %dma_wait3A_177 = arith.constant 0 : i32
      %dma_wait3A_178 = tpu.memref_slice %arg2[%dma_wait3A_176, %dma_wait3A_177] : memref<20000x64xf32, #tpu.memory_space<hbm>> -> memref<20000x64xf32, #tpu.memory_space<hbm>>
      tpu.wait_indirect_dma semaphore(%arg10 : memref<!tpu.dma_semaphore, #tpu.memory_space<semaphore_mem>>) src(%dma_wait3A_178 : memref<20000x64xf32, #tpu.memory_space<hbm>>) dst(%dma_wait3A_172 : memref<80x64xf32, #tpu.memory_space<vmem>>)
      %run_scoped3A_179 = arith.constant 0 : i32
      %run_scoped3A_180 = arith.constant 0 : i32
      "tpu.region"() ({
        %run_scoped3A_287 = tpu.sem_alloc : memref<!tpu.dma_semaphore, #tpu.memory_space<semaphore_mem>>
        %dma_start3A_288 = arith.constant 0 : i32
        %dma_start3A_289 = arith.constant 0 : i32
        %dma_start3A_290 = tpu.memref_slice %arg8[%run_scoped3A_179, %dma_start3A_288, %dma_start3A_289] : memref<5x80x64xf32, #tpu.memory_space<vmem>> -> memref<1x80x64xf32, #tpu.memory_space<vmem>>
        %dma_start3A_291 = tpu.memref_squeeze %dma_start3A_290 : memref<1x80x64xf32, #tpu.memory_space<vmem>> -> memref<80x64xf32, #tpu.memory_space<vmem>>
        %dma_start3A_292 = arith.constant 0 : i32
        %dma_start3A_293 = tpu.memref_slice %arg7[%run_scoped3A_180, %add3A_167, %dma_start3A_292] : memref<2x125x80xi32, #tpu.memory_space<vmem>> -> memref<1x1x80xi32, #tpu.memory_space<vmem>>
        %dma_start3A_294 = tpu.memref_squeeze %dma_start3A_293 : memref<1x1x80xi32, #tpu.memory_space<vmem>> -> memref<80xi32, #tpu.memory_space<vmem>>
        %dma_start3A_295 = arith.constant 0 : i32
        %dma_start3A_296 = arith.constant 0 : i32
        %dma_start3A_297 = tpu.memref_slice %arg9[%dma_start3A_295, %dma_start3A_296] : memref<10000x64xf32, #tpu.memory_space<vmem_shared>> -> memref<10000x64xf32, #tpu.memory_space<vmem_shared>>
        tpu.enqueue_indirect_dma source(%dma_start3A_291 : memref<80x64xf32, #tpu.memory_space<vmem>>) target(%dma_start3A_297 : memref<10000x64xf32, #tpu.memory_space<vmem_shared>>) offsets(%dma_start3A_294 : memref<80xi32, #tpu.memory_space<vmem>>) semaphore(%run_scoped3A_287 : memref<!tpu.dma_semaphore, #tpu.memory_space<semaphore_mem>>) {add = true}
        %dma_wait3A_298 = arith.constant 0 : i32
        %dma_wait3A_299 = arith.constant 0 : i32
        %dma_wait3A_300 = tpu.memref_slice %arg8[%run_scoped3A_179, %dma_wait3A_298, %dma_wait3A_299] : memref<5x80x64xf32, #tpu.memory_space<vmem>> -> memref<1x80x64xf32, #tpu.memory_space<vmem>>
        %dma_wait3A_301 = tpu.memref_squeeze %dma_wait3A_300 : memref<1x80x64xf32, #tpu.memory_space<vmem>> -> memref<80x64xf32, #tpu.memory_space<vmem>>
        %dma_wait3A_302 = arith.constant 0 : i32
        %dma_wait3A_303 = tpu.memref_slice %arg7[%run_scoped3A_180, %add3A_167, %dma_wait3A_302] : memref<2x125x80xi32, #tpu.memory_space<vmem>> -> memref<1x1x80xi32, #tpu.memory_space<vmem>>
        %dma_wait3A_304 = tpu.memref_squeeze %dma_wait3A_303 : memref<1x1x80xi32, #tpu.memory_space<vmem>> -> memref<80xi32, #tpu.memory_space<vmem>>
        %dma_wait3A_305 = arith.constant 0 : i32
        %dma_wait3A_306 = arith.constant 0 : i32
        %dma_wait3A_307 = tpu.memref_slice %arg9[%dma_wait3A_305, %dma_wait3A_306] : memref<10000x64xf32, #tpu.memory_space<vmem_shared>> -> memref<10000x64xf32, #tpu.memory_space<vmem_shared>>
        tpu.wait_indirect_dma semaphore(%run_scoped3A_287 : memref<!tpu.dma_semaphore, #tpu.memory_space<semaphore_mem>>) src(%dma_wait3A_301 : memref<80x64xf32, #tpu.memory_space<vmem>>) dst(%dma_wait3A_307 : memref<10000x64xf32, #tpu.memory_space<vmem_shared>>)
        tpu.yield
      }) : () -> ()
      %add3A_181 = arith.constant 5 : i32
      %add3A_182 = arith.addi %add3A_167, %add3A_181 : i32
      %lt3A = arith.constant 125 : i32
      %lt3A_183 = arith.cmpi slt, %add3A_182, %lt3A : i32
      %convert_element_type3A_184 = arith.extui %lt3A_183 : i1 to i32
      %cond3A_185 = arith.constant 0 : i32
      %cond3A_186 = arith.cmpi ne, %convert_element_type3A_184, %cond3A_185 : i32
      scf.if %cond3A_186 {
        %add3A_287 = arith.constant 5 : i32
        %add3A_288 = arith.addi %add3A_167, %add3A_287 : i32
        %dma_start3A_289 = arith.constant 0 : i32
        %dma_start3A_290 = arith.constant 0 : i32
        %dma_start3A_291 = arith.constant 0 : i32
        %dma_start3A_292 = arith.constant 0 : i32
        %dma_start3A_293 = tpu.memref_slice %arg8[%dma_start3A_290, %dma_start3A_291, %dma_start3A_292] : memref<5x80x64xf32, #tpu.memory_space<vmem>> -> memref<1x80x64xf32, #tpu.memory_space<vmem>>
        %dma_start3A_294 = tpu.memref_squeeze %dma_start3A_293 : memref<1x80x64xf32, #tpu.memory_space<vmem>> -> memref<80x64xf32, #tpu.memory_space<vmem>>
        %dma_start3A_295 = arith.constant 0 : i32
        %dma_start3A_296 = tpu.memref_slice %arg6[%dma_start3A_289, %add3A_288, %dma_start3A_295] : memref<2x125x80xi32, #tpu.memory_space<vmem>> -> memref<1x1x80xi32, #tpu.memory_space<vmem>>
        %dma_start3A_297 = tpu.memref_squeeze %dma_start3A_296 : memref<1x1x80xi32, #tpu.memory_space<vmem>> -> memref<80xi32, #tpu.memory_space<vmem>>
        %dma_start3A_298 = arith.constant 0 : i32
        %dma_start3A_299 = arith.constant 0 : i32
        %dma_start3A_300 = tpu.memref_slice %arg2[%dma_start3A_298, %dma_start3A_299] : memref<20000x64xf32, #tpu.memory_space<hbm>> -> memref<20000x64xf32, #tpu.memory_space<hbm>>
        tpu.enqueue_indirect_dma source(%dma_start3A_300 : memref<20000x64xf32, #tpu.memory_space<hbm>>) target(%dma_start3A_294 : memref<80x64xf32, #tpu.memory_space<vmem>>) offsets(%dma_start3A_297 : memref<80xi32, #tpu.memory_space<vmem>>) semaphore(%arg10 : memref<!tpu.dma_semaphore, #tpu.memory_space<semaphore_mem>>)
      } else {
      }
      %mul3A_187 = arith.constant 5 : i32
      %mul3A_188 = arith.muli %scan3A_164, %mul3A_187 : i32
      %add3A_189 = arith.constant 1 : i32
      %add3A_190 = arith.addi %mul3A_188, %add3A_189 : i32
      %dma_wait3A_191 = arith.constant 0 : i32
      %dma_wait3A_192 = arith.constant 1 : i32
      %dma_wait3A_193 = arith.constant 0 : i32
      %dma_wait3A_194 = arith.constant 0 : i32
      %dma_wait3A_195 = tpu.memref_slice %arg8[%dma_wait3A_192, %dma_wait3A_193, %dma_wait3A_194] : memref<5x80x64xf32, #tpu.memory_space<vmem>> -> memref<1x80x64xf32, #tpu.memory_space<vmem>>
      %dma_wait3A_196 = tpu.memref_squeeze %dma_wait3A_195 : memref<1x80x64xf32, #tpu.memory_space<vmem>> -> memref<80x64xf32, #tpu.memory_space<vmem>>
      %dma_wait3A_197 = arith.constant 0 : i32
      %dma_wait3A_198 = tpu.memref_slice %arg6[%dma_wait3A_191, %add3A_190, %dma_wait3A_197] : memref<2x125x80xi32, #tpu.memory_space<vmem>> -> memref<1x1x80xi32, #tpu.memory_space<vmem>>
      %dma_wait3A_199 = tpu.memref_squeeze %dma_wait3A_198 : memref<1x1x80xi32, #tpu.memory_space<vmem>> -> memref<80xi32, #tpu.memory_space<vmem>>
      %dma_wait3A_200 = arith.constant 0 : i32
      %dma_wait3A_201 = arith.constant 0 : i32
      %dma_wait3A_202 = tpu.memref_slice %arg2[%dma_wait3A_200, %dma_wait3A_201] : memref<20000x64xf32, #tpu.memory_space<hbm>> -> memref<20000x64xf32, #tpu.memory_space<hbm>>
      tpu.wait_indirect_dma semaphore(%arg11 : memref<!tpu.dma_semaphore, #tpu.memory_space<semaphore_mem>>) src(%dma_wait3A_202 : memref<20000x64xf32, #tpu.memory_space<hbm>>) dst(%dma_wait3A_196 : memref<80x64xf32, #tpu.memory_space<vmem>>)
      %run_scoped3A_203 = arith.constant 1 : i32
      %run_scoped3A_204 = arith.constant 0 : i32
      "tpu.region"() ({
        %run_scoped3A_287 = tpu.sem_alloc : memref<!tpu.dma_semaphore, #tpu.memory_space<semaphore_mem>>
        %dma_start3A_288 = arith.constant 0 : i32
        %dma_start3A_289 = arith.constant 0 : i32
        %dma_start3A_290 = tpu.memref_slice %arg8[%run_scoped3A_203, %dma_start3A_288, %dma_start3A_289] : memref<5x80x64xf32, #tpu.memory_space<vmem>> -> memref<1x80x64xf32, #tpu.memory_space<vmem>>
        %dma_start3A_291 = tpu.memref_squeeze %dma_start3A_290 : memref<1x80x64xf32, #tpu.memory_space<vmem>> -> memref<80x64xf32, #tpu.memory_space<vmem>>
        %dma_start3A_292 = arith.constant 0 : i32
        %dma_start3A_293 = tpu.memref_slice %arg7[%run_scoped3A_204, %add3A_190, %dma_start3A_292] : memref<2x125x80xi32, #tpu.memory_space<vmem>> -> memref<1x1x80xi32, #tpu.memory_space<vmem>>
        %dma_start3A_294 = tpu.memref_squeeze %dma_start3A_293 : memref<1x1x80xi32, #tpu.memory_space<vmem>> -> memref<80xi32, #tpu.memory_space<vmem>>
        %dma_start3A_295 = arith.constant 0 : i32
        %dma_start3A_296 = arith.constant 0 : i32
        %dma_start3A_297 = tpu.memref_slice %arg9[%dma_start3A_295, %dma_start3A_296] : memref<10000x64xf32, #tpu.memory_space<vmem_shared>> -> memref<10000x64xf32, #tpu.memory_space<vmem_shared>>
        tpu.enqueue_indirect_dma source(%dma_start3A_291 : memref<80x64xf32, #tpu.memory_space<vmem>>) target(%dma_start3A_297 : memref<10000x64xf32, #tpu.memory_space<vmem_shared>>) offsets(%dma_start3A_294 : memref<80xi32, #tpu.memory_space<vmem>>) semaphore(%run_scoped3A_287 : memref<!tpu.dma_semaphore, #tpu.memory_space<semaphore_mem>>) {add = true}
        %dma_wait3A_298 = arith.constant 0 : i32
        %dma_wait3A_299 = arith.constant 0 : i32
        %dma_wait3A_300 = tpu.memref_slice %arg8[%run_scoped3A_203, %dma_wait3A_298, %dma_wait3A_299] : memref<5x80x64xf32, #tpu.memory_space<vmem>> -> memref<1x80x64xf32, #tpu.memory_space<vmem>>
        %dma_wait3A_301 = tpu.memref_squeeze %dma_wait3A_300 : memref<1x80x64xf32, #tpu.memory_space<vmem>> -> memref<80x64xf32, #tpu.memory_space<vmem>>
        %dma_wait3A_302 = arith.constant 0 : i32
        %dma_wait3A_303 = tpu.memref_slice %arg7[%run_scoped3A_204, %add3A_190, %dma_wait3A_302] : memref<2x125x80xi32, #tpu.memory_space<vmem>> -> memref<1x1x80xi32, #tpu.memory_space<vmem>>
        %dma_wait3A_304 = tpu.memref_squeeze %dma_wait3A_303 : memref<1x1x80xi32, #tpu.memory_space<vmem>> -> memref<80xi32, #tpu.memory_space<vmem>>
        %dma_wait3A_305 = arith.constant 0 : i32
        %dma_wait3A_306 = arith.constant 0 : i32
        %dma_wait3A_307 = tpu.memref_slice %arg9[%dma_wait3A_305, %dma_wait3A_306] : memref<10000x64xf32, #tpu.memory_space<vmem_shared>> -> memref<10000x64xf32, #tpu.memory_space<vmem_shared>>
        tpu.wait_indirect_dma semaphore(%run_scoped3A_287 : memref<!tpu.dma_semaphore, #tpu.memory_space<semaphore_mem>>) src(%dma_wait3A_301 : memref<80x64xf32, #tpu.memory_space<vmem>>) dst(%dma_wait3A_307 : memref<10000x64xf32, #tpu.memory_space<vmem_shared>>)
        tpu.yield
      }) : () -> ()
      %add3A_205 = arith.constant 5 : i32
      %add3A_206 = arith.addi %add3A_190, %add3A_205 : i32
      %lt3A_207 = arith.constant 125 : i32
      %lt3A_208 = arith.cmpi slt, %add3A_206, %lt3A_207 : i32
      %convert_element_type3A_209 = arith.extui %lt3A_208 : i1 to i32
      %cond3A_210 = arith.constant 0 : i32
      %cond3A_211 = arith.cmpi ne, %convert_element_type3A_209, %cond3A_210 : i32
      scf.if %cond3A_211 {
        %add3A_287 = arith.constant 5 : i32
        %add3A_288 = arith.addi %add3A_190, %add3A_287 : i32
        %dma_start3A_289 = arith.constant 0 : i32
        %dma_start3A_290 = arith.constant 1 : i32
        %dma_start3A_291 = arith.constant 0 : i32
        %dma_start3A_292 = arith.constant 0 : i32
        %dma_start3A_293 = tpu.memref_slice %arg8[%dma_start3A_290, %dma_start3A_291, %dma_start3A_292] : memref<5x80x64xf32, #tpu.memory_space<vmem>> -> memref<1x80x64xf32, #tpu.memory_space<vmem>>
        %dma_start3A_294 = tpu.memref_squeeze %dma_start3A_293 : memref<1x80x64xf32, #tpu.memory_space<vmem>> -> memref<80x64xf32, #tpu.memory_space<vmem>>
        %dma_start3A_295 = arith.constant 0 : i32
        %dma_start3A_296 = tpu.memref_slice %arg6[%dma_start3A_289, %add3A_288, %dma_start3A_295] : memref<2x125x80xi32, #tpu.memory_space<vmem>> -> memref<1x1x80xi32, #tpu.memory_space<vmem>>
        %dma_start3A_297 = tpu.memref_squeeze %dma_start3A_296 : memref<1x1x80xi32, #tpu.memory_space<vmem>> -> memref<80xi32, #tpu.memory_space<vmem>>
        %dma_start3A_298 = arith.constant 0 : i32
        %dma_start3A_299 = arith.constant 0 : i32
        %dma_start3A_300 = tpu.memref_slice %arg2[%dma_start3A_298, %dma_start3A_299] : memref<20000x64xf32, #tpu.memory_space<hbm>> -> memref<20000x64xf32, #tpu.memory_space<hbm>>
        tpu.enqueue_indirect_dma source(%dma_start3A_300 : memref<20000x64xf32, #tpu.memory_space<hbm>>) target(%dma_start3A_294 : memref<80x64xf32, #tpu.memory_space<vmem>>) offsets(%dma_start3A_297 : memref<80xi32, #tpu.memory_space<vmem>>) semaphore(%arg11 : memref<!tpu.dma_semaphore, #tpu.memory_space<semaphore_mem>>)
      } else {
      }
      %mul3A_212 = arith.constant 5 : i32
      %mul3A_213 = arith.muli %scan3A_164, %mul3A_212 : i32
      %add3A_214 = arith.constant 2 : i32
      %add3A_215 = arith.addi %mul3A_213, %add3A_214 : i32
      %dma_wait3A_216 = arith.constant 0 : i32
      %dma_wait3A_217 = arith.constant 2 : i32
      %dma_wait3A_218 = arith.constant 0 : i32
      %dma_wait3A_219 = arith.constant 0 : i32
      %dma_wait3A_220 = tpu.memref_slice %arg8[%dma_wait3A_217, %dma_wait3A_218, %dma_wait3A_219] : memref<5x80x64xf32, #tpu.memory_space<vmem>> -> memref<1x80x64xf32, #tpu.memory_space<vmem>>
      %dma_wait3A_221 = tpu.memref_squeeze %dma_wait3A_220 : memref<1x80x64xf32, #tpu.memory_space<vmem>> -> memref<80x64xf32, #tpu.memory_space<vmem>>
      %dma_wait3A_222 = arith.constant 0 : i32
      %dma_wait3A_223 = tpu.memref_slice %arg6[%dma_wait3A_216, %add3A_215, %dma_wait3A_222] : memref<2x125x80xi32, #tpu.memory_space<vmem>> -> memref<1x1x80xi32, #tpu.memory_space<vmem>>
      %dma_wait3A_224 = tpu.memref_squeeze %dma_wait3A_223 : memref<1x1x80xi32, #tpu.memory_space<vmem>> -> memref<80xi32, #tpu.memory_space<vmem>>
      %dma_wait3A_225 = arith.constant 0 : i32
      %dma_wait3A_226 = arith.constant 0 : i32
      %dma_wait3A_227 = tpu.memref_slice %arg2[%dma_wait3A_225, %dma_wait3A_226] : memref<20000x64xf32, #tpu.memory_space<hbm>> -> memref<20000x64xf32, #tpu.memory_space<hbm>>
      tpu.wait_indirect_dma semaphore(%arg12 : memref<!tpu.dma_semaphore, #tpu.memory_space<semaphore_mem>>) src(%dma_wait3A_227 : memref<20000x64xf32, #tpu.memory_space<hbm>>) dst(%dma_wait3A_221 : memref<80x64xf32, #tpu.memory_space<vmem>>)
      %run_scoped3A_228 = arith.constant 2 : i32
      %run_scoped3A_229 = arith.constant 0 : i32
      "tpu.region"() ({
        %run_scoped3A_287 = tpu.sem_alloc : memref<!tpu.dma_semaphore, #tpu.memory_space<semaphore_mem>>
        %dma_start3A_288 = arith.constant 0 : i32
        %dma_start3A_289 = arith.constant 0 : i32
        %dma_start3A_290 = tpu.memref_slice %arg8[%run_scoped3A_228, %dma_start3A_288, %dma_start3A_289] : memref<5x80x64xf32, #tpu.memory_space<vmem>> -> memref<1x80x64xf32, #tpu.memory_space<vmem>>
        %dma_start3A_291 = tpu.memref_squeeze %dma_start3A_290 : memref<1x80x64xf32, #tpu.memory_space<vmem>> -> memref<80x64xf32, #tpu.memory_space<vmem>>
        %dma_start3A_292 = arith.constant 0 : i32
        %dma_start3A_293 = tpu.memref_slice %arg7[%run_scoped3A_229, %add3A_215, %dma_start3A_292] : memref<2x125x80xi32, #tpu.memory_space<vmem>> -> memref<1x1x80xi32, #tpu.memory_space<vmem>>
        %dma_start3A_294 = tpu.memref_squeeze %dma_start3A_293 : memref<1x1x80xi32, #tpu.memory_space<vmem>> -> memref<80xi32, #tpu.memory_space<vmem>>
        %dma_start3A_295 = arith.constant 0 : i32
        %dma_start3A_296 = arith.constant 0 : i32
        %dma_start3A_297 = tpu.memref_slice %arg9[%dma_start3A_295, %dma_start3A_296] : memref<10000x64xf32, #tpu.memory_space<vmem_shared>> -> memref<10000x64xf32, #tpu.memory_space<vmem_shared>>
        tpu.enqueue_indirect_dma source(%dma_start3A_291 : memref<80x64xf32, #tpu.memory_space<vmem>>) target(%dma_start3A_297 : memref<10000x64xf32, #tpu.memory_space<vmem_shared>>) offsets(%dma_start3A_294 : memref<80xi32, #tpu.memory_space<vmem>>) semaphore(%run_scoped3A_287 : memref<!tpu.dma_semaphore, #tpu.memory_space<semaphore_mem>>) {add = true}
        %dma_wait3A_298 = arith.constant 0 : i32
        %dma_wait3A_299 = arith.constant 0 : i32
        %dma_wait3A_300 = tpu.memref_slice %arg8[%run_scoped3A_228, %dma_wait3A_298, %dma_wait3A_299] : memref<5x80x64xf32, #tpu.memory_space<vmem>> -> memref<1x80x64xf32, #tpu.memory_space<vmem>>
        %dma_wait3A_301 = tpu.memref_squeeze %dma_wait3A_300 : memref<1x80x64xf32, #tpu.memory_space<vmem>> -> memref<80x64xf32, #tpu.memory_space<vmem>>
        %dma_wait3A_302 = arith.constant 0 : i32
        %dma_wait3A_303 = tpu.memref_slice %arg7[%run_scoped3A_229, %add3A_215, %dma_wait3A_302] : memref<2x125x80xi32, #tpu.memory_space<vmem>> -> memref<1x1x80xi32, #tpu.memory_space<vmem>>
        %dma_wait3A_304 = tpu.memref_squeeze %dma_wait3A_303 : memref<1x1x80xi32, #tpu.memory_space<vmem>> -> memref<80xi32, #tpu.memory_space<vmem>>
        %dma_wait3A_305 = arith.constant 0 : i32
        %dma_wait3A_306 = arith.constant 0 : i32
        %dma_wait3A_307 = tpu.memref_slice %arg9[%dma_wait3A_305, %dma_wait3A_306] : memref<10000x64xf32, #tpu.memory_space<vmem_shared>> -> memref<10000x64xf32, #tpu.memory_space<vmem_shared>>
        tpu.wait_indirect_dma semaphore(%run_scoped3A_287 : memref<!tpu.dma_semaphore, #tpu.memory_space<semaphore_mem>>) src(%dma_wait3A_301 : memref<80x64xf32, #tpu.memory_space<vmem>>) dst(%dma_wait3A_307 : memref<10000x64xf32, #tpu.memory_space<vmem_shared>>)
        tpu.yield
      }) : () -> ()
      %add3A_230 = arith.constant 5 : i32
      %add3A_231 = arith.addi %add3A_215, %add3A_230 : i32
      %lt3A_232 = arith.constant 125 : i32
      %lt3A_233 = arith.cmpi slt, %add3A_231, %lt3A_232 : i32
      %convert_element_type3A_234 = arith.extui %lt3A_233 : i1 to i32
      %cond3A_235 = arith.constant 0 : i32
      %cond3A_236 = arith.cmpi ne, %convert_element_type3A_234, %cond3A_235 : i32
      scf.if %cond3A_236 {
        %add3A_287 = arith.constant 5 : i32
        %add3A_288 = arith.addi %add3A_215, %add3A_287 : i32
        %dma_start3A_289 = arith.constant 0 : i32
        %dma_start3A_290 = arith.constant 2 : i32
        %dma_start3A_291 = arith.constant 0 : i32
        %dma_start3A_292 = arith.constant 0 : i32
        %dma_start3A_293 = tpu.memref_slice %arg8[%dma_start3A_290, %dma_start3A_291, %dma_start3A_292] : memref<5x80x64xf32, #tpu.memory_space<vmem>> -> memref<1x80x64xf32, #tpu.memory_space<vmem>>
        %dma_start3A_294 = tpu.memref_squeeze %dma_start3A_293 : memref<1x80x64xf32, #tpu.memory_space<vmem>> -> memref<80x64xf32, #tpu.memory_space<vmem>>
        %dma_start3A_295 = arith.constant 0 : i32
        %dma_start3A_296 = tpu.memref_slice %arg6[%dma_start3A_289, %add3A_288, %dma_start3A_295] : memref<2x125x80xi32, #tpu.memory_space<vmem>> -> memref<1x1x80xi32, #tpu.memory_space<vmem>>
        %dma_start3A_297 = tpu.memref_squeeze %dma_start3A_296 : memref<1x1x80xi32, #tpu.memory_space<vmem>> -> memref<80xi32, #tpu.memory_space<vmem>>
        %dma_start3A_298 = arith.constant 0 : i32
        %dma_start3A_299 = arith.constant 0 : i32
        %dma_start3A_300 = tpu.memref_slice %arg2[%dma_start3A_298, %dma_start3A_299] : memref<20000x64xf32, #tpu.memory_space<hbm>> -> memref<20000x64xf32, #tpu.memory_space<hbm>>
        tpu.enqueue_indirect_dma source(%dma_start3A_300 : memref<20000x64xf32, #tpu.memory_space<hbm>>) target(%dma_start3A_294 : memref<80x64xf32, #tpu.memory_space<vmem>>) offsets(%dma_start3A_297 : memref<80xi32, #tpu.memory_space<vmem>>) semaphore(%arg12 : memref<!tpu.dma_semaphore, #tpu.memory_space<semaphore_mem>>)
      } else {
      }
      %mul3A_237 = arith.constant 5 : i32
      %mul3A_238 = arith.muli %scan3A_164, %mul3A_237 : i32
      %add3A_239 = arith.constant 3 : i32
      %add3A_240 = arith.addi %mul3A_238, %add3A_239 : i32
      %dma_wait3A_241 = arith.constant 0 : i32
      %dma_wait3A_242 = arith.constant 3 : i32
      %dma_wait3A_243 = arith.constant 0 : i32
      %dma_wait3A_244 = arith.constant 0 : i32
      %dma_wait3A_245 = tpu.memref_slice %arg8[%dma_wait3A_242, %dma_wait3A_243, %dma_wait3A_244] : memref<5x80x64xf32, #tpu.memory_space<vmem>> -> memref<1x80x64xf32, #tpu.memory_space<vmem>>
      %dma_wait3A_246 = tpu.memref_squeeze %dma_wait3A_245 : memref<1x80x64xf32, #tpu.memory_space<vmem>> -> memref<80x64xf32, #tpu.memory_space<vmem>>
      %dma_wait3A_247 = arith.constant 0 : i32
      %dma_wait3A_248 = tpu.memref_slice %arg6[%dma_wait3A_241, %add3A_240, %dma_wait3A_247] : memref<2x125x80xi32, #tpu.memory_space<vmem>> -> memref<1x1x80xi32, #tpu.memory_space<vmem>>
      %dma_wait3A_249 = tpu.memref_squeeze %dma_wait3A_248 : memref<1x1x80xi32, #tpu.memory_space<vmem>> -> memref<80xi32, #tpu.memory_space<vmem>>
      %dma_wait3A_250 = arith.constant 0 : i32
      %dma_wait3A_251 = arith.constant 0 : i32
      %dma_wait3A_252 = tpu.memref_slice %arg2[%dma_wait3A_250, %dma_wait3A_251] : memref<20000x64xf32, #tpu.memory_space<hbm>> -> memref<20000x64xf32, #tpu.memory_space<hbm>>
      tpu.wait_indirect_dma semaphore(%arg13 : memref<!tpu.dma_semaphore, #tpu.memory_space<semaphore_mem>>) src(%dma_wait3A_252 : memref<20000x64xf32, #tpu.memory_space<hbm>>) dst(%dma_wait3A_246 : memref<80x64xf32, #tpu.memory_space<vmem>>)
      %run_scoped3A_253 = arith.constant 3 : i32
      %run_scoped3A_254 = arith.constant 0 : i32
      "tpu.region"() ({
        %run_scoped3A_287 = tpu.sem_alloc : memref<!tpu.dma_semaphore, #tpu.memory_space<semaphore_mem>>
        %dma_start3A_288 = arith.constant 0 : i32
        %dma_start3A_289 = arith.constant 0 : i32
        %dma_start3A_290 = tpu.memref_slice %arg8[%run_scoped3A_253, %dma_start3A_288, %dma_start3A_289] : memref<5x80x64xf32, #tpu.memory_space<vmem>> -> memref<1x80x64xf32, #tpu.memory_space<vmem>>
        %dma_start3A_291 = tpu.memref_squeeze %dma_start3A_290 : memref<1x80x64xf32, #tpu.memory_space<vmem>> -> memref<80x64xf32, #tpu.memory_space<vmem>>
        %dma_start3A_292 = arith.constant 0 : i32
        %dma_start3A_293 = tpu.memref_slice %arg7[%run_scoped3A_254, %add3A_240, %dma_start3A_292] : memref<2x125x80xi32, #tpu.memory_space<vmem>> -> memref<1x1x80xi32, #tpu.memory_space<vmem>>
        %dma_start3A_294 = tpu.memref_squeeze %dma_start3A_293 : memref<1x1x80xi32, #tpu.memory_space<vmem>> -> memref<80xi32, #tpu.memory_space<vmem>>
        %dma_start3A_295 = arith.constant 0 : i32
        %dma_start3A_296 = arith.constant 0 : i32
        %dma_start3A_297 = tpu.memref_slice %arg9[%dma_start3A_295, %dma_start3A_296] : memref<10000x64xf32, #tpu.memory_space<vmem_shared>> -> memref<10000x64xf32, #tpu.memory_space<vmem_shared>>
        tpu.enqueue_indirect_dma source(%dma_start3A_291 : memref<80x64xf32, #tpu.memory_space<vmem>>) target(%dma_start3A_297 : memref<10000x64xf32, #tpu.memory_space<vmem_shared>>) offsets(%dma_start3A_294 : memref<80xi32, #tpu.memory_space<vmem>>) semaphore(%run_scoped3A_287 : memref<!tpu.dma_semaphore, #tpu.memory_space<semaphore_mem>>) {add = true}
        %dma_wait3A_298 = arith.constant 0 : i32
        %dma_wait3A_299 = arith.constant 0 : i32
        %dma_wait3A_300 = tpu.memref_slice %arg8[%run_scoped3A_253, %dma_wait3A_298, %dma_wait3A_299] : memref<5x80x64xf32, #tpu.memory_space<vmem>> -> memref<1x80x64xf32, #tpu.memory_space<vmem>>
        %dma_wait3A_301 = tpu.memref_squeeze %dma_wait3A_300 : memref<1x80x64xf32, #tpu.memory_space<vmem>> -> memref<80x64xf32, #tpu.memory_space<vmem>>
        %dma_wait3A_302 = arith.constant 0 : i32
        %dma_wait3A_303 = tpu.memref_slice %arg7[%run_scoped3A_254, %add3A_240, %dma_wait3A_302] : memref<2x125x80xi32, #tpu.memory_space<vmem>> -> memref<1x1x80xi32, #tpu.memory_space<vmem>>
        %dma_wait3A_304 = tpu.memref_squeeze %dma_wait3A_303 : memref<1x1x80xi32, #tpu.memory_space<vmem>> -> memref<80xi32, #tpu.memory_space<vmem>>
        %dma_wait3A_305 = arith.constant 0 : i32
        %dma_wait3A_306 = arith.constant 0 : i32
        %dma_wait3A_307 = tpu.memref_slice %arg9[%dma_wait3A_305, %dma_wait3A_306] : memref<10000x64xf32, #tpu.memory_space<vmem_shared>> -> memref<10000x64xf32, #tpu.memory_space<vmem_shared>>
        tpu.wait_indirect_dma semaphore(%run_scoped3A_287 : memref<!tpu.dma_semaphore, #tpu.memory_space<semaphore_mem>>) src(%dma_wait3A_301 : memref<80x64xf32, #tpu.memory_space<vmem>>) dst(%dma_wait3A_307 : memref<10000x64xf32, #tpu.memory_space<vmem_shared>>)
        tpu.yield
      }) : () -> ()
      %add3A_255 = arith.constant 5 : i32
      %add3A_256 = arith.addi %add3A_240, %add3A_255 : i32
      %lt3A_257 = arith.constant 125 : i32
      %lt3A_258 = arith.cmpi slt, %add3A_256, %lt3A_257 : i32
      %convert_element_type3A_259 = arith.extui %lt3A_258 : i1 to i32
      %cond3A_260 = arith.constant 0 : i32
      %cond3A_261 = arith.cmpi ne, %convert_element_type3A_259, %cond3A_260 : i32
      scf.if %cond3A_261 {
        %add3A_287 = arith.constant 5 : i32
        %add3A_288 = arith.addi %add3A_240, %add3A_287 : i32
        %dma_start3A_289 = arith.constant 0 : i32
        %dma_start3A_290 = arith.constant 3 : i32
        %dma_start3A_291 = arith.constant 0 : i32
        %dma_start3A_292 = arith.constant 0 : i32
        %dma_start3A_293 = tpu.memref_slice %arg8[%dma_start3A_290, %dma_start3A_291, %dma_start3A_292] : memref<5x80x64xf32, #tpu.memory_space<vmem>> -> memref<1x80x64xf32, #tpu.memory_space<vmem>>
        %dma_start3A_294 = tpu.memref_squeeze %dma_start3A_293 : memref<1x80x64xf32, #tpu.memory_space<vmem>> -> memref<80x64xf32, #tpu.memory_space<vmem>>
        %dma_start3A_295 = arith.constant 0 : i32
        %dma_start3A_296 = tpu.memref_slice %arg6[%dma_start3A_289, %add3A_288, %dma_start3A_295] : memref<2x125x80xi32, #tpu.memory_space<vmem>> -> memref<1x1x80xi32, #tpu.memory_space<vmem>>
        %dma_start3A_297 = tpu.memref_squeeze %dma_start3A_296 : memref<1x1x80xi32, #tpu.memory_space<vmem>> -> memref<80xi32, #tpu.memory_space<vmem>>
        %dma_start3A_298 = arith.constant 0 : i32
        %dma_start3A_299 = arith.constant 0 : i32
        %dma_start3A_300 = tpu.memref_slice %arg2[%dma_start3A_298, %dma_start3A_299] : memref<20000x64xf32, #tpu.memory_space<hbm>> -> memref<20000x64xf32, #tpu.memory_space<hbm>>
        tpu.enqueue_indirect_dma source(%dma_start3A_300 : memref<20000x64xf32, #tpu.memory_space<hbm>>) target(%dma_start3A_294 : memref<80x64xf32, #tpu.memory_space<vmem>>) offsets(%dma_start3A_297 : memref<80xi32, #tpu.memory_space<vmem>>) semaphore(%arg13 : memref<!tpu.dma_semaphore, #tpu.memory_space<semaphore_mem>>)
      } else {
      }
      %mul3A_262 = arith.constant 5 : i32
      %mul3A_263 = arith.muli %scan3A_164, %mul3A_262 : i32
      %add3A_264 = arith.constant 4 : i32
      %add3A_265 = arith.addi %mul3A_263, %add3A_264 : i32
      %dma_wait3A_266 = arith.constant 0 : i32
      %dma_wait3A_267 = arith.constant 4 : i32
      %dma_wait3A_268 = arith.constant 0 : i32
      %dma_wait3A_269 = arith.constant 0 : i32
      %dma_wait3A_270 = tpu.memref_slice %arg8[%dma_wait3A_267, %dma_wait3A_268, %dma_wait3A_269] : memref<5x80x64xf32, #tpu.memory_space<vmem>> -> memref<1x80x64xf32, #tpu.memory_space<vmem>>
      %dma_wait3A_271 = tpu.memref_squeeze %dma_wait3A_270 : memref<1x80x64xf32, #tpu.memory_space<vmem>> -> memref<80x64xf32, #tpu.memory_space<vmem>>
      %dma_wait3A_272 = arith.constant 0 : i32
      %dma_wait3A_273 = tpu.memref_slice %arg6[%dma_wait3A_266, %add3A_265, %dma_wait3A_272] : memref<2x125x80xi32, #tpu.memory_space<vmem>> -> memref<1x1x80xi32, #tpu.memory_space<vmem>>
      %dma_wait3A_274 = tpu.memref_squeeze %dma_wait3A_273 : memref<1x1x80xi32, #tpu.memory_space<vmem>> -> memref<80xi32, #tpu.memory_space<vmem>>
      %dma_wait3A_275 = arith.constant 0 : i32
      %dma_wait3A_276 = arith.constant 0 : i32
      %dma_wait3A_277 = tpu.memref_slice %arg2[%dma_wait3A_275, %dma_wait3A_276] : memref<20000x64xf32, #tpu.memory_space<hbm>> -> memref<20000x64xf32, #tpu.memory_space<hbm>>
      tpu.wait_indirect_dma semaphore(%arg14 : memref<!tpu.dma_semaphore, #tpu.memory_space<semaphore_mem>>) src(%dma_wait3A_277 : memref<20000x64xf32, #tpu.memory_space<hbm>>) dst(%dma_wait3A_271 : memref<80x64xf32, #tpu.memory_space<vmem>>)
      %run_scoped3A_278 = arith.constant 4 : i32
      %run_scoped3A_279 = arith.constant 0 : i32
      "tpu.region"() ({
        %run_scoped3A_287 = tpu.sem_alloc : memref<!tpu.dma_semaphore, #tpu.memory_space<semaphore_mem>>
        %dma_start3A_288 = arith.constant 0 : i32
        %dma_start3A_289 = arith.constant 0 : i32
        %dma_start3A_290 = tpu.memref_slice %arg8[%run_scoped3A_278, %dma_start3A_288, %dma_start3A_289] : memref<5x80x64xf32, #tpu.memory_space<vmem>> -> memref<1x80x64xf32, #tpu.memory_space<vmem>>
        %dma_start3A_291 = tpu.memref_squeeze %dma_start3A_290 : memref<1x80x64xf32, #tpu.memory_space<vmem>> -> memref<80x64xf32, #tpu.memory_space<vmem>>
        %dma_start3A_292 = arith.constant 0 : i32
        %dma_start3A_293 = tpu.memref_slice %arg7[%run_scoped3A_279, %add3A_265, %dma_start3A_292] : memref<2x125x80xi32, #tpu.memory_space<vmem>> -> memref<1x1x80xi32, #tpu.memory_space<vmem>>
        %dma_start3A_294 = tpu.memref_squeeze %dma_start3A_293 : memref<1x1x80xi32, #tpu.memory_space<vmem>> -> memref<80xi32, #tpu.memory_space<vmem>>
        %dma_start3A_295 = arith.constant 0 : i32
        %dma_start3A_296 = arith.constant 0 : i32
        %dma_start3A_297 = tpu.memref_slice %arg9[%dma_start3A_295, %dma_start3A_296] : memref<10000x64xf32, #tpu.memory_space<vmem_shared>> -> memref<10000x64xf32, #tpu.memory_space<vmem_shared>>
        tpu.enqueue_indirect_dma source(%dma_start3A_291 : memref<80x64xf32, #tpu.memory_space<vmem>>) target(%dma_start3A_297 : memref<10000x64xf32, #tpu.memory_space<vmem_shared>>) offsets(%dma_start3A_294 : memref<80xi32, #tpu.memory_space<vmem>>) semaphore(%run_scoped3A_287 : memref<!tpu.dma_semaphore, #tpu.memory_space<semaphore_mem>>) {add = true}
        %dma_wait3A_298 = arith.constant 0 : i32
        %dma_wait3A_299 = arith.constant 0 : i32
        %dma_wait3A_300 = tpu.memref_slice %arg8[%run_scoped3A_278, %dma_wait3A_298, %dma_wait3A_299] : memref<5x80x64xf32, #tpu.memory_space<vmem>> -> memref<1x80x64xf32, #tpu.memory_space<vmem>>
        %dma_wait3A_301 = tpu.memref_squeeze %dma_wait3A_300 : memref<1x80x64xf32, #tpu.memory_space<vmem>> -> memref<80x64xf32, #tpu.memory_space<vmem>>
        %dma_wait3A_302 = arith.constant 0 : i32
        %dma_wait3A_303 = tpu.memref_slice %arg7[%run_scoped3A_279, %add3A_265, %dma_wait3A_302] : memref<2x125x80xi32, #tpu.memory_space<vmem>> -> memref<1x1x80xi32, #tpu.memory_space<vmem>>
        %dma_wait3A_304 = tpu.memref_squeeze %dma_wait3A_303 : memref<1x1x80xi32, #tpu.memory_space<vmem>> -> memref<80xi32, #tpu.memory_space<vmem>>
        %dma_wait3A_305 = arith.constant 0 : i32
        %dma_wait3A_306 = arith.constant 0 : i32
        %dma_wait3A_307 = tpu.memref_slice %arg9[%dma_wait3A_305, %dma_wait3A_306] : memref<10000x64xf32, #tpu.memory_space<vmem_shared>> -> memref<10000x64xf32, #tpu.memory_space<vmem_shared>>
        tpu.wait_indirect_dma semaphore(%run_scoped3A_287 : memref<!tpu.dma_semaphore, #tpu.memory_space<semaphore_mem>>) src(%dma_wait3A_301 : memref<80x64xf32, #tpu.memory_space<vmem>>) dst(%dma_wait3A_307 : memref<10000x64xf32, #tpu.memory_space<vmem_shared>>)
        tpu.yield
      }) : () -> ()
      %add3A_280 = arith.constant 5 : i32
      %add3A_281 = arith.addi %add3A_265, %add3A_280 : i32
      %lt3A_282 = arith.constant 125 : i32
      %lt3A_283 = arith.cmpi slt, %add3A_281, %lt3A_282 : i32
      %convert_element_type3A_284 = arith.extui %lt3A_283 : i1 to i32
      %cond3A_285 = arith.constant 0 : i32
      %cond3A_286 = arith.cmpi ne, %convert_element_type3A_284, %cond3A_285 : i32
      scf.if %cond3A_286 {
        %add3A_287 = arith.constant 5 : i32
        %add3A_288 = arith.addi %add3A_265, %add3A_287 : i32
        %dma_start3A_289 = arith.constant 0 : i32
        %dma_start3A_290 = arith.constant 4 : i32
        %dma_start3A_291 = arith.constant 0 : i32
        %dma_start3A_292 = arith.constant 0 : i32
        %dma_start3A_293 = tpu.memref_slice %arg8[%dma_start3A_290, %dma_start3A_291, %dma_start3A_292] : memref<5x80x64xf32, #tpu.memory_space<vmem>> -> memref<1x80x64xf32, #tpu.memory_space<vmem>>
        %dma_start3A_294 = tpu.memref_squeeze %dma_start3A_293 : memref<1x80x64xf32, #tpu.memory_space<vmem>> -> memref<80x64xf32, #tpu.memory_space<vmem>>
        %dma_start3A_295 = arith.constant 0 : i32
        %dma_start3A_296 = tpu.memref_slice %arg6[%dma_start3A_289, %add3A_288, %dma_start3A_295] : memref<2x125x80xi32, #tpu.memory_space<vmem>> -> memref<1x1x80xi32, #tpu.memory_space<vmem>>
        %dma_start3A_297 = tpu.memref_squeeze %dma_start3A_296 : memref<1x1x80xi32, #tpu.memory_space<vmem>> -> memref<80xi32, #tpu.memory_space<vmem>>
        %dma_start3A_298 = arith.constant 0 : i32
        %dma_start3A_299 = arith.constant 0 : i32
        %dma_start3A_300 = tpu.memref_slice %arg2[%dma_start3A_298, %dma_start3A_299] : memref<20000x64xf32, #tpu.memory_space<hbm>> -> memref<20000x64xf32, #tpu.memory_space<hbm>>
        tpu.enqueue_indirect_dma source(%dma_start3A_300 : memref<20000x64xf32, #tpu.memory_space<hbm>>) target(%dma_start3A_294 : memref<80x64xf32, #tpu.memory_space<vmem>>) offsets(%dma_start3A_297 : memref<80xi32, #tpu.memory_space<vmem>>) semaphore(%arg14 : memref<!tpu.dma_semaphore, #tpu.memory_space<semaphore_mem>>)
      } else {
      }
    }
    %scan3A_86 = arith.constant 25 : i32
    %dma_start3A_87 = arith.constant 1 : i32
    %dma_start3A_88 = arith.constant 0 : i32
    %dma_start3A_89 = arith.constant 0 : i32
    %dma_start3A_90 = arith.constant 0 : i32
    %dma_start3A_91 = arith.constant 0 : i32
    %dma_start3A_92 = tpu.memref_slice %arg8[%dma_start3A_89, %dma_start3A_90, %dma_start3A_91] : memref<5x80x64xf32, #tpu.memory_space<vmem>> -> memref<1x80x64xf32, #tpu.memory_space<vmem>>
    %dma_start3A_93 = tpu.memref_squeeze %dma_start3A_92 : memref<1x80x64xf32, #tpu.memory_space<vmem>> -> memref<80x64xf32, #tpu.memory_space<vmem>>
    %dma_start3A_94 = arith.constant 0 : i32
    %dma_start3A_95 = tpu.memref_slice %arg6[%dma_start3A_87, %dma_start3A_88, %dma_start3A_94] : memref<2x125x80xi32, #tpu.memory_space<vmem>> -> memref<1x1x80xi32, #tpu.memory_space<vmem>>
    %dma_start3A_96 = tpu.memref_squeeze %dma_start3A_95 : memref<1x1x80xi32, #tpu.memory_space<vmem>> -> memref<80xi32, #tpu.memory_space<vmem>>
    %dma_start3A_97 = arith.constant 0 : i32
    %dma_start3A_98 = arith.constant 0 : i32
    %dma_start3A_99 = tpu.memref_slice %arg2[%dma_start3A_97, %dma_start3A_98] : memref<20000x64xf32, #tpu.memory_space<hbm>> -> memref<20000x64xf32, #tpu.memory_space<hbm>>
    tpu.enqueue_indirect_dma source(%dma_start3A_99 : memref<20000x64xf32, #tpu.memory_space<hbm>>) target(%dma_start3A_93 : memref<80x64xf32, #tpu.memory_space<vmem>>) offsets(%dma_start3A_96 : memref<80xi32, #tpu.memory_space<vmem>>) semaphore(%arg10 : memref<!tpu.dma_semaphore, #tpu.memory_space<semaphore_mem>>)
    %dma_start3A_100 = arith.constant 1 : i32
    %dma_start3A_101 = arith.constant 1 : i32
    %dma_start3A_102 = arith.constant 1 : i32
    %dma_start3A_103 = arith.constant 0 : i32
    %dma_start3A_104 = arith.constant 0 : i32
    %dma_start3A_105 = tpu.memref_slice %arg8[%dma_start3A_102, %dma_start3A_103, %dma_start3A_104] : memref<5x80x64xf32, #tpu.memory_space<vmem>> -> memref<1x80x64xf32, #tpu.memory_space<vmem>>
    %dma_start3A_106 = tpu.memref_squeeze %dma_start3A_105 : memref<1x80x64xf32, #tpu.memory_space<vmem>> -> memref<80x64xf32, #tpu.memory_space<vmem>>
    %dma_start3A_107 = arith.constant 0 : i32
    %dma_start3A_108 = tpu.memref_slice %arg6[%dma_start3A_100, %dma_start3A_101, %dma_start3A_107] : memref<2x125x80xi32, #tpu.memory_space<vmem>> -> memref<1x1x80xi32, #tpu.memory_space<vmem>>
    %dma_start3A_109 = tpu.memref_squeeze %dma_start3A_108 : memref<1x1x80xi32, #tpu.memory_space<vmem>> -> memref<80xi32, #tpu.memory_space<vmem>>
    %dma_start3A_110 = arith.constant 0 : i32
    %dma_start3A_111 = arith.constant 0 : i32
    %dma_start3A_112 = tpu.memref_slice %arg2[%dma_start3A_110, %dma_start3A_111] : memref<20000x64xf32, #tpu.memory_space<hbm>> -> memref<20000x64xf32, #tpu.memory_space<hbm>>
    tpu.enqueue_indirect_dma source(%dma_start3A_112 : memref<20000x64xf32, #tpu.memory_space<hbm>>) target(%dma_start3A_106 : memref<80x64xf32, #tpu.memory_space<vmem>>) offsets(%dma_start3A_109 : memref<80xi32, #tpu.memory_space<vmem>>) semaphore(%arg11 : memref<!tpu.dma_semaphore, #tpu.memory_space<semaphore_mem>>)
    %dma_start3A_113 = arith.constant 1 : i32
    %dma_start3A_114 = arith.constant 2 : i32
    %dma_start3A_115 = arith.constant 2 : i32
    %dma_start3A_116 = arith.constant 0 : i32
    %dma_start3A_117 = arith.constant 0 : i32
    %dma_start3A_118 = tpu.memref_slice %arg8[%dma_start3A_115, %dma_start3A_116, %dma_start3A_117] : memref<5x80x64xf32, #tpu.memory_space<vmem>> -> memref<1x80x64xf32, #tpu.memory_space<vmem>>
    %dma_start3A_119 = tpu.memref_squeeze %dma_start3A_118 : memref<1x80x64xf32, #tpu.memory_space<vmem>> -> memref<80x64xf32, #tpu.memory_space<vmem>>
    %dma_start3A_120 = arith.constant 0 : i32
    %dma_start3A_121 = tpu.memref_slice %arg6[%dma_start3A_113, %dma_start3A_114, %dma_start3A_120] : memref<2x125x80xi32, #tpu.memory_space<vmem>> -> memref<1x1x80xi32, #tpu.memory_space<vmem>>
    %dma_start3A_122 = tpu.memref_squeeze %dma_start3A_121 : memref<1x1x80xi32, #tpu.memory_space<vmem>> -> memref<80xi32, #tpu.memory_space<vmem>>
    %dma_start3A_123 = arith.constant 0 : i32
    %dma_start3A_124 = arith.constant 0 : i32
    %dma_start3A_125 = tpu.memref_slice %arg2[%dma_start3A_123, %dma_start3A_124] : memref<20000x64xf32, #tpu.memory_space<hbm>> -> memref<20000x64xf32, #tpu.memory_space<hbm>>
    tpu.enqueue_indirect_dma source(%dma_start3A_125 : memref<20000x64xf32, #tpu.memory_space<hbm>>) target(%dma_start3A_119 : memref<80x64xf32, #tpu.memory_space<vmem>>) offsets(%dma_start3A_122 : memref<80xi32, #tpu.memory_space<vmem>>) semaphore(%arg12 : memref<!tpu.dma_semaphore, #tpu.memory_space<semaphore_mem>>)
    %dma_start3A_126 = arith.constant 1 : i32
    %dma_start3A_127 = arith.constant 3 : i32
    %dma_start3A_128 = arith.constant 3 : i32
    %dma_start3A_129 = arith.constant 0 : i32
    %dma_start3A_130 = arith.constant 0 : i32
    %dma_start3A_131 = tpu.memref_slice %arg8[%dma_start3A_128, %dma_start3A_129, %dma_start3A_130] : memref<5x80x64xf32, #tpu.memory_space<vmem>> -> memref<1x80x64xf32, #tpu.memory_space<vmem>>
    %dma_start3A_132 = tpu.memref_squeeze %dma_start3A_131 : memref<1x80x64xf32, #tpu.memory_space<vmem>> -> memref<80x64xf32, #tpu.memory_space<vmem>>
    %dma_start3A_133 = arith.constant 0 : i32
    %dma_start3A_134 = tpu.memref_slice %arg6[%dma_start3A_126, %dma_start3A_127, %dma_start3A_133] : memref<2x125x80xi32, #tpu.memory_space<vmem>> -> memref<1x1x80xi32, #tpu.memory_space<vmem>>
    %dma_start3A_135 = tpu.memref_squeeze %dma_start3A_134 : memref<1x1x80xi32, #tpu.memory_space<vmem>> -> memref<80xi32, #tpu.memory_space<vmem>>
    %dma_start3A_136 = arith.constant 0 : i32
    %dma_start3A_137 = arith.constant 0 : i32
    %dma_start3A_138 = tpu.memref_slice %arg2[%dma_start3A_136, %dma_start3A_137] : memref<20000x64xf32, #tpu.memory_space<hbm>> -> memref<20000x64xf32, #tpu.memory_space<hbm>>
    tpu.enqueue_indirect_dma source(%dma_start3A_138 : memref<20000x64xf32, #tpu.memory_space<hbm>>) target(%dma_start3A_132 : memref<80x64xf32, #tpu.memory_space<vmem>>) offsets(%dma_start3A_135 : memref<80xi32, #tpu.memory_space<vmem>>) semaphore(%arg13 : memref<!tpu.dma_semaphore, #tpu.memory_space<semaphore_mem>>)
    %dma_start3A_139 = arith.constant 1 : i32
    %dma_start3A_140 = arith.constant 4 : i32
    %dma_start3A_141 = arith.constant 4 : i32
    %dma_start3A_142 = arith.constant 0 : i32
    %dma_start3A_143 = arith.constant 0 : i32
    %dma_start3A_144 = tpu.memref_slice %arg8[%dma_start3A_141, %dma_start3A_142, %dma_start3A_143] : memref<5x80x64xf32, #tpu.memory_space<vmem>> -> memref<1x80x64xf32, #tpu.memory_space<vmem>>
    %dma_start3A_145 = tpu.memref_squeeze %dma_start3A_144 : memref<1x80x64xf32, #tpu.memory_space<vmem>> -> memref<80x64xf32, #tpu.memory_space<vmem>>
    %dma_start3A_146 = arith.constant 0 : i32
    %dma_start3A_147 = tpu.memref_slice %arg6[%dma_start3A_139, %dma_start3A_140, %dma_start3A_146] : memref<2x125x80xi32, #tpu.memory_space<vmem>> -> memref<1x1x80xi32, #tpu.memory_space<vmem>>
    %dma_start3A_148 = tpu.memref_squeeze %dma_start3A_147 : memref<1x1x80xi32, #tpu.memory_space<vmem>> -> memref<80xi32, #tpu.memory_space<vmem>>
    %dma_start3A_149 = arith.constant 0 : i32
    %dma_start3A_150 = arith.constant 0 : i32
    %dma_start3A_151 = tpu.memref_slice %arg2[%dma_start3A_149, %dma_start3A_150] : memref<20000x64xf32, #tpu.memory_space<hbm>> -> memref<20000x64xf32, #tpu.memory_space<hbm>>
    tpu.enqueue_indirect_dma source(%dma_start3A_151 : memref<20000x64xf32, #tpu.memory_space<hbm>>) target(%dma_start3A_145 : memref<80x64xf32, #tpu.memory_space<vmem>>) offsets(%dma_start3A_148 : memref<80xi32, #tpu.memory_space<vmem>>) semaphore(%arg14 : memref<!tpu.dma_semaphore, #tpu.memory_space<semaphore_mem>>)
    %scan3A_152 = arith.constant 0 : i32
    %scan3A_153 = arith.constant 0 : i32
    %scan3A_154 = arith.constant 25 : i32
    %scan3A_155 = arith.addi %scan3A_153, %scan3A_154 : i32
    %scan3A_156 = arith.constant 1 : i32
    scf.for %scan3A_164 = %scan3A_153 to %scan3A_155 step %scan3A_156  : i32 {
      %mul3A_165 = arith.constant 5 : i32
      %mul3A_166 = arith.muli %scan3A_164, %mul3A_165 : i32
      %add3A = arith.constant 0 : i32
      %add3A_167 = arith.addi %mul3A_166, %add3A : i32
      %dma_wait3A = arith.constant 1 : i32
      %dma_wait3A_168 = arith.constant 0 : i32
      %dma_wait3A_169 = arith.constant 0 : i32
      %dma_wait3A_170 = arith.constant 0 : i32
      %dma_wait3A_171 = tpu.memref_slice %arg8[%dma_wait3A_168, %dma_wait3A_169, %dma_wait3A_170] : memref<5x80x64xf32, #tpu.memory_space<vmem>> -> memref<1x80x64xf32, #tpu.memory_space<vmem>>
      %dma_wait3A_172 = tpu.memref_squeeze %dma_wait3A_171 : memref<1x80x64xf32, #tpu.memory_space<vmem>> -> memref<80x64xf32, #tpu.memory_space<vmem>>
      %dma_wait3A_173 = arith.constant 0 : i32
      %dma_wait3A_174 = tpu.memref_slice %arg6[%dma_wait3A, %add3A_167, %dma_wait3A_173] : memref<2x125x80xi32, #tpu.memory_space<vmem>> -> memref<1x1x80xi32, #tpu.memory_space<vmem>>
      %dma_wait3A_175 = tpu.memref_squeeze %dma_wait3A_174 : memref<1x1x80xi32, #tpu.memory_space<vmem>> -> memref<80xi32, #tpu.memory_space<vmem>>
      %dma_wait3A_176 = arith.constant 0 : i32
      %dma_wait3A_177 = arith.constant 0 : i32
      %dma_wait3A_178 = tpu.memref_slice %arg2[%dma_wait3A_176, %dma_wait3A_177] : memref<20000x64xf32, #tpu.memory_space<hbm>> -> memref<20000x64xf32, #tpu.memory_space<hbm>>
      tpu.wait_indirect_dma semaphore(%arg10 : memref<!tpu.dma_semaphore, #tpu.memory_space<semaphore_mem>>) src(%dma_wait3A_178 : memref<20000x64xf32, #tpu.memory_space<hbm>>) dst(%dma_wait3A_172 : memref<80x64xf32, #tpu.memory_space<vmem>>)
      %run_scoped3A_179 = arith.constant 0 : i32
      %run_scoped3A_180 = arith.constant 1 : i32
      "tpu.region"() ({
        %run_scoped3A_287 = tpu.sem_alloc : memref<!tpu.dma_semaphore, #tpu.memory_space<semaphore_mem>>
        %dma_start3A_288 = arith.constant 0 : i32
        %dma_start3A_289 = arith.constant 0 : i32
        %dma_start3A_290 = tpu.memref_slice %arg8[%run_scoped3A_179, %dma_start3A_288, %dma_start3A_289] : memref<5x80x64xf32, #tpu.memory_space<vmem>> -> memref<1x80x64xf32, #tpu.memory_space<vmem>>
        %dma_start3A_291 = tpu.memref_squeeze %dma_start3A_290 : memref<1x80x64xf32, #tpu.memory_space<vmem>> -> memref<80x64xf32, #tpu.memory_space<vmem>>
        %dma_start3A_292 = arith.constant 0 : i32
        %dma_start3A_293 = tpu.memref_slice %arg7[%run_scoped3A_180, %add3A_167, %dma_start3A_292] : memref<2x125x80xi32, #tpu.memory_space<vmem>> -> memref<1x1x80xi32, #tpu.memory_space<vmem>>
        %dma_start3A_294 = tpu.memref_squeeze %dma_start3A_293 : memref<1x1x80xi32, #tpu.memory_space<vmem>> -> memref<80xi32, #tpu.memory_space<vmem>>
        %dma_start3A_295 = arith.constant 0 : i32
        %dma_start3A_296 = arith.constant 0 : i32
        %dma_start3A_297 = tpu.memref_slice %arg9[%dma_start3A_295, %dma_start3A_296] : memref<10000x64xf32, #tpu.memory_space<vmem_shared>> -> memref<10000x64xf32, #tpu.memory_space<vmem_shared>>
        tpu.enqueue_indirect_dma source(%dma_start3A_291 : memref<80x64xf32, #tpu.memory_space<vmem>>) target(%dma_start3A_297 : memref<10000x64xf32, #tpu.memory_space<vmem_shared>>) offsets(%dma_start3A_294 : memref<80xi32, #tpu.memory_space<vmem>>) semaphore(%run_scoped3A_287 : memref<!tpu.dma_semaphore, #tpu.memory_space<semaphore_mem>>) {add = true}
        %dma_wait3A_298 = arith.constant 0 : i32
        %dma_wait3A_299 = arith.constant 0 : i32
        %dma_wait3A_300 = tpu.memref_slice %arg8[%run_scoped3A_179, %dma_wait3A_298, %dma_wait3A_299] : memref<5x80x64xf32, #tpu.memory_space<vmem>> -> memref<1x80x64xf32, #tpu.memory_space<vmem>>
        %dma_wait3A_301 = tpu.memref_squeeze %dma_wait3A_300 : memref<1x80x64xf32, #tpu.memory_space<vmem>> -> memref<80x64xf32, #tpu.memory_space<vmem>>
        %dma_wait3A_302 = arith.constant 0 : i32
        %dma_wait3A_303 = tpu.memref_slice %arg7[%run_scoped3A_180, %add3A_167, %dma_wait3A_302] : memref<2x125x80xi32, #tpu.memory_space<vmem>> -> memref<1x1x80xi32, #tpu.memory_space<vmem>>
        %dma_wait3A_304 = tpu.memref_squeeze %dma_wait3A_303 : memref<1x1x80xi32, #tpu.memory_space<vmem>> -> memref<80xi32, #tpu.memory_space<vmem>>
        %dma_wait3A_305 = arith.constant 0 : i32
        %dma_wait3A_306 = arith.constant 0 : i32
        %dma_wait3A_307 = tpu.memref_slice %arg9[%dma_wait3A_305, %dma_wait3A_306] : memref<10000x64xf32, #tpu.memory_space<vmem_shared>> -> memref<10000x64xf32, #tpu.memory_space<vmem_shared>>
        tpu.wait_indirect_dma semaphore(%run_scoped3A_287 : memref<!tpu.dma_semaphore, #tpu.memory_space<semaphore_mem>>) src(%dma_wait3A_301 : memref<80x64xf32, #tpu.memory_space<vmem>>) dst(%dma_wait3A_307 : memref<10000x64xf32, #tpu.memory_space<vmem_shared>>)
        tpu.yield
      }) : () -> ()
      %add3A_181 = arith.constant 5 : i32
      %add3A_182 = arith.addi %add3A_167, %add3A_181 : i32
      %lt3A = arith.constant 125 : i32
      %lt3A_183 = arith.cmpi slt, %add3A_182, %lt3A : i32
      %convert_element_type3A_184 = arith.extui %lt3A_183 : i1 to i32
      %cond3A_185 = arith.constant 0 : i32
      %cond3A_186 = arith.cmpi ne, %convert_element_type3A_184, %cond3A_185 : i32
      scf.if %cond3A_186 {
        %add3A_287 = arith.constant 5 : i32
        %add3A_288 = arith.addi %add3A_167, %add3A_287 : i32
        %dma_start3A_289 = arith.constant 1 : i32
        %dma_start3A_290 = arith.constant 0 : i32
        %dma_start3A_291 = arith.constant 0 : i32
        %dma_start3A_292 = arith.constant 0 : i32
        %dma_start3A_293 = tpu.memref_slice %arg8[%dma_start3A_290, %dma_start3A_291, %dma_start3A_292] : memref<5x80x64xf32, #tpu.memory_space<vmem>> -> memref<1x80x64xf32, #tpu.memory_space<vmem>>
        %dma_start3A_294 = tpu.memref_squeeze %dma_start3A_293 : memref<1x80x64xf32, #tpu.memory_space<vmem>> -> memref<80x64xf32, #tpu.memory_space<vmem>>
        %dma_start3A_295 = arith.constant 0 : i32
        %dma_start3A_296 = tpu.memref_slice %arg6[%dma_start3A_289, %add3A_288, %dma_start3A_295] : memref<2x125x80xi32, #tpu.memory_space<vmem>> -> memref<1x1x80xi32, #tpu.memory_space<vmem>>
        %dma_start3A_297 = tpu.memref_squeeze %dma_start3A_296 : memref<1x1x80xi32, #tpu.memory_space<vmem>> -> memref<80xi32, #tpu.memory_space<vmem>>
        %dma_start3A_298 = arith.constant 0 : i32
        %dma_start3A_299 = arith.constant 0 : i32
        %dma_start3A_300 = tpu.memref_slice %arg2[%dma_start3A_298, %dma_start3A_299] : memref<20000x64xf32, #tpu.memory_space<hbm>> -> memref<20000x64xf32, #tpu.memory_space<hbm>>
        tpu.enqueue_indirect_dma source(%dma_start3A_300 : memref<20000x64xf32, #tpu.memory_space<hbm>>) target(%dma_start3A_294 : memref<80x64xf32, #tpu.memory_space<vmem>>) offsets(%dma_start3A_297 : memref<80xi32, #tpu.memory_space<vmem>>) semaphore(%arg10 : memref<!tpu.dma_semaphore, #tpu.memory_space<semaphore_mem>>)
      } else {
      }
      %mul3A_187 = arith.constant 5 : i32
      %mul3A_188 = arith.muli %scan3A_164, %mul3A_187 : i32
      %add3A_189 = arith.constant 1 : i32
      %add3A_190 = arith.addi %mul3A_188, %add3A_189 : i32
      %dma_wait3A_191 = arith.constant 1 : i32
      %dma_wait3A_192 = arith.constant 1 : i32
      %dma_wait3A_193 = arith.constant 0 : i32
      %dma_wait3A_194 = arith.constant 0 : i32
      %dma_wait3A_195 = tpu.memref_slice %arg8[%dma_wait3A_192, %dma_wait3A_193, %dma_wait3A_194] : memref<5x80x64xf32, #tpu.memory_space<vmem>> -> memref<1x80x64xf32, #tpu.memory_space<vmem>>
      %dma_wait3A_196 = tpu.memref_squeeze %dma_wait3A_195 : memref<1x80x64xf32, #tpu.memory_space<vmem>> -> memref<80x64xf32, #tpu.memory_space<vmem>>
      %dma_wait3A_197 = arith.constant 0 : i32
      %dma_wait3A_198 = tpu.memref_slice %arg6[%dma_wait3A_191, %add3A_190, %dma_wait3A_197] : memref<2x125x80xi32, #tpu.memory_space<vmem>> -> memref<1x1x80xi32, #tpu.memory_space<vmem>>
      %dma_wait3A_199 = tpu.memref_squeeze %dma_wait3A_198 : memref<1x1x80xi32, #tpu.memory_space<vmem>> -> memref<80xi32, #tpu.memory_space<vmem>>
      %dma_wait3A_200 = arith.constant 0 : i32
      %dma_wait3A_201 = arith.constant 0 : i32
      %dma_wait3A_202 = tpu.memref_slice %arg2[%dma_wait3A_200, %dma_wait3A_201] : memref<20000x64xf32, #tpu.memory_space<hbm>> -> memref<20000x64xf32, #tpu.memory_space<hbm>>
      tpu.wait_indirect_dma semaphore(%arg11 : memref<!tpu.dma_semaphore, #tpu.memory_space<semaphore_mem>>) src(%dma_wait3A_202 : memref<20000x64xf32, #tpu.memory_space<hbm>>) dst(%dma_wait3A_196 : memref<80x64xf32, #tpu.memory_space<vmem>>)
      %run_scoped3A_203 = arith.constant 1 : i32
      %run_scoped3A_204 = arith.constant 1 : i32
      "tpu.region"() ({
        %run_scoped3A_287 = tpu.sem_alloc : memref<!tpu.dma_semaphore, #tpu.memory_space<semaphore_mem>>
        %dma_start3A_288 = arith.constant 0 : i32
        %dma_start3A_289 = arith.constant 0 : i32
        %dma_start3A_290 = tpu.memref_slice %arg8[%run_scoped3A_203, %dma_start3A_288, %dma_start3A_289] : memref<5x80x64xf32, #tpu.memory_space<vmem>> -> memref<1x80x64xf32, #tpu.memory_space<vmem>>
        %dma_start3A_291 = tpu.memref_squeeze %dma_start3A_290 : memref<1x80x64xf32, #tpu.memory_space<vmem>> -> memref<80x64xf32, #tpu.memory_space<vmem>>
        %dma_start3A_292 = arith.constant 0 : i32
        %dma_start3A_293 = tpu.memref_slice %arg7[%run_scoped3A_204, %add3A_190, %dma_start3A_292] : memref<2x125x80xi32, #tpu.memory_space<vmem>> -> memref<1x1x80xi32, #tpu.memory_space<vmem>>
        %dma_start3A_294 = tpu.memref_squeeze %dma_start3A_293 : memref<1x1x80xi32, #tpu.memory_space<vmem>> -> memref<80xi32, #tpu.memory_space<vmem>>
        %dma_start3A_295 = arith.constant 0 : i32
        %dma_start3A_296 = arith.constant 0 : i32
        %dma_start3A_297 = tpu.memref_slice %arg9[%dma_start3A_295, %dma_start3A_296] : memref<10000x64xf32, #tpu.memory_space<vmem_shared>> -> memref<10000x64xf32, #tpu.memory_space<vmem_shared>>
        tpu.enqueue_indirect_dma source(%dma_start3A_291 : memref<80x64xf32, #tpu.memory_space<vmem>>) target(%dma_start3A_297 : memref<10000x64xf32, #tpu.memory_space<vmem_shared>>) offsets(%dma_start3A_294 : memref<80xi32, #tpu.memory_space<vmem>>) semaphore(%run_scoped3A_287 : memref<!tpu.dma_semaphore, #tpu.memory_space<semaphore_mem>>) {add = true}
        %dma_wait3A_298 = arith.constant 0 : i32
        %dma_wait3A_299 = arith.constant 0 : i32
        %dma_wait3A_300 = tpu.memref_slice %arg8[%run_scoped3A_203, %dma_wait3A_298, %dma_wait3A_299] : memref<5x80x64xf32, #tpu.memory_space<vmem>> -> memref<1x80x64xf32, #tpu.memory_space<vmem>>
        %dma_wait3A_301 = tpu.memref_squeeze %dma_wait3A_300 : memref<1x80x64xf32, #tpu.memory_space<vmem>> -> memref<80x64xf32, #tpu.memory_space<vmem>>
        %dma_wait3A_302 = arith.constant 0 : i32
        %dma_wait3A_303 = tpu.memref_slice %arg7[%run_scoped3A_204, %add3A_190, %dma_wait3A_302] : memref<2x125x80xi32, #tpu.memory_space<vmem>> -> memref<1x1x80xi32, #tpu.memory_space<vmem>>
        %dma_wait3A_304 = tpu.memref_squeeze %dma_wait3A_303 : memref<1x1x80xi32, #tpu.memory_space<vmem>> -> memref<80xi32, #tpu.memory_space<vmem>>
        %dma_wait3A_305 = arith.constant 0 : i32
        %dma_wait3A_306 = arith.constant 0 : i32
        %dma_wait3A_307 = tpu.memref_slice %arg9[%dma_wait3A_305, %dma_wait3A_306] : memref<10000x64xf32, #tpu.memory_space<vmem_shared>> -> memref<10000x64xf32, #tpu.memory_space<vmem_shared>>
        tpu.wait_indirect_dma semaphore(%run_scoped3A_287 : memref<!tpu.dma_semaphore, #tpu.memory_space<semaphore_mem>>) src(%dma_wait3A_301 : memref<80x64xf32, #tpu.memory_space<vmem>>) dst(%dma_wait3A_307 : memref<10000x64xf32, #tpu.memory_space<vmem_shared>>)
        tpu.yield
      }) : () -> ()
      %add3A_205 = arith.constant 5 : i32
      %add3A_206 = arith.addi %add3A_190, %add3A_205 : i32
      %lt3A_207 = arith.constant 125 : i32
      %lt3A_208 = arith.cmpi slt, %add3A_206, %lt3A_207 : i32
      %convert_element_type3A_209 = arith.extui %lt3A_208 : i1 to i32
      %cond3A_210 = arith.constant 0 : i32
      %cond3A_211 = arith.cmpi ne, %convert_element_type3A_209, %cond3A_210 : i32
      scf.if %cond3A_211 {
        %add3A_287 = arith.constant 5 : i32
        %add3A_288 = arith.addi %add3A_190, %add3A_287 : i32
        %dma_start3A_289 = arith.constant 1 : i32
        %dma_start3A_290 = arith.constant 1 : i32
        %dma_start3A_291 = arith.constant 0 : i32
        %dma_start3A_292 = arith.constant 0 : i32
        %dma_start3A_293 = tpu.memref_slice %arg8[%dma_start3A_290, %dma_start3A_291, %dma_start3A_292] : memref<5x80x64xf32, #tpu.memory_space<vmem>> -> memref<1x80x64xf32, #tpu.memory_space<vmem>>
        %dma_start3A_294 = tpu.memref_squeeze %dma_start3A_293 : memref<1x80x64xf32, #tpu.memory_space<vmem>> -> memref<80x64xf32, #tpu.memory_space<vmem>>
        %dma_start3A_295 = arith.constant 0 : i32
        %dma_start3A_296 = tpu.memref_slice %arg6[%dma_start3A_289, %add3A_288, %dma_start3A_295] : memref<2x125x80xi32, #tpu.memory_space<vmem>> -> memref<1x1x80xi32, #tpu.memory_space<vmem>>
        %dma_start3A_297 = tpu.memref_squeeze %dma_start3A_296 : memref<1x1x80xi32, #tpu.memory_space<vmem>> -> memref<80xi32, #tpu.memory_space<vmem>>
        %dma_start3A_298 = arith.constant 0 : i32
        %dma_start3A_299 = arith.constant 0 : i32
        %dma_start3A_300 = tpu.memref_slice %arg2[%dma_start3A_298, %dma_start3A_299] : memref<20000x64xf32, #tpu.memory_space<hbm>> -> memref<20000x64xf32, #tpu.memory_space<hbm>>
        tpu.enqueue_indirect_dma source(%dma_start3A_300 : memref<20000x64xf32, #tpu.memory_space<hbm>>) target(%dma_start3A_294 : memref<80x64xf32, #tpu.memory_space<vmem>>) offsets(%dma_start3A_297 : memref<80xi32, #tpu.memory_space<vmem>>) semaphore(%arg11 : memref<!tpu.dma_semaphore, #tpu.memory_space<semaphore_mem>>)
      } else {
      }
      %mul3A_212 = arith.constant 5 : i32
      %mul3A_213 = arith.muli %scan3A_164, %mul3A_212 : i32
      %add3A_214 = arith.constant 2 : i32
      %add3A_215 = arith.addi %mul3A_213, %add3A_214 : i32
      %dma_wait3A_216 = arith.constant 1 : i32
      %dma_wait3A_217 = arith.constant 2 : i32
      %dma_wait3A_218 = arith.constant 0 : i32
      %dma_wait3A_219 = arith.constant 0 : i32
      %dma_wait3A_220 = tpu.memref_slice %arg8[%dma_wait3A_217, %dma_wait3A_218, %dma_wait3A_219] : memref<5x80x64xf32, #tpu.memory_space<vmem>> -> memref<1x80x64xf32, #tpu.memory_space<vmem>>
      %dma_wait3A_221 = tpu.memref_squeeze %dma_wait3A_220 : memref<1x80x64xf32, #tpu.memory_space<vmem>> -> memref<80x64xf32, #tpu.memory_space<vmem>>
      %dma_wait3A_222 = arith.constant 0 : i32
      %dma_wait3A_223 = tpu.memref_slice %arg6[%dma_wait3A_216, %add3A_215, %dma_wait3A_222] : memref<2x125x80xi32, #tpu.memory_space<vmem>> -> memref<1x1x80xi32, #tpu.memory_space<vmem>>
      %dma_wait3A_224 = tpu.memref_squeeze %dma_wait3A_223 : memref<1x1x80xi32, #tpu.memory_space<vmem>> -> memref<80xi32, #tpu.memory_space<vmem>>
      %dma_wait3A_225 = arith.constant 0 : i32
      %dma_wait3A_226 = arith.constant 0 : i32
      %dma_wait3A_227 = tpu.memref_slice %arg2[%dma_wait3A_225, %dma_wait3A_226] : memref<20000x64xf32, #tpu.memory_space<hbm>> -> memref<20000x64xf32, #tpu.memory_space<hbm>>
      tpu.wait_indirect_dma semaphore(%arg12 : memref<!tpu.dma_semaphore, #tpu.memory_space<semaphore_mem>>) src(%dma_wait3A_227 : memref<20000x64xf32, #tpu.memory_space<hbm>>) dst(%dma_wait3A_221 : memref<80x64xf32, #tpu.memory_space<vmem>>)
      %run_scoped3A_228 = arith.constant 2 : i32
      %run_scoped3A_229 = arith.constant 1 : i32
      "tpu.region"() ({
        %run_scoped3A_287 = tpu.sem_alloc : memref<!tpu.dma_semaphore, #tpu.memory_space<semaphore_mem>>
        %dma_start3A_288 = arith.constant 0 : i32
        %dma_start3A_289 = arith.constant 0 : i32
        %dma_start3A_290 = tpu.memref_slice %arg8[%run_scoped3A_228, %dma_start3A_288, %dma_start3A_289] : memref<5x80x64xf32, #tpu.memory_space<vmem>> -> memref<1x80x64xf32, #tpu.memory_space<vmem>>
        %dma_start3A_291 = tpu.memref_squeeze %dma_start3A_290 : memref<1x80x64xf32, #tpu.memory_space<vmem>> -> memref<80x64xf32, #tpu.memory_space<vmem>>
        %dma_start3A_292 = arith.constant 0 : i32
        %dma_start3A_293 = tpu.memref_slice %arg7[%run_scoped3A_229, %add3A_215, %dma_start3A_292] : memref<2x125x80xi32, #tpu.memory_space<vmem>> -> memref<1x1x80xi32, #tpu.memory_space<vmem>>
        %dma_start3A_294 = tpu.memref_squeeze %dma_start3A_293 : memref<1x1x80xi32, #tpu.memory_space<vmem>> -> memref<80xi32, #tpu.memory_space<vmem>>
        %dma_start3A_295 = arith.constant 0 : i32
        %dma_start3A_296 = arith.constant 0 : i32
        %dma_start3A_297 = tpu.memref_slice %arg9[%dma_start3A_295, %dma_start3A_296] : memref<10000x64xf32, #tpu.memory_space<vmem_shared>> -> memref<10000x64xf32, #tpu.memory_space<vmem_shared>>
        tpu.enqueue_indirect_dma source(%dma_start3A_291 : memref<80x64xf32, #tpu.memory_space<vmem>>) target(%dma_start3A_297 : memref<10000x64xf32, #tpu.memory_space<vmem_shared>>) offsets(%dma_start3A_294 : memref<80xi32, #tpu.memory_space<vmem>>) semaphore(%run_scoped3A_287 : memref<!tpu.dma_semaphore, #tpu.memory_space<semaphore_mem>>) {add = true}
        %dma_wait3A_298 = arith.constant 0 : i32
        %dma_wait3A_299 = arith.constant 0 : i32
        %dma_wait3A_300 = tpu.memref_slice %arg8[%run_scoped3A_228, %dma_wait3A_298, %dma_wait3A_299] : memref<5x80x64xf32, #tpu.memory_space<vmem>> -> memref<1x80x64xf32, #tpu.memory_space<vmem>>
        %dma_wait3A_301 = tpu.memref_squeeze %dma_wait3A_300 : memref<1x80x64xf32, #tpu.memory_space<vmem>> -> memref<80x64xf32, #tpu.memory_space<vmem>>
        %dma_wait3A_302 = arith.constant 0 : i32
        %dma_wait3A_303 = tpu.memref_slice %arg7[%run_scoped3A_229, %add3A_215, %dma_wait3A_302] : memref<2x125x80xi32, #tpu.memory_space<vmem>> -> memref<1x1x80xi32, #tpu.memory_space<vmem>>
        %dma_wait3A_304 = tpu.memref_squeeze %dma_wait3A_303 : memref<1x1x80xi32, #tpu.memory_space<vmem>> -> memref<80xi32, #tpu.memory_space<vmem>>
        %dma_wait3A_305 = arith.constant 0 : i32
        %dma_wait3A_306 = arith.constant 0 : i32
        %dma_wait3A_307 = tpu.memref_slice %arg9[%dma_wait3A_305, %dma_wait3A_306] : memref<10000x64xf32, #tpu.memory_space<vmem_shared>> -> memref<10000x64xf32, #tpu.memory_space<vmem_shared>>
        tpu.wait_indirect_dma semaphore(%run_scoped3A_287 : memref<!tpu.dma_semaphore, #tpu.memory_space<semaphore_mem>>) src(%dma_wait3A_301 : memref<80x64xf32, #tpu.memory_space<vmem>>) dst(%dma_wait3A_307 : memref<10000x64xf32, #tpu.memory_space<vmem_shared>>)
        tpu.yield
      }) : () -> ()
      %add3A_230 = arith.constant 5 : i32
      %add3A_231 = arith.addi %add3A_215, %add3A_230 : i32
      %lt3A_232 = arith.constant 125 : i32
      %lt3A_233 = arith.cmpi slt, %add3A_231, %lt3A_232 : i32
      %convert_element_type3A_234 = arith.extui %lt3A_233 : i1 to i32
      %cond3A_235 = arith.constant 0 : i32
      %cond3A_236 = arith.cmpi ne, %convert_element_type3A_234, %cond3A_235 : i32
      scf.if %cond3A_236 {
        %add3A_287 = arith.constant 5 : i32
        %add3A_288 = arith.addi %add3A_215, %add3A_287 : i32
        %dma_start3A_289 = arith.constant 1 : i32
        %dma_start3A_290 = arith.constant 2 : i32
        %dma_start3A_291 = arith.constant 0 : i32
        %dma_start3A_292 = arith.constant 0 : i32
        %dma_start3A_293 = tpu.memref_slice %arg8[%dma_start3A_290, %dma_start3A_291, %dma_start3A_292] : memref<5x80x64xf32, #tpu.memory_space<vmem>> -> memref<1x80x64xf32, #tpu.memory_space<vmem>>
        %dma_start3A_294 = tpu.memref_squeeze %dma_start3A_293 : memref<1x80x64xf32, #tpu.memory_space<vmem>> -> memref<80x64xf32, #tpu.memory_space<vmem>>
        %dma_start3A_295 = arith.constant 0 : i32
        %dma_start3A_296 = tpu.memref_slice %arg6[%dma_start3A_289, %add3A_288, %dma_start3A_295] : memref<2x125x80xi32, #tpu.memory_space<vmem>> -> memref<1x1x80xi32, #tpu.memory_space<vmem>>
        %dma_start3A_297 = tpu.memref_squeeze %dma_start3A_296 : memref<1x1x80xi32, #tpu.memory_space<vmem>> -> memref<80xi32, #tpu.memory_space<vmem>>
        %dma_start3A_298 = arith.constant 0 : i32
        %dma_start3A_299 = arith.constant 0 : i32
        %dma_start3A_300 = tpu.memref_slice %arg2[%dma_start3A_298, %dma_start3A_299] : memref<20000x64xf32, #tpu.memory_space<hbm>> -> memref<20000x64xf32, #tpu.memory_space<hbm>>
        tpu.enqueue_indirect_dma source(%dma_start3A_300 : memref<20000x64xf32, #tpu.memory_space<hbm>>) target(%dma_start3A_294 : memref<80x64xf32, #tpu.memory_space<vmem>>) offsets(%dma_start3A_297 : memref<80xi32, #tpu.memory_space<vmem>>) semaphore(%arg12 : memref<!tpu.dma_semaphore, #tpu.memory_space<semaphore_mem>>)
      } else {
      }
      %mul3A_237 = arith.constant 5 : i32
      %mul3A_238 = arith.muli %scan3A_164, %mul3A_237 : i32
      %add3A_239 = arith.constant 3 : i32
      %add3A_240 = arith.addi %mul3A_238, %add3A_239 : i32
      %dma_wait3A_241 = arith.constant 1 : i32
      %dma_wait3A_242 = arith.constant 3 : i32
      %dma_wait3A_243 = arith.constant 0 : i32
      %dma_wait3A_244 = arith.constant 0 : i32
      %dma_wait3A_245 = tpu.memref_slice %arg8[%dma_wait3A_242, %dma_wait3A_243, %dma_wait3A_244] : memref<5x80x64xf32, #tpu.memory_space<vmem>> -> memref<1x80x64xf32, #tpu.memory_space<vmem>>
      %dma_wait3A_246 = tpu.memref_squeeze %dma_wait3A_245 : memref<1x80x64xf32, #tpu.memory_space<vmem>> -> memref<80x64xf32, #tpu.memory_space<vmem>>
      %dma_wait3A_247 = arith.constant 0 : i32
      %dma_wait3A_248 = tpu.memref_slice %arg6[%dma_wait3A_241, %add3A_240, %dma_wait3A_247] : memref<2x125x80xi32, #tpu.memory_space<vmem>> -> memref<1x1x80xi32, #tpu.memory_space<vmem>>
      %dma_wait3A_249 = tpu.memref_squeeze %dma_wait3A_248 : memref<1x1x80xi32, #tpu.memory_space<vmem>> -> memref<80xi32, #tpu.memory_space<vmem>>
      %dma_wait3A_250 = arith.constant 0 : i32
      %dma_wait3A_251 = arith.constant 0 : i32
      %dma_wait3A_252 = tpu.memref_slice %arg2[%dma_wait3A_250, %dma_wait3A_251] : memref<20000x64xf32, #tpu.memory_space<hbm>> -> memref<20000x64xf32, #tpu.memory_space<hbm>>
      tpu.wait_indirect_dma semaphore(%arg13 : memref<!tpu.dma_semaphore, #tpu.memory_space<semaphore_mem>>) src(%dma_wait3A_252 : memref<20000x64xf32, #tpu.memory_space<hbm>>) dst(%dma_wait3A_246 : memref<80x64xf32, #tpu.memory_space<vmem>>)
      %run_scoped3A_253 = arith.constant 3 : i32
      %run_scoped3A_254 = arith.constant 1 : i32
      "tpu.region"() ({
        %run_scoped3A_287 = tpu.sem_alloc : memref<!tpu.dma_semaphore, #tpu.memory_space<semaphore_mem>>
        %dma_start3A_288 = arith.constant 0 : i32
        %dma_start3A_289 = arith.constant 0 : i32
        %dma_start3A_290 = tpu.memref_slice %arg8[%run_scoped3A_253, %dma_start3A_288, %dma_start3A_289] : memref<5x80x64xf32, #tpu.memory_space<vmem>> -> memref<1x80x64xf32, #tpu.memory_space<vmem>>
        %dma_start3A_291 = tpu.memref_squeeze %dma_start3A_290 : memref<1x80x64xf32, #tpu.memory_space<vmem>> -> memref<80x64xf32, #tpu.memory_space<vmem>>
        %dma_start3A_292 = arith.constant 0 : i32
        %dma_start3A_293 = tpu.memref_slice %arg7[%run_scoped3A_254, %add3A_240, %dma_start3A_292] : memref<2x125x80xi32, #tpu.memory_space<vmem>> -> memref<1x1x80xi32, #tpu.memory_space<vmem>>
        %dma_start3A_294 = tpu.memref_squeeze %dma_start3A_293 : memref<1x1x80xi32, #tpu.memory_space<vmem>> -> memref<80xi32, #tpu.memory_space<vmem>>
        %dma_start3A_295 = arith.constant 0 : i32
        %dma_start3A_296 = arith.constant 0 : i32
        %dma_start3A_297 = tpu.memref_slice %arg9[%dma_start3A_295, %dma_start3A_296] : memref<10000x64xf32, #tpu.memory_space<vmem_shared>> -> memref<10000x64xf32, #tpu.memory_space<vmem_shared>>
        tpu.enqueue_indirect_dma source(%dma_start3A_291 : memref<80x64xf32, #tpu.memory_space<vmem>>) target(%dma_start3A_297 : memref<10000x64xf32, #tpu.memory_space<vmem_shared>>) offsets(%dma_start3A_294 : memref<80xi32, #tpu.memory_space<vmem>>) semaphore(%run_scoped3A_287 : memref<!tpu.dma_semaphore, #tpu.memory_space<semaphore_mem>>) {add = true}
        %dma_wait3A_298 = arith.constant 0 : i32
        %dma_wait3A_299 = arith.constant 0 : i32
        %dma_wait3A_300 = tpu.memref_slice %arg8[%run_scoped3A_253, %dma_wait3A_298, %dma_wait3A_299] : memref<5x80x64xf32, #tpu.memory_space<vmem>> -> memref<1x80x64xf32, #tpu.memory_space<vmem>>
        %dma_wait3A_301 = tpu.memref_squeeze %dma_wait3A_300 : memref<1x80x64xf32, #tpu.memory_space<vmem>> -> memref<80x64xf32, #tpu.memory_space<vmem>>
        %dma_wait3A_302 = arith.constant 0 : i32
        %dma_wait3A_303 = tpu.memref_slice %arg7[%run_scoped3A_254, %add3A_240, %dma_wait3A_302] : memref<2x125x80xi32, #tpu.memory_space<vmem>> -> memref<1x1x80xi32, #tpu.memory_space<vmem>>
        %dma_wait3A_304 = tpu.memref_squeeze %dma_wait3A_303 : memref<1x1x80xi32, #tpu.memory_space<vmem>> -> memref<80xi32, #tpu.memory_space<vmem>>
        %dma_wait3A_305 = arith.constant 0 : i32
        %dma_wait3A_306 = arith.constant 0 : i32
        %dma_wait3A_307 = tpu.memref_slice %arg9[%dma_wait3A_305, %dma_wait3A_306] : memref<10000x64xf32, #tpu.memory_space<vmem_shared>> -> memref<10000x64xf32, #tpu.memory_space<vmem_shared>>
        tpu.wait_indirect_dma semaphore(%run_scoped3A_287 : memref<!tpu.dma_semaphore, #tpu.memory_space<semaphore_mem>>) src(%dma_wait3A_301 : memref<80x64xf32, #tpu.memory_space<vmem>>) dst(%dma_wait3A_307 : memref<10000x64xf32, #tpu.memory_space<vmem_shared>>)
        tpu.yield
      }) : () -> ()
      %add3A_255 = arith.constant 5 : i32
      %add3A_256 = arith.addi %add3A_240, %add3A_255 : i32
      %lt3A_257 = arith.constant 125 : i32
      %lt3A_258 = arith.cmpi slt, %add3A_256, %lt3A_257 : i32
      %convert_element_type3A_259 = arith.extui %lt3A_258 : i1 to i32
      %cond3A_260 = arith.constant 0 : i32
      %cond3A_261 = arith.cmpi ne, %convert_element_type3A_259, %cond3A_260 : i32
      scf.if %cond3A_261 {
        %add3A_287 = arith.constant 5 : i32
        %add3A_288 = arith.addi %add3A_240, %add3A_287 : i32
        %dma_start3A_289 = arith.constant 1 : i32
        %dma_start3A_290 = arith.constant 3 : i32
        %dma_start3A_291 = arith.constant 0 : i32
        %dma_start3A_292 = arith.constant 0 : i32
        %dma_start3A_293 = tpu.memref_slice %arg8[%dma_start3A_290, %dma_start3A_291, %dma_start3A_292] : memref<5x80x64xf32, #tpu.memory_space<vmem>> -> memref<1x80x64xf32, #tpu.memory_space<vmem>>
        %dma_start3A_294 = tpu.memref_squeeze %dma_start3A_293 : memref<1x80x64xf32, #tpu.memory_space<vmem>> -> memref<80x64xf32, #tpu.memory_space<vmem>>
        %dma_start3A_295 = arith.constant 0 : i32
        %dma_start3A_296 = tpu.memref_slice %arg6[%dma_start3A_289, %add3A_288, %dma_start3A_295] : memref<2x125x80xi32, #tpu.memory_space<vmem>> -> memref<1x1x80xi32, #tpu.memory_space<vmem>>
        %dma_start3A_297 = tpu.memref_squeeze %dma_start3A_296 : memref<1x1x80xi32, #tpu.memory_space<vmem>> -> memref<80xi32, #tpu.memory_space<vmem>>
        %dma_start3A_298 = arith.constant 0 : i32
        %dma_start3A_299 = arith.constant 0 : i32
        %dma_start3A_300 = tpu.memref_slice %arg2[%dma_start3A_298, %dma_start3A_299] : memref<20000x64xf32, #tpu.memory_space<hbm>> -> memref<20000x64xf32, #tpu.memory_space<hbm>>
        tpu.enqueue_indirect_dma source(%dma_start3A_300 : memref<20000x64xf32, #tpu.memory_space<hbm>>) target(%dma_start3A_294 : memref<80x64xf32, #tpu.memory_space<vmem>>) offsets(%dma_start3A_297 : memref<80xi32, #tpu.memory_space<vmem>>) semaphore(%arg13 : memref<!tpu.dma_semaphore, #tpu.memory_space<semaphore_mem>>)
      } else {
      }
      %mul3A_262 = arith.constant 5 : i32
      %mul3A_263 = arith.muli %scan3A_164, %mul3A_262 : i32
      %add3A_264 = arith.constant 4 : i32
      %add3A_265 = arith.addi %mul3A_263, %add3A_264 : i32
      %dma_wait3A_266 = arith.constant 1 : i32
      %dma_wait3A_267 = arith.constant 4 : i32
      %dma_wait3A_268 = arith.constant 0 : i32
      %dma_wait3A_269 = arith.constant 0 : i32
      %dma_wait3A_270 = tpu.memref_slice %arg8[%dma_wait3A_267, %dma_wait3A_268, %dma_wait3A_269] : memref<5x80x64xf32, #tpu.memory_space<vmem>> -> memref<1x80x64xf32, #tpu.memory_space<vmem>>
      %dma_wait3A_271 = tpu.memref_squeeze %dma_wait3A_270 : memref<1x80x64xf32, #tpu.memory_space<vmem>> -> memref<80x64xf32, #tpu.memory_space<vmem>>
      %dma_wait3A_272 = arith.constant 0 : i32
      %dma_wait3A_273 = tpu.memref_slice %arg6[%dma_wait3A_266, %add3A_265, %dma_wait3A_272] : memref<2x125x80xi32, #tpu.memory_space<vmem>> -> memref<1x1x80xi32, #tpu.memory_space<vmem>>
      %dma_wait3A_274 = tpu.memref_squeeze %dma_wait3A_273 : memref<1x1x80xi32, #tpu.memory_space<vmem>> -> memref<80xi32, #tpu.memory_space<vmem>>
      %dma_wait3A_275 = arith.constant 0 : i32
      %dma_wait3A_276 = arith.constant 0 : i32
      %dma_wait3A_277 = tpu.memref_slice %arg2[%dma_wait3A_275, %dma_wait3A_276] : memref<20000x64xf32, #tpu.memory_space<hbm>> -> memref<20000x64xf32, #tpu.memory_space<hbm>>
      tpu.wait_indirect_dma semaphore(%arg14 : memref<!tpu.dma_semaphore, #tpu.memory_space<semaphore_mem>>) src(%dma_wait3A_277 : memref<20000x64xf32, #tpu.memory_space<hbm>>) dst(%dma_wait3A_271 : memref<80x64xf32, #tpu.memory_space<vmem>>)
      %run_scoped3A_278 = arith.constant 4 : i32
      %run_scoped3A_279 = arith.constant 1 : i32
      "tpu.region"() ({
        %run_scoped3A_287 = tpu.sem_alloc : memref<!tpu.dma_semaphore, #tpu.memory_space<semaphore_mem>>
        %dma_start3A_288 = arith.constant 0 : i32
        %dma_start3A_289 = arith.constant 0 : i32
        %dma_start3A_290 = tpu.memref_slice %arg8[%run_scoped3A_278, %dma_start3A_288, %dma_start3A_289] : memref<5x80x64xf32, #tpu.memory_space<vmem>> -> memref<1x80x64xf32, #tpu.memory_space<vmem>>
        %dma_start3A_291 = tpu.memref_squeeze %dma_start3A_290 : memref<1x80x64xf32, #tpu.memory_space<vmem>> -> memref<80x64xf32, #tpu.memory_space<vmem>>
        %dma_start3A_292 = arith.constant 0 : i32
        %dma_start3A_293 = tpu.memref_slice %arg7[%run_scoped3A_279, %add3A_265, %dma_start3A_292] : memref<2x125x80xi32, #tpu.memory_space<vmem>> -> memref<1x1x80xi32, #tpu.memory_space<vmem>>
        %dma_start3A_294 = tpu.memref_squeeze %dma_start3A_293 : memref<1x1x80xi32, #tpu.memory_space<vmem>> -> memref<80xi32, #tpu.memory_space<vmem>>
        %dma_start3A_295 = arith.constant 0 : i32
        %dma_start3A_296 = arith.constant 0 : i32
        %dma_start3A_297 = tpu.memref_slice %arg9[%dma_start3A_295, %dma_start3A_296] : memref<10000x64xf32, #tpu.memory_space<vmem_shared>> -> memref<10000x64xf32, #tpu.memory_space<vmem_shared>>
        tpu.enqueue_indirect_dma source(%dma_start3A_291 : memref<80x64xf32, #tpu.memory_space<vmem>>) target(%dma_start3A_297 : memref<10000x64xf32, #tpu.memory_space<vmem_shared>>) offsets(%dma_start3A_294 : memref<80xi32, #tpu.memory_space<vmem>>) semaphore(%run_scoped3A_287 : memref<!tpu.dma_semaphore, #tpu.memory_space<semaphore_mem>>) {add = true}
        %dma_wait3A_298 = arith.constant 0 : i32
        %dma_wait3A_299 = arith.constant 0 : i32
        %dma_wait3A_300 = tpu.memref_slice %arg8[%run_scoped3A_278, %dma_wait3A_298, %dma_wait3A_299] : memref<5x80x64xf32, #tpu.memory_space<vmem>> -> memref<1x80x64xf32, #tpu.memory_space<vmem>>
        %dma_wait3A_301 = tpu.memref_squeeze %dma_wait3A_300 : memref<1x80x64xf32, #tpu.memory_space<vmem>> -> memref<80x64xf32, #tpu.memory_space<vmem>>
        %dma_wait3A_302 = arith.constant 0 : i32
        %dma_wait3A_303 = tpu.memref_slice %arg7[%run_scoped3A_279, %add3A_265, %dma_wait3A_302] : memref<2x125x80xi32, #tpu.memory_space<vmem>> -> memref<1x1x80xi32, #tpu.memory_space<vmem>>
        %dma_wait3A_304 = tpu.memref_squeeze %dma_wait3A_303 : memref<1x1x80xi32, #tpu.memory_space<vmem>> -> memref<80xi32, #tpu.memory_space<vmem>>
        %dma_wait3A_305 = arith.constant 0 : i32
        %dma_wait3A_306 = arith.constant 0 : i32
        %dma_wait3A_307 = tpu.memref_slice %arg9[%dma_wait3A_305, %dma_wait3A_306] : memref<10000x64xf32, #tpu.memory_space<vmem_shared>> -> memref<10000x64xf32, #tpu.memory_space<vmem_shared>>
        tpu.wait_indirect_dma semaphore(%run_scoped3A_287 : memref<!tpu.dma_semaphore, #tpu.memory_space<semaphore_mem>>) src(%dma_wait3A_301 : memref<80x64xf32, #tpu.memory_space<vmem>>) dst(%dma_wait3A_307 : memref<10000x64xf32, #tpu.memory_space<vmem_shared>>)
        tpu.yield
      }) : () -> ()
      %add3A_280 = arith.constant 5 : i32
      %add3A_281 = arith.addi %add3A_265, %add3A_280 : i32
      %lt3A_282 = arith.constant 125 : i32
      %lt3A_283 = arith.cmpi slt, %add3A_281, %lt3A_282 : i32
      %convert_element_type3A_284 = arith.extui %lt3A_283 : i1 to i32
      %cond3A_285 = arith.constant 0 : i32
      %cond3A_286 = arith.cmpi ne, %convert_element_type3A_284, %cond3A_285 : i32
      scf.if %cond3A_286 {
        %add3A_287 = arith.constant 5 : i32
        %add3A_288 = arith.addi %add3A_265, %add3A_287 : i32
        %dma_start3A_289 = arith.constant 1 : i32
        %dma_start3A_290 = arith.constant 4 : i32
        %dma_start3A_291 = arith.constant 0 : i32
        %dma_start3A_292 = arith.constant 0 : i32
        %dma_start3A_293 = tpu.memref_slice %arg8[%dma_start3A_290, %dma_start3A_291, %dma_start3A_292] : memref<5x80x64xf32, #tpu.memory_space<vmem>> -> memref<1x80x64xf32, #tpu.memory_space<vmem>>
        %dma_start3A_294 = tpu.memref_squeeze %dma_start3A_293 : memref<1x80x64xf32, #tpu.memory_space<vmem>> -> memref<80x64xf32, #tpu.memory_space<vmem>>
        %dma_start3A_295 = arith.constant 0 : i32
        %dma_start3A_296 = tpu.memref_slice %arg6[%dma_start3A_289, %add3A_288, %dma_start3A_295] : memref<2x125x80xi32, #tpu.memory_space<vmem>> -> memref<1x1x80xi32, #tpu.memory_space<vmem>>
        %dma_start3A_297 = tpu.memref_squeeze %dma_start3A_296 : memref<1x1x80xi32, #tpu.memory_space<vmem>> -> memref<80xi32, #tpu.memory_space<vmem>>
        %dma_start3A_298 = arith.constant 0 : i32
        %dma_start3A_299 = arith.constant 0 : i32
        %dma_start3A_300 = tpu.memref_slice %arg2[%dma_start3A_298, %dma_start3A_299] : memref<20000x64xf32, #tpu.memory_space<hbm>> -> memref<20000x64xf32, #tpu.memory_space<hbm>>
        tpu.enqueue_indirect_dma source(%dma_start3A_300 : memref<20000x64xf32, #tpu.memory_space<hbm>>) target(%dma_start3A_294 : memref<80x64xf32, #tpu.memory_space<vmem>>) offsets(%dma_start3A_297 : memref<80xi32, #tpu.memory_space<vmem>>) semaphore(%arg14 : memref<!tpu.dma_semaphore, #tpu.memory_space<semaphore_mem>>)
      } else {
      }
    }
    %scan3A_157 = arith.constant 25 : i32
    %barrier3A_158 = arith.constant 0 : index
    tpu.barrier barrier_id(%barrier3A_158)
    %eq3A_159 = arith.constant 0 : i32
    %eq3A_160 = arith.cmpi eq, %arg1, %eq3A_159 : i32
    %convert_element_type3A_161 = arith.extui %eq3A_160 : i1 to i32
    %cond3A_162 = arith.constant 0 : i32
    %cond3A_163 = arith.cmpi ne, %convert_element_type3A_161, %cond3A_162 : i32
    scf.if %cond3A_163 {
      %mul3A_164 = arith.constant 64 : i32
      %mul3A_165 = arith.muli %mul3A_164, %arg0 : i32
      "tpu.region"() ({
        %run_scoped3A_166 = tpu.sem_alloc : memref<!tpu.dma_semaphore, #tpu.memory_space<semaphore_mem>>
        %dma_start3A_167 = arith.constant 0 : i32
        %dma_start3A_168 = tpu.memref_slice %arg5[%dma_start3A_167, %mul3A_165] : memref<10000x128xf32, #tpu.memory_space<hbm>> -> memref<10000x64xf32, #tpu.memory_space<hbm>>
        tpu.enqueue_dma source(%arg9 : memref<10000x64xf32, #tpu.memory_space<vmem_shared>>) target(%dma_start3A_168 : memref<10000x64xf32, #tpu.memory_space<hbm>>) target_semaphore(%run_scoped3A_166 : memref<!tpu.dma_semaphore, #tpu.memory_space<semaphore_mem>>)
        %dma_wait3A = arith.constant 0 : i32
        %dma_wait3A_169 = tpu.memref_slice %arg5[%dma_wait3A, %mul3A_165] : memref<10000x128xf32, #tpu.memory_space<hbm>> -> memref<10000x64xf32, #tpu.memory_space<hbm>>
        tpu.wait_dma2 semaphore(%run_scoped3A_166 : memref<!tpu.dma_semaphore, #tpu.memory_space<semaphore_mem>>) src(%arg9 : memref<10000x64xf32, #tpu.memory_space<vmem_shared>>) dst(%dma_wait3A_169 : memref<10000x64xf32, #tpu.memory_space<hbm>>)
        tpu.yield
      }) : () -> ()
    } else {
    }
    return
  }
}

#map = affine_map<(d0, d1) -> (0, 0)>
#map1 = affine_map<(d0, d1) -> (0, 0, 0, 0)>
module attributes {stable_mosaic.version = 14 : i64} {
  func.func @_agg_full(%arg0: i32, %arg1: i32, %arg2: memref<10000x48xf32, #tpu.memory_space<hbm>>, %arg3: memref<2x32x125x80xi32, #tpu.memory_space<hbm>>, %arg4: memref<10000x48xf32, #tpu.memory_space<hbm>>, %arg5: memref<10000x128xf32, #tpu.memory_space<hbm>>, %arg6: memref<125x80xi32, #tpu.memory_space<vmem>>, %arg7: memref<125x80xi32, #tpu.memory_space<vmem>>, %arg8: memref<5x80x48xf32, #tpu.memory_space<vmem>>, %arg9: memref<10000x48xf32, #tpu.memory_space<vmem_shared>>, %arg10: memref<!tpu.dma_semaphore, #tpu.memory_space<semaphore_mem>>, %arg11: memref<!tpu.dma_semaphore, #tpu.memory_space<semaphore_mem>>, %arg12: memref<!tpu.dma_semaphore, #tpu.memory_space<semaphore_mem>>, %arg13: memref<!tpu.dma_semaphore, #tpu.memory_space<semaphore_mem>>, %arg14: memref<!tpu.dma_semaphore, #tpu.memory_space<semaphore_mem>>, %arg15: memref<!tpu.dma_semaphore, #tpu.memory_space<semaphore_mem>>, %arg16: memref<!tpu.dma_semaphore, #tpu.memory_space<semaphore_mem>>, %arg17: memref<!tpu.dma_semaphore, #tpu.memory_space<semaphore_mem>>, %arg18: memref<!tpu.dma_semaphore, #tpu.memory_space<semaphore_mem>>, %arg19: memref<!tpu.dma_semaphore, #tpu.memory_space<semaphore_mem>>) attributes {dimension_semantics = [#tpu.dimension_semantics<core_parallel>, #tpu.dimension_semantics<subcore_parallel>], iteration_bounds = array<i64: 2, 16>, scalar_prefetch = 0 : i64, scratch_operands = 14 : i64, tpu.core_type = #tpu.core_type<sc_vector_subcore>, window_params = [{transform_indices = #map}, {transform_indices = #map1}, {transform_indices = #map}, {transform_indices = #map}]} {
    %mul3A = arith.constant 16 : i32
    %mul3A_0 = arith.muli %arg0, %mul3A : i32
    %add3A = arith.addi %mul3A_0, %arg1 : i32
    %eq3A = arith.constant 0 : i32
    %eq3A_1 = arith.cmpi eq, %arg1, %eq3A : i32
    %convert_element_type3A = arith.extui %eq3A_1 : i1 to i32
    %cond3A = arith.constant 0 : i32
    %cond3A_2 = arith.cmpi ne, %convert_element_type3A, %cond3A : i32
    scf.if %cond3A_2 {
      "tpu.region"() ({
        %run_scoped3A_74 = tpu.sem_alloc : memref<!tpu.dma_semaphore, #tpu.memory_space<semaphore_mem>>
        tpu.enqueue_dma source(%arg4 : memref<10000x48xf32, #tpu.memory_space<hbm>>) target(%arg9 : memref<10000x48xf32, #tpu.memory_space<vmem_shared>>) target_semaphore(%run_scoped3A_74 : memref<!tpu.dma_semaphore, #tpu.memory_space<semaphore_mem>>)
        tpu.wait_dma2 semaphore(%run_scoped3A_74 : memref<!tpu.dma_semaphore, #tpu.memory_space<semaphore_mem>>) src(%arg4 : memref<10000x48xf32, #tpu.memory_space<hbm>>) dst(%arg9 : memref<10000x48xf32, #tpu.memory_space<vmem_shared>>)
        tpu.yield
      }) : () -> ()
    } else {
    }
    %run_scoped3A = arith.constant 0 : i32
    "tpu.region"() ({
      %run_scoped3A_74 = tpu.sem_alloc : memref<!tpu.dma_semaphore, #tpu.memory_space<semaphore_mem>>
      %dma_start3A_75 = arith.constant 0 : i32
      %dma_start3A_76 = arith.constant 0 : i32
      %dma_start3A_77 = tpu.memref_slice %arg3[%run_scoped3A, %add3A, %dma_start3A_75, %dma_start3A_76] : memref<2x32x125x80xi32, #tpu.memory_space<hbm>> -> memref<1x1x125x80xi32, #tpu.memory_space<hbm>>
      %dma_start3A_78 = tpu.memref_squeeze %dma_start3A_77 : memref<1x1x125x80xi32, #tpu.memory_space<hbm>> -> memref<125x80xi32, #tpu.memory_space<hbm>>
      %dma_start3A_79 = arith.constant 0 : i32
      %dma_start3A_80 = arith.constant 0 : i32
      %dma_start3A_81 = tpu.memref_slice %arg3[%run_scoped3A, %add3A, %dma_start3A_79, %dma_start3A_80] : memref<2x32x125x80xi32, #tpu.memory_space<hbm>> -> memref<1x1x125x80xi32, #tpu.memory_space<hbm>>
      %dma_start3A_82 = tpu.memref_squeeze %dma_start3A_81 : memref<1x1x125x80xi32, #tpu.memory_space<hbm>> -> memref<125x80xi32, #tpu.memory_space<hbm>>
      tpu.enqueue_dma source(%dma_start3A_82 : memref<125x80xi32, #tpu.memory_space<hbm>>) target(%arg6 : memref<125x80xi32, #tpu.memory_space<vmem>>) target_semaphore(%run_scoped3A_74 : memref<!tpu.dma_semaphore, #tpu.memory_space<semaphore_mem>>)
      %dma_wait3A = arith.constant 0 : i32
      %dma_wait3A_83 = arith.constant 0 : i32
      %dma_wait3A_84 = tpu.memref_slice %arg3[%run_scoped3A, %add3A, %dma_wait3A, %dma_wait3A_83] : memref<2x32x125x80xi32, #tpu.memory_space<hbm>> -> memref<1x1x125x80xi32, #tpu.memory_space<hbm>>
      %dma_wait3A_85 = tpu.memref_squeeze %dma_wait3A_84 : memref<1x1x125x80xi32, #tpu.memory_space<hbm>> -> memref<125x80xi32, #tpu.memory_space<hbm>>
      %dma_wait3A_86 = arith.constant 0 : i32
      %dma_wait3A_87 = arith.constant 0 : i32
      %dma_wait3A_88 = tpu.memref_slice %arg3[%run_scoped3A, %add3A, %dma_wait3A_86, %dma_wait3A_87] : memref<2x32x125x80xi32, #tpu.memory_space<hbm>> -> memref<1x1x125x80xi32, #tpu.memory_space<hbm>>
      %dma_wait3A_89 = tpu.memref_squeeze %dma_wait3A_88 : memref<1x1x125x80xi32, #tpu.memory_space<hbm>> -> memref<125x80xi32, #tpu.memory_space<hbm>>
      tpu.wait_dma2 semaphore(%run_scoped3A_74 : memref<!tpu.dma_semaphore, #tpu.memory_space<semaphore_mem>>) src(%dma_wait3A_89 : memref<125x80xi32, #tpu.memory_space<hbm>>) dst(%arg6 : memref<125x80xi32, #tpu.memory_space<vmem>>)
      tpu.yield
    }) : () -> ()
    %run_scoped3A_3 = arith.constant 1 : i32
    "tpu.region"() ({
      %run_scoped3A_74 = tpu.sem_alloc : memref<!tpu.dma_semaphore, #tpu.memory_space<semaphore_mem>>
      %dma_start3A_75 = arith.constant 0 : i32
      %dma_start3A_76 = arith.constant 0 : i32
      %dma_start3A_77 = tpu.memref_slice %arg3[%run_scoped3A_3, %add3A, %dma_start3A_75, %dma_start3A_76] : memref<2x32x125x80xi32, #tpu.memory_space<hbm>> -> memref<1x1x125x80xi32, #tpu.memory_space<hbm>>
      %dma_start3A_78 = tpu.memref_squeeze %dma_start3A_77 : memref<1x1x125x80xi32, #tpu.memory_space<hbm>> -> memref<125x80xi32, #tpu.memory_space<hbm>>
      %dma_start3A_79 = arith.constant 0 : i32
      %dma_start3A_80 = arith.constant 0 : i32
      %dma_start3A_81 = tpu.memref_slice %arg3[%run_scoped3A_3, %add3A, %dma_start3A_79, %dma_start3A_80] : memref<2x32x125x80xi32, #tpu.memory_space<hbm>> -> memref<1x1x125x80xi32, #tpu.memory_space<hbm>>
      %dma_start3A_82 = tpu.memref_squeeze %dma_start3A_81 : memref<1x1x125x80xi32, #tpu.memory_space<hbm>> -> memref<125x80xi32, #tpu.memory_space<hbm>>
      tpu.enqueue_dma source(%dma_start3A_82 : memref<125x80xi32, #tpu.memory_space<hbm>>) target(%arg7 : memref<125x80xi32, #tpu.memory_space<vmem>>) target_semaphore(%run_scoped3A_74 : memref<!tpu.dma_semaphore, #tpu.memory_space<semaphore_mem>>)
      %dma_wait3A = arith.constant 0 : i32
      %dma_wait3A_83 = arith.constant 0 : i32
      %dma_wait3A_84 = tpu.memref_slice %arg3[%run_scoped3A_3, %add3A, %dma_wait3A, %dma_wait3A_83] : memref<2x32x125x80xi32, #tpu.memory_space<hbm>> -> memref<1x1x125x80xi32, #tpu.memory_space<hbm>>
      %dma_wait3A_85 = tpu.memref_squeeze %dma_wait3A_84 : memref<1x1x125x80xi32, #tpu.memory_space<hbm>> -> memref<125x80xi32, #tpu.memory_space<hbm>>
      %dma_wait3A_86 = arith.constant 0 : i32
      %dma_wait3A_87 = arith.constant 0 : i32
      %dma_wait3A_88 = tpu.memref_slice %arg3[%run_scoped3A_3, %add3A, %dma_wait3A_86, %dma_wait3A_87] : memref<2x32x125x80xi32, #tpu.memory_space<hbm>> -> memref<1x1x125x80xi32, #tpu.memory_space<hbm>>
      %dma_wait3A_89 = tpu.memref_squeeze %dma_wait3A_88 : memref<1x1x125x80xi32, #tpu.memory_space<hbm>> -> memref<125x80xi32, #tpu.memory_space<hbm>>
      tpu.wait_dma2 semaphore(%run_scoped3A_74 : memref<!tpu.dma_semaphore, #tpu.memory_space<semaphore_mem>>) src(%dma_wait3A_89 : memref<125x80xi32, #tpu.memory_space<hbm>>) dst(%arg7 : memref<125x80xi32, #tpu.memory_space<vmem>>)
      tpu.yield
    }) : () -> ()
    %barrier3A = arith.constant 0 : index
    tpu.barrier barrier_id(%barrier3A)
    %dma_start3A = arith.constant 0 : i32
    %dma_start3A_4 = arith.constant 0 : i32
    %dma_start3A_5 = arith.constant 0 : i32
    %dma_start3A_6 = arith.constant 0 : i32
    %dma_start3A_7 = tpu.memref_slice %arg8[%dma_start3A_4, %dma_start3A_5, %dma_start3A_6] : memref<5x80x48xf32, #tpu.memory_space<vmem>> -> memref<1x80x48xf32, #tpu.memory_space<vmem>>
    %dma_start3A_8 = tpu.memref_squeeze %dma_start3A_7 : memref<1x80x48xf32, #tpu.memory_space<vmem>> -> memref<80x48xf32, #tpu.memory_space<vmem>>
    %dma_start3A_9 = arith.constant 0 : i32
    %dma_start3A_10 = tpu.memref_slice %arg6[%dma_start3A, %dma_start3A_9] : memref<125x80xi32, #tpu.memory_space<vmem>> -> memref<1x80xi32, #tpu.memory_space<vmem>>
    %dma_start3A_11 = tpu.memref_squeeze %dma_start3A_10 : memref<1x80xi32, #tpu.memory_space<vmem>> -> memref<80xi32, #tpu.memory_space<vmem>>
    %dma_start3A_12 = arith.constant 0 : i32
    %dma_start3A_13 = arith.constant 0 : i32
    %dma_start3A_14 = tpu.memref_slice %arg2[%dma_start3A_12, %dma_start3A_13] : memref<10000x48xf32, #tpu.memory_space<hbm>> -> memref<10000x48xf32, #tpu.memory_space<hbm>>
    tpu.enqueue_indirect_dma source(%dma_start3A_14 : memref<10000x48xf32, #tpu.memory_space<hbm>>) target(%dma_start3A_8 : memref<80x48xf32, #tpu.memory_space<vmem>>) offsets(%dma_start3A_11 : memref<80xi32, #tpu.memory_space<vmem>>) semaphore(%arg10 : memref<!tpu.dma_semaphore, #tpu.memory_space<semaphore_mem>>)
    %dma_start3A_15 = arith.constant 1 : i32
    %dma_start3A_16 = arith.constant 1 : i32
    %dma_start3A_17 = arith.constant 0 : i32
    %dma_start3A_18 = arith.constant 0 : i32
    %dma_start3A_19 = tpu.memref_slice %arg8[%dma_start3A_16, %dma_start3A_17, %dma_start3A_18] : memref<5x80x48xf32, #tpu.memory_space<vmem>> -> memref<1x80x48xf32, #tpu.memory_space<vmem>>
    %dma_start3A_20 = tpu.memref_squeeze %dma_start3A_19 : memref<1x80x48xf32, #tpu.memory_space<vmem>> -> memref<80x48xf32, #tpu.memory_space<vmem>>
    %dma_start3A_21 = arith.constant 0 : i32
    %dma_start3A_22 = tpu.memref_slice %arg6[%dma_start3A_15, %dma_start3A_21] : memref<125x80xi32, #tpu.memory_space<vmem>> -> memref<1x80xi32, #tpu.memory_space<vmem>>
    %dma_start3A_23 = tpu.memref_squeeze %dma_start3A_22 : memref<1x80xi32, #tpu.memory_space<vmem>> -> memref<80xi32, #tpu.memory_space<vmem>>
    %dma_start3A_24 = arith.constant 0 : i32
    %dma_start3A_25 = arith.constant 0 : i32
    %dma_start3A_26 = tpu.memref_slice %arg2[%dma_start3A_24, %dma_start3A_25] : memref<10000x48xf32, #tpu.memory_space<hbm>> -> memref<10000x48xf32, #tpu.memory_space<hbm>>
    tpu.enqueue_indirect_dma source(%dma_start3A_26 : memref<10000x48xf32, #tpu.memory_space<hbm>>) target(%dma_start3A_20 : memref<80x48xf32, #tpu.memory_space<vmem>>) offsets(%dma_start3A_23 : memref<80xi32, #tpu.memory_space<vmem>>) semaphore(%arg11 : memref<!tpu.dma_semaphore, #tpu.memory_space<semaphore_mem>>)
    %dma_start3A_27 = arith.constant 2 : i32
    %dma_start3A_28 = arith.constant 2 : i32
    %dma_start3A_29 = arith.constant 0 : i32
    %dma_start3A_30 = arith.constant 0 : i32
    %dma_start3A_31 = tpu.memref_slice %arg8[%dma_start3A_28, %dma_start3A_29, %dma_start3A_30] : memref<5x80x48xf32, #tpu.memory_space<vmem>> -> memref<1x80x48xf32, #tpu.memory_space<vmem>>
    %dma_start3A_32 = tpu.memref_squeeze %dma_start3A_31 : memref<1x80x48xf32, #tpu.memory_space<vmem>> -> memref<80x48xf32, #tpu.memory_space<vmem>>
    %dma_start3A_33 = arith.constant 0 : i32
    %dma_start3A_34 = tpu.memref_slice %arg6[%dma_start3A_27, %dma_start3A_33] : memref<125x80xi32, #tpu.memory_space<vmem>> -> memref<1x80xi32, #tpu.memory_space<vmem>>
    %dma_start3A_35 = tpu.memref_squeeze %dma_start3A_34 : memref<1x80xi32, #tpu.memory_space<vmem>> -> memref<80xi32, #tpu.memory_space<vmem>>
    %dma_start3A_36 = arith.constant 0 : i32
    %dma_start3A_37 = arith.constant 0 : i32
    %dma_start3A_38 = tpu.memref_slice %arg2[%dma_start3A_36, %dma_start3A_37] : memref<10000x48xf32, #tpu.memory_space<hbm>> -> memref<10000x48xf32, #tpu.memory_space<hbm>>
    tpu.enqueue_indirect_dma source(%dma_start3A_38 : memref<10000x48xf32, #tpu.memory_space<hbm>>) target(%dma_start3A_32 : memref<80x48xf32, #tpu.memory_space<vmem>>) offsets(%dma_start3A_35 : memref<80xi32, #tpu.memory_space<vmem>>) semaphore(%arg12 : memref<!tpu.dma_semaphore, #tpu.memory_space<semaphore_mem>>)
    %dma_start3A_39 = arith.constant 3 : i32
    %dma_start3A_40 = arith.constant 3 : i32
    %dma_start3A_41 = arith.constant 0 : i32
    %dma_start3A_42 = arith.constant 0 : i32
    %dma_start3A_43 = tpu.memref_slice %arg8[%dma_start3A_40, %dma_start3A_41, %dma_start3A_42] : memref<5x80x48xf32, #tpu.memory_space<vmem>> -> memref<1x80x48xf32, #tpu.memory_space<vmem>>
    %dma_start3A_44 = tpu.memref_squeeze %dma_start3A_43 : memref<1x80x48xf32, #tpu.memory_space<vmem>> -> memref<80x48xf32, #tpu.memory_space<vmem>>
    %dma_start3A_45 = arith.constant 0 : i32
    %dma_start3A_46 = tpu.memref_slice %arg6[%dma_start3A_39, %dma_start3A_45] : memref<125x80xi32, #tpu.memory_space<vmem>> -> memref<1x80xi32, #tpu.memory_space<vmem>>
    %dma_start3A_47 = tpu.memref_squeeze %dma_start3A_46 : memref<1x80xi32, #tpu.memory_space<vmem>> -> memref<80xi32, #tpu.memory_space<vmem>>
    %dma_start3A_48 = arith.constant 0 : i32
    %dma_start3A_49 = arith.constant 0 : i32
    %dma_start3A_50 = tpu.memref_slice %arg2[%dma_start3A_48, %dma_start3A_49] : memref<10000x48xf32, #tpu.memory_space<hbm>> -> memref<10000x48xf32, #tpu.memory_space<hbm>>
    tpu.enqueue_indirect_dma source(%dma_start3A_50 : memref<10000x48xf32, #tpu.memory_space<hbm>>) target(%dma_start3A_44 : memref<80x48xf32, #tpu.memory_space<vmem>>) offsets(%dma_start3A_47 : memref<80xi32, #tpu.memory_space<vmem>>) semaphore(%arg13 : memref<!tpu.dma_semaphore, #tpu.memory_space<semaphore_mem>>)
    %dma_start3A_51 = arith.constant 4 : i32
    %dma_start3A_52 = arith.constant 4 : i32
    %dma_start3A_53 = arith.constant 0 : i32
    %dma_start3A_54 = arith.constant 0 : i32
    %dma_start3A_55 = tpu.memref_slice %arg8[%dma_start3A_52, %dma_start3A_53, %dma_start3A_54] : memref<5x80x48xf32, #tpu.memory_space<vmem>> -> memref<1x80x48xf32, #tpu.memory_space<vmem>>
    %dma_start3A_56 = tpu.memref_squeeze %dma_start3A_55 : memref<1x80x48xf32, #tpu.memory_space<vmem>> -> memref<80x48xf32, #tpu.memory_space<vmem>>
    %dma_start3A_57 = arith.constant 0 : i32
    %dma_start3A_58 = tpu.memref_slice %arg6[%dma_start3A_51, %dma_start3A_57] : memref<125x80xi32, #tpu.memory_space<vmem>> -> memref<1x80xi32, #tpu.memory_space<vmem>>
    %dma_start3A_59 = tpu.memref_squeeze %dma_start3A_58 : memref<1x80xi32, #tpu.memory_space<vmem>> -> memref<80xi32, #tpu.memory_space<vmem>>
    %dma_start3A_60 = arith.constant 0 : i32
    %dma_start3A_61 = arith.constant 0 : i32
    %dma_start3A_62 = tpu.memref_slice %arg2[%dma_start3A_60, %dma_start3A_61] : memref<10000x48xf32, #tpu.memory_space<hbm>> -> memref<10000x48xf32, #tpu.memory_space<hbm>>
    tpu.enqueue_indirect_dma source(%dma_start3A_62 : memref<10000x48xf32, #tpu.memory_space<hbm>>) target(%dma_start3A_56 : memref<80x48xf32, #tpu.memory_space<vmem>>) offsets(%dma_start3A_59 : memref<80xi32, #tpu.memory_space<vmem>>) semaphore(%arg14 : memref<!tpu.dma_semaphore, #tpu.memory_space<semaphore_mem>>)
    %scan3A = arith.constant 0 : i32
    %scan3A_63 = arith.constant 0 : i32
    %scan3A_64 = arith.constant 25 : i32
    %scan3A_65 = arith.addi %scan3A_63, %scan3A_64 : i32
    %scan3A_66 = arith.constant 1 : i32
    scf.for %scan3A_74 = %scan3A_63 to %scan3A_65 step %scan3A_66  : i32 {
      %mul3A_75 = arith.constant 5 : i32
      %mul3A_76 = arith.muli %scan3A_74, %mul3A_75 : i32
      %add3A_77 = arith.constant 0 : i32
      %add3A_78 = arith.addi %mul3A_76, %add3A_77 : i32
      %dma_wait3A = arith.constant 0 : i32
      %dma_wait3A_79 = arith.constant 0 : i32
      %dma_wait3A_80 = arith.constant 0 : i32
      %dma_wait3A_81 = tpu.memref_slice %arg8[%dma_wait3A, %dma_wait3A_79, %dma_wait3A_80] : memref<5x80x48xf32, #tpu.memory_space<vmem>> -> memref<1x80x48xf32, #tpu.memory_space<vmem>>
      %dma_wait3A_82 = tpu.memref_squeeze %dma_wait3A_81 : memref<1x80x48xf32, #tpu.memory_space<vmem>> -> memref<80x48xf32, #tpu.memory_space<vmem>>
      %dma_wait3A_83 = arith.constant 0 : i32
      %dma_wait3A_84 = tpu.memref_slice %arg6[%add3A_78, %dma_wait3A_83] : memref<125x80xi32, #tpu.memory_space<vmem>> -> memref<1x80xi32, #tpu.memory_space<vmem>>
      %dma_wait3A_85 = tpu.memref_squeeze %dma_wait3A_84 : memref<1x80xi32, #tpu.memory_space<vmem>> -> memref<80xi32, #tpu.memory_space<vmem>>
      %dma_wait3A_86 = arith.constant 0 : i32
      %dma_wait3A_87 = arith.constant 0 : i32
      %dma_wait3A_88 = tpu.memref_slice %arg2[%dma_wait3A_86, %dma_wait3A_87] : memref<10000x48xf32, #tpu.memory_space<hbm>> -> memref<10000x48xf32, #tpu.memory_space<hbm>>
      tpu.wait_indirect_dma semaphore(%arg10 : memref<!tpu.dma_semaphore, #tpu.memory_space<semaphore_mem>>) src(%dma_wait3A_88 : memref<10000x48xf32, #tpu.memory_space<hbm>>) dst(%dma_wait3A_82 : memref<80x48xf32, #tpu.memory_space<vmem>>)
      %run_scoped3A_89 = arith.constant 0 : i32
      "tpu.region"() ({
        %run_scoped3A_188 = tpu.sem_alloc : memref<!tpu.dma_semaphore, #tpu.memory_space<semaphore_mem>>
        %dma_start3A_189 = arith.constant 0 : i32
        %dma_start3A_190 = arith.constant 0 : i32
        %dma_start3A_191 = tpu.memref_slice %arg8[%run_scoped3A_89, %dma_start3A_189, %dma_start3A_190] : memref<5x80x48xf32, #tpu.memory_space<vmem>> -> memref<1x80x48xf32, #tpu.memory_space<vmem>>
        %dma_start3A_192 = tpu.memref_squeeze %dma_start3A_191 : memref<1x80x48xf32, #tpu.memory_space<vmem>> -> memref<80x48xf32, #tpu.memory_space<vmem>>
        %dma_start3A_193 = arith.constant 0 : i32
        %dma_start3A_194 = tpu.memref_slice %arg7[%add3A_78, %dma_start3A_193] : memref<125x80xi32, #tpu.memory_space<vmem>> -> memref<1x80xi32, #tpu.memory_space<vmem>>
        %dma_start3A_195 = tpu.memref_squeeze %dma_start3A_194 : memref<1x80xi32, #tpu.memory_space<vmem>> -> memref<80xi32, #tpu.memory_space<vmem>>
        %dma_start3A_196 = arith.constant 0 : i32
        %dma_start3A_197 = arith.constant 0 : i32
        %dma_start3A_198 = tpu.memref_slice %arg9[%dma_start3A_196, %dma_start3A_197] : memref<10000x48xf32, #tpu.memory_space<vmem_shared>> -> memref<10000x48xf32, #tpu.memory_space<vmem_shared>>
        tpu.enqueue_indirect_dma source(%dma_start3A_192 : memref<80x48xf32, #tpu.memory_space<vmem>>) target(%dma_start3A_198 : memref<10000x48xf32, #tpu.memory_space<vmem_shared>>) offsets(%dma_start3A_195 : memref<80xi32, #tpu.memory_space<vmem>>) semaphore(%run_scoped3A_188 : memref<!tpu.dma_semaphore, #tpu.memory_space<semaphore_mem>>) {add = true}
        %dma_wait3A_199 = arith.constant 0 : i32
        %dma_wait3A_200 = arith.constant 0 : i32
        %dma_wait3A_201 = tpu.memref_slice %arg8[%run_scoped3A_89, %dma_wait3A_199, %dma_wait3A_200] : memref<5x80x48xf32, #tpu.memory_space<vmem>> -> memref<1x80x48xf32, #tpu.memory_space<vmem>>
        %dma_wait3A_202 = tpu.memref_squeeze %dma_wait3A_201 : memref<1x80x48xf32, #tpu.memory_space<vmem>> -> memref<80x48xf32, #tpu.memory_space<vmem>>
        %dma_wait3A_203 = arith.constant 0 : i32
        %dma_wait3A_204 = tpu.memref_slice %arg7[%add3A_78, %dma_wait3A_203] : memref<125x80xi32, #tpu.memory_space<vmem>> -> memref<1x80xi32, #tpu.memory_space<vmem>>
        %dma_wait3A_205 = tpu.memref_squeeze %dma_wait3A_204 : memref<1x80xi32, #tpu.memory_space<vmem>> -> memref<80xi32, #tpu.memory_space<vmem>>
        %dma_wait3A_206 = arith.constant 0 : i32
        %dma_wait3A_207 = arith.constant 0 : i32
        %dma_wait3A_208 = tpu.memref_slice %arg9[%dma_wait3A_206, %dma_wait3A_207] : memref<10000x48xf32, #tpu.memory_space<vmem_shared>> -> memref<10000x48xf32, #tpu.memory_space<vmem_shared>>
        tpu.wait_indirect_dma semaphore(%run_scoped3A_188 : memref<!tpu.dma_semaphore, #tpu.memory_space<semaphore_mem>>) src(%dma_wait3A_202 : memref<80x48xf32, #tpu.memory_space<vmem>>) dst(%dma_wait3A_208 : memref<10000x48xf32, #tpu.memory_space<vmem_shared>>)
        tpu.yield
      }) : () -> ()
      %add3A_90 = arith.constant 5 : i32
      %add3A_91 = arith.addi %add3A_78, %add3A_90 : i32
      %lt3A = arith.constant 125 : i32
      %lt3A_92 = arith.cmpi slt, %add3A_91, %lt3A : i32
      %convert_element_type3A_93 = arith.extui %lt3A_92 : i1 to i32
      %cond3A_94 = arith.constant 0 : i32
      %cond3A_95 = arith.cmpi ne, %convert_element_type3A_93, %cond3A_94 : i32
      scf.if %cond3A_95 {
        %add3A_188 = arith.constant 5 : i32
        %add3A_189 = arith.addi %add3A_78, %add3A_188 : i32
        %dma_start3A_190 = arith.constant 0 : i32
        %dma_start3A_191 = arith.constant 0 : i32
        %dma_start3A_192 = arith.constant 0 : i32
        %dma_start3A_193 = tpu.memref_slice %arg8[%dma_start3A_190, %dma_start3A_191, %dma_start3A_192] : memref<5x80x48xf32, #tpu.memory_space<vmem>> -> memref<1x80x48xf32, #tpu.memory_space<vmem>>
        %dma_start3A_194 = tpu.memref_squeeze %dma_start3A_193 : memref<1x80x48xf32, #tpu.memory_space<vmem>> -> memref<80x48xf32, #tpu.memory_space<vmem>>
        %dma_start3A_195 = arith.constant 0 : i32
        %dma_start3A_196 = tpu.memref_slice %arg6[%add3A_189, %dma_start3A_195] : memref<125x80xi32, #tpu.memory_space<vmem>> -> memref<1x80xi32, #tpu.memory_space<vmem>>
        %dma_start3A_197 = tpu.memref_squeeze %dma_start3A_196 : memref<1x80xi32, #tpu.memory_space<vmem>> -> memref<80xi32, #tpu.memory_space<vmem>>
        %dma_start3A_198 = arith.constant 0 : i32
        %dma_start3A_199 = arith.constant 0 : i32
        %dma_start3A_200 = tpu.memref_slice %arg2[%dma_start3A_198, %dma_start3A_199] : memref<10000x48xf32, #tpu.memory_space<hbm>> -> memref<10000x48xf32, #tpu.memory_space<hbm>>
        tpu.enqueue_indirect_dma source(%dma_start3A_200 : memref<10000x48xf32, #tpu.memory_space<hbm>>) target(%dma_start3A_194 : memref<80x48xf32, #tpu.memory_space<vmem>>) offsets(%dma_start3A_197 : memref<80xi32, #tpu.memory_space<vmem>>) semaphore(%arg10 : memref<!tpu.dma_semaphore, #tpu.memory_space<semaphore_mem>>)
      } else {
      }
      %mul3A_96 = arith.constant 5 : i32
      %mul3A_97 = arith.muli %scan3A_74, %mul3A_96 : i32
      %add3A_98 = arith.constant 1 : i32
      %add3A_99 = arith.addi %mul3A_97, %add3A_98 : i32
      %dma_wait3A_100 = arith.constant 1 : i32
      %dma_wait3A_101 = arith.constant 0 : i32
      %dma_wait3A_102 = arith.constant 0 : i32
      %dma_wait3A_103 = tpu.memref_slice %arg8[%dma_wait3A_100, %dma_wait3A_101, %dma_wait3A_102] : memref<5x80x48xf32, #tpu.memory_space<vmem>> -> memref<1x80x48xf32, #tpu.memory_space<vmem>>
      %dma_wait3A_104 = tpu.memref_squeeze %dma_wait3A_103 : memref<1x80x48xf32, #tpu.memory_space<vmem>> -> memref<80x48xf32, #tpu.memory_space<vmem>>
      %dma_wait3A_105 = arith.constant 0 : i32
      %dma_wait3A_106 = tpu.memref_slice %arg6[%add3A_99, %dma_wait3A_105] : memref<125x80xi32, #tpu.memory_space<vmem>> -> memref<1x80xi32, #tpu.memory_space<vmem>>
      %dma_wait3A_107 = tpu.memref_squeeze %dma_wait3A_106 : memref<1x80xi32, #tpu.memory_space<vmem>> -> memref<80xi32, #tpu.memory_space<vmem>>
      %dma_wait3A_108 = arith.constant 0 : i32
      %dma_wait3A_109 = arith.constant 0 : i32
      %dma_wait3A_110 = tpu.memref_slice %arg2[%dma_wait3A_108, %dma_wait3A_109] : memref<10000x48xf32, #tpu.memory_space<hbm>> -> memref<10000x48xf32, #tpu.memory_space<hbm>>
      tpu.wait_indirect_dma semaphore(%arg11 : memref<!tpu.dma_semaphore, #tpu.memory_space<semaphore_mem>>) src(%dma_wait3A_110 : memref<10000x48xf32, #tpu.memory_space<hbm>>) dst(%dma_wait3A_104 : memref<80x48xf32, #tpu.memory_space<vmem>>)
      %run_scoped3A_111 = arith.constant 1 : i32
      "tpu.region"() ({
        %run_scoped3A_188 = tpu.sem_alloc : memref<!tpu.dma_semaphore, #tpu.memory_space<semaphore_mem>>
        %dma_start3A_189 = arith.constant 0 : i32
        %dma_start3A_190 = arith.constant 0 : i32
        %dma_start3A_191 = tpu.memref_slice %arg8[%run_scoped3A_111, %dma_start3A_189, %dma_start3A_190] : memref<5x80x48xf32, #tpu.memory_space<vmem>> -> memref<1x80x48xf32, #tpu.memory_space<vmem>>
        %dma_start3A_192 = tpu.memref_squeeze %dma_start3A_191 : memref<1x80x48xf32, #tpu.memory_space<vmem>> -> memref<80x48xf32, #tpu.memory_space<vmem>>
        %dma_start3A_193 = arith.constant 0 : i32
        %dma_start3A_194 = tpu.memref_slice %arg7[%add3A_99, %dma_start3A_193] : memref<125x80xi32, #tpu.memory_space<vmem>> -> memref<1x80xi32, #tpu.memory_space<vmem>>
        %dma_start3A_195 = tpu.memref_squeeze %dma_start3A_194 : memref<1x80xi32, #tpu.memory_space<vmem>> -> memref<80xi32, #tpu.memory_space<vmem>>
        %dma_start3A_196 = arith.constant 0 : i32
        %dma_start3A_197 = arith.constant 0 : i32
        %dma_start3A_198 = tpu.memref_slice %arg9[%dma_start3A_196, %dma_start3A_197] : memref<10000x48xf32, #tpu.memory_space<vmem_shared>> -> memref<10000x48xf32, #tpu.memory_space<vmem_shared>>
        tpu.enqueue_indirect_dma source(%dma_start3A_192 : memref<80x48xf32, #tpu.memory_space<vmem>>) target(%dma_start3A_198 : memref<10000x48xf32, #tpu.memory_space<vmem_shared>>) offsets(%dma_start3A_195 : memref<80xi32, #tpu.memory_space<vmem>>) semaphore(%run_scoped3A_188 : memref<!tpu.dma_semaphore, #tpu.memory_space<semaphore_mem>>) {add = true}
        %dma_wait3A_199 = arith.constant 0 : i32
        %dma_wait3A_200 = arith.constant 0 : i32
        %dma_wait3A_201 = tpu.memref_slice %arg8[%run_scoped3A_111, %dma_wait3A_199, %dma_wait3A_200] : memref<5x80x48xf32, #tpu.memory_space<vmem>> -> memref<1x80x48xf32, #tpu.memory_space<vmem>>
        %dma_wait3A_202 = tpu.memref_squeeze %dma_wait3A_201 : memref<1x80x48xf32, #tpu.memory_space<vmem>> -> memref<80x48xf32, #tpu.memory_space<vmem>>
        %dma_wait3A_203 = arith.constant 0 : i32
        %dma_wait3A_204 = tpu.memref_slice %arg7[%add3A_99, %dma_wait3A_203] : memref<125x80xi32, #tpu.memory_space<vmem>> -> memref<1x80xi32, #tpu.memory_space<vmem>>
        %dma_wait3A_205 = tpu.memref_squeeze %dma_wait3A_204 : memref<1x80xi32, #tpu.memory_space<vmem>> -> memref<80xi32, #tpu.memory_space<vmem>>
        %dma_wait3A_206 = arith.constant 0 : i32
        %dma_wait3A_207 = arith.constant 0 : i32
        %dma_wait3A_208 = tpu.memref_slice %arg9[%dma_wait3A_206, %dma_wait3A_207] : memref<10000x48xf32, #tpu.memory_space<vmem_shared>> -> memref<10000x48xf32, #tpu.memory_space<vmem_shared>>
        tpu.wait_indirect_dma semaphore(%run_scoped3A_188 : memref<!tpu.dma_semaphore, #tpu.memory_space<semaphore_mem>>) src(%dma_wait3A_202 : memref<80x48xf32, #tpu.memory_space<vmem>>) dst(%dma_wait3A_208 : memref<10000x48xf32, #tpu.memory_space<vmem_shared>>)
        tpu.yield
      }) : () -> ()
      %add3A_112 = arith.constant 5 : i32
      %add3A_113 = arith.addi %add3A_99, %add3A_112 : i32
      %lt3A_114 = arith.constant 125 : i32
      %lt3A_115 = arith.cmpi slt, %add3A_113, %lt3A_114 : i32
      %convert_element_type3A_116 = arith.extui %lt3A_115 : i1 to i32
      %cond3A_117 = arith.constant 0 : i32
      %cond3A_118 = arith.cmpi ne, %convert_element_type3A_116, %cond3A_117 : i32
      scf.if %cond3A_118 {
        %add3A_188 = arith.constant 5 : i32
        %add3A_189 = arith.addi %add3A_99, %add3A_188 : i32
        %dma_start3A_190 = arith.constant 1 : i32
        %dma_start3A_191 = arith.constant 0 : i32
        %dma_start3A_192 = arith.constant 0 : i32
        %dma_start3A_193 = tpu.memref_slice %arg8[%dma_start3A_190, %dma_start3A_191, %dma_start3A_192] : memref<5x80x48xf32, #tpu.memory_space<vmem>> -> memref<1x80x48xf32, #tpu.memory_space<vmem>>
        %dma_start3A_194 = tpu.memref_squeeze %dma_start3A_193 : memref<1x80x48xf32, #tpu.memory_space<vmem>> -> memref<80x48xf32, #tpu.memory_space<vmem>>
        %dma_start3A_195 = arith.constant 0 : i32
        %dma_start3A_196 = tpu.memref_slice %arg6[%add3A_189, %dma_start3A_195] : memref<125x80xi32, #tpu.memory_space<vmem>> -> memref<1x80xi32, #tpu.memory_space<vmem>>
        %dma_start3A_197 = tpu.memref_squeeze %dma_start3A_196 : memref<1x80xi32, #tpu.memory_space<vmem>> -> memref<80xi32, #tpu.memory_space<vmem>>
        %dma_start3A_198 = arith.constant 0 : i32
        %dma_start3A_199 = arith.constant 0 : i32
        %dma_start3A_200 = tpu.memref_slice %arg2[%dma_start3A_198, %dma_start3A_199] : memref<10000x48xf32, #tpu.memory_space<hbm>> -> memref<10000x48xf32, #tpu.memory_space<hbm>>
        tpu.enqueue_indirect_dma source(%dma_start3A_200 : memref<10000x48xf32, #tpu.memory_space<hbm>>) target(%dma_start3A_194 : memref<80x48xf32, #tpu.memory_space<vmem>>) offsets(%dma_start3A_197 : memref<80xi32, #tpu.memory_space<vmem>>) semaphore(%arg11 : memref<!tpu.dma_semaphore, #tpu.memory_space<semaphore_mem>>)
      } else {
      }
      %mul3A_119 = arith.constant 5 : i32
      %mul3A_120 = arith.muli %scan3A_74, %mul3A_119 : i32
      %add3A_121 = arith.constant 2 : i32
      %add3A_122 = arith.addi %mul3A_120, %add3A_121 : i32
      %dma_wait3A_123 = arith.constant 2 : i32
      %dma_wait3A_124 = arith.constant 0 : i32
      %dma_wait3A_125 = arith.constant 0 : i32
      %dma_wait3A_126 = tpu.memref_slice %arg8[%dma_wait3A_123, %dma_wait3A_124, %dma_wait3A_125] : memref<5x80x48xf32, #tpu.memory_space<vmem>> -> memref<1x80x48xf32, #tpu.memory_space<vmem>>
      %dma_wait3A_127 = tpu.memref_squeeze %dma_wait3A_126 : memref<1x80x48xf32, #tpu.memory_space<vmem>> -> memref<80x48xf32, #tpu.memory_space<vmem>>
      %dma_wait3A_128 = arith.constant 0 : i32
      %dma_wait3A_129 = tpu.memref_slice %arg6[%add3A_122, %dma_wait3A_128] : memref<125x80xi32, #tpu.memory_space<vmem>> -> memref<1x80xi32, #tpu.memory_space<vmem>>
      %dma_wait3A_130 = tpu.memref_squeeze %dma_wait3A_129 : memref<1x80xi32, #tpu.memory_space<vmem>> -> memref<80xi32, #tpu.memory_space<vmem>>
      %dma_wait3A_131 = arith.constant 0 : i32
      %dma_wait3A_132 = arith.constant 0 : i32
      %dma_wait3A_133 = tpu.memref_slice %arg2[%dma_wait3A_131, %dma_wait3A_132] : memref<10000x48xf32, #tpu.memory_space<hbm>> -> memref<10000x48xf32, #tpu.memory_space<hbm>>
      tpu.wait_indirect_dma semaphore(%arg12 : memref<!tpu.dma_semaphore, #tpu.memory_space<semaphore_mem>>) src(%dma_wait3A_133 : memref<10000x48xf32, #tpu.memory_space<hbm>>) dst(%dma_wait3A_127 : memref<80x48xf32, #tpu.memory_space<vmem>>)
      %run_scoped3A_134 = arith.constant 2 : i32
      "tpu.region"() ({
        %run_scoped3A_188 = tpu.sem_alloc : memref<!tpu.dma_semaphore, #tpu.memory_space<semaphore_mem>>
        %dma_start3A_189 = arith.constant 0 : i32
        %dma_start3A_190 = arith.constant 0 : i32
        %dma_start3A_191 = tpu.memref_slice %arg8[%run_scoped3A_134, %dma_start3A_189, %dma_start3A_190] : memref<5x80x48xf32, #tpu.memory_space<vmem>> -> memref<1x80x48xf32, #tpu.memory_space<vmem>>
        %dma_start3A_192 = tpu.memref_squeeze %dma_start3A_191 : memref<1x80x48xf32, #tpu.memory_space<vmem>> -> memref<80x48xf32, #tpu.memory_space<vmem>>
        %dma_start3A_193 = arith.constant 0 : i32
        %dma_start3A_194 = tpu.memref_slice %arg7[%add3A_122, %dma_start3A_193] : memref<125x80xi32, #tpu.memory_space<vmem>> -> memref<1x80xi32, #tpu.memory_space<vmem>>
        %dma_start3A_195 = tpu.memref_squeeze %dma_start3A_194 : memref<1x80xi32, #tpu.memory_space<vmem>> -> memref<80xi32, #tpu.memory_space<vmem>>
        %dma_start3A_196 = arith.constant 0 : i32
        %dma_start3A_197 = arith.constant 0 : i32
        %dma_start3A_198 = tpu.memref_slice %arg9[%dma_start3A_196, %dma_start3A_197] : memref<10000x48xf32, #tpu.memory_space<vmem_shared>> -> memref<10000x48xf32, #tpu.memory_space<vmem_shared>>
        tpu.enqueue_indirect_dma source(%dma_start3A_192 : memref<80x48xf32, #tpu.memory_space<vmem>>) target(%dma_start3A_198 : memref<10000x48xf32, #tpu.memory_space<vmem_shared>>) offsets(%dma_start3A_195 : memref<80xi32, #tpu.memory_space<vmem>>) semaphore(%run_scoped3A_188 : memref<!tpu.dma_semaphore, #tpu.memory_space<semaphore_mem>>) {add = true}
        %dma_wait3A_199 = arith.constant 0 : i32
        %dma_wait3A_200 = arith.constant 0 : i32
        %dma_wait3A_201 = tpu.memref_slice %arg8[%run_scoped3A_134, %dma_wait3A_199, %dma_wait3A_200] : memref<5x80x48xf32, #tpu.memory_space<vmem>> -> memref<1x80x48xf32, #tpu.memory_space<vmem>>
        %dma_wait3A_202 = tpu.memref_squeeze %dma_wait3A_201 : memref<1x80x48xf32, #tpu.memory_space<vmem>> -> memref<80x48xf32, #tpu.memory_space<vmem>>
        %dma_wait3A_203 = arith.constant 0 : i32
        %dma_wait3A_204 = tpu.memref_slice %arg7[%add3A_122, %dma_wait3A_203] : memref<125x80xi32, #tpu.memory_space<vmem>> -> memref<1x80xi32, #tpu.memory_space<vmem>>
        %dma_wait3A_205 = tpu.memref_squeeze %dma_wait3A_204 : memref<1x80xi32, #tpu.memory_space<vmem>> -> memref<80xi32, #tpu.memory_space<vmem>>
        %dma_wait3A_206 = arith.constant 0 : i32
        %dma_wait3A_207 = arith.constant 0 : i32
        %dma_wait3A_208 = tpu.memref_slice %arg9[%dma_wait3A_206, %dma_wait3A_207] : memref<10000x48xf32, #tpu.memory_space<vmem_shared>> -> memref<10000x48xf32, #tpu.memory_space<vmem_shared>>
        tpu.wait_indirect_dma semaphore(%run_scoped3A_188 : memref<!tpu.dma_semaphore, #tpu.memory_space<semaphore_mem>>) src(%dma_wait3A_202 : memref<80x48xf32, #tpu.memory_space<vmem>>) dst(%dma_wait3A_208 : memref<10000x48xf32, #tpu.memory_space<vmem_shared>>)
        tpu.yield
      }) : () -> ()
      %add3A_135 = arith.constant 5 : i32
      %add3A_136 = arith.addi %add3A_122, %add3A_135 : i32
      %lt3A_137 = arith.constant 125 : i32
      %lt3A_138 = arith.cmpi slt, %add3A_136, %lt3A_137 : i32
      %convert_element_type3A_139 = arith.extui %lt3A_138 : i1 to i32
      %cond3A_140 = arith.constant 0 : i32
      %cond3A_141 = arith.cmpi ne, %convert_element_type3A_139, %cond3A_140 : i32
      scf.if %cond3A_141 {
        %add3A_188 = arith.constant 5 : i32
        %add3A_189 = arith.addi %add3A_122, %add3A_188 : i32
        %dma_start3A_190 = arith.constant 2 : i32
        %dma_start3A_191 = arith.constant 0 : i32
        %dma_start3A_192 = arith.constant 0 : i32
        %dma_start3A_193 = tpu.memref_slice %arg8[%dma_start3A_190, %dma_start3A_191, %dma_start3A_192] : memref<5x80x48xf32, #tpu.memory_space<vmem>> -> memref<1x80x48xf32, #tpu.memory_space<vmem>>
        %dma_start3A_194 = tpu.memref_squeeze %dma_start3A_193 : memref<1x80x48xf32, #tpu.memory_space<vmem>> -> memref<80x48xf32, #tpu.memory_space<vmem>>
        %dma_start3A_195 = arith.constant 0 : i32
        %dma_start3A_196 = tpu.memref_slice %arg6[%add3A_189, %dma_start3A_195] : memref<125x80xi32, #tpu.memory_space<vmem>> -> memref<1x80xi32, #tpu.memory_space<vmem>>
        %dma_start3A_197 = tpu.memref_squeeze %dma_start3A_196 : memref<1x80xi32, #tpu.memory_space<vmem>> -> memref<80xi32, #tpu.memory_space<vmem>>
        %dma_start3A_198 = arith.constant 0 : i32
        %dma_start3A_199 = arith.constant 0 : i32
        %dma_start3A_200 = tpu.memref_slice %arg2[%dma_start3A_198, %dma_start3A_199] : memref<10000x48xf32, #tpu.memory_space<hbm>> -> memref<10000x48xf32, #tpu.memory_space<hbm>>
        tpu.enqueue_indirect_dma source(%dma_start3A_200 : memref<10000x48xf32, #tpu.memory_space<hbm>>) target(%dma_start3A_194 : memref<80x48xf32, #tpu.memory_space<vmem>>) offsets(%dma_start3A_197 : memref<80xi32, #tpu.memory_space<vmem>>) semaphore(%arg12 : memref<!tpu.dma_semaphore, #tpu.memory_space<semaphore_mem>>)
      } else {
      }
      %mul3A_142 = arith.constant 5 : i32
      %mul3A_143 = arith.muli %scan3A_74, %mul3A_142 : i32
      %add3A_144 = arith.constant 3 : i32
      %add3A_145 = arith.addi %mul3A_143, %add3A_144 : i32
      %dma_wait3A_146 = arith.constant 3 : i32
      %dma_wait3A_147 = arith.constant 0 : i32
      %dma_wait3A_148 = arith.constant 0 : i32
      %dma_wait3A_149 = tpu.memref_slice %arg8[%dma_wait3A_146, %dma_wait3A_147, %dma_wait3A_148] : memref<5x80x48xf32, #tpu.memory_space<vmem>> -> memref<1x80x48xf32, #tpu.memory_space<vmem>>
      %dma_wait3A_150 = tpu.memref_squeeze %dma_wait3A_149 : memref<1x80x48xf32, #tpu.memory_space<vmem>> -> memref<80x48xf32, #tpu.memory_space<vmem>>
      %dma_wait3A_151 = arith.constant 0 : i32
      %dma_wait3A_152 = tpu.memref_slice %arg6[%add3A_145, %dma_wait3A_151] : memref<125x80xi32, #tpu.memory_space<vmem>> -> memref<1x80xi32, #tpu.memory_space<vmem>>
      %dma_wait3A_153 = tpu.memref_squeeze %dma_wait3A_152 : memref<1x80xi32, #tpu.memory_space<vmem>> -> memref<80xi32, #tpu.memory_space<vmem>>
      %dma_wait3A_154 = arith.constant 0 : i32
      %dma_wait3A_155 = arith.constant 0 : i32
      %dma_wait3A_156 = tpu.memref_slice %arg2[%dma_wait3A_154, %dma_wait3A_155] : memref<10000x48xf32, #tpu.memory_space<hbm>> -> memref<10000x48xf32, #tpu.memory_space<hbm>>
      tpu.wait_indirect_dma semaphore(%arg13 : memref<!tpu.dma_semaphore, #tpu.memory_space<semaphore_mem>>) src(%dma_wait3A_156 : memref<10000x48xf32, #tpu.memory_space<hbm>>) dst(%dma_wait3A_150 : memref<80x48xf32, #tpu.memory_space<vmem>>)
      %run_scoped3A_157 = arith.constant 3 : i32
      "tpu.region"() ({
        %run_scoped3A_188 = tpu.sem_alloc : memref<!tpu.dma_semaphore, #tpu.memory_space<semaphore_mem>>
        %dma_start3A_189 = arith.constant 0 : i32
        %dma_start3A_190 = arith.constant 0 : i32
        %dma_start3A_191 = tpu.memref_slice %arg8[%run_scoped3A_157, %dma_start3A_189, %dma_start3A_190] : memref<5x80x48xf32, #tpu.memory_space<vmem>> -> memref<1x80x48xf32, #tpu.memory_space<vmem>>
        %dma_start3A_192 = tpu.memref_squeeze %dma_start3A_191 : memref<1x80x48xf32, #tpu.memory_space<vmem>> -> memref<80x48xf32, #tpu.memory_space<vmem>>
        %dma_start3A_193 = arith.constant 0 : i32
        %dma_start3A_194 = tpu.memref_slice %arg7[%add3A_145, %dma_start3A_193] : memref<125x80xi32, #tpu.memory_space<vmem>> -> memref<1x80xi32, #tpu.memory_space<vmem>>
        %dma_start3A_195 = tpu.memref_squeeze %dma_start3A_194 : memref<1x80xi32, #tpu.memory_space<vmem>> -> memref<80xi32, #tpu.memory_space<vmem>>
        %dma_start3A_196 = arith.constant 0 : i32
        %dma_start3A_197 = arith.constant 0 : i32
        %dma_start3A_198 = tpu.memref_slice %arg9[%dma_start3A_196, %dma_start3A_197] : memref<10000x48xf32, #tpu.memory_space<vmem_shared>> -> memref<10000x48xf32, #tpu.memory_space<vmem_shared>>
        tpu.enqueue_indirect_dma source(%dma_start3A_192 : memref<80x48xf32, #tpu.memory_space<vmem>>) target(%dma_start3A_198 : memref<10000x48xf32, #tpu.memory_space<vmem_shared>>) offsets(%dma_start3A_195 : memref<80xi32, #tpu.memory_space<vmem>>) semaphore(%run_scoped3A_188 : memref<!tpu.dma_semaphore, #tpu.memory_space<semaphore_mem>>) {add = true}
        %dma_wait3A_199 = arith.constant 0 : i32
        %dma_wait3A_200 = arith.constant 0 : i32
        %dma_wait3A_201 = tpu.memref_slice %arg8[%run_scoped3A_157, %dma_wait3A_199, %dma_wait3A_200] : memref<5x80x48xf32, #tpu.memory_space<vmem>> -> memref<1x80x48xf32, #tpu.memory_space<vmem>>
        %dma_wait3A_202 = tpu.memref_squeeze %dma_wait3A_201 : memref<1x80x48xf32, #tpu.memory_space<vmem>> -> memref<80x48xf32, #tpu.memory_space<vmem>>
        %dma_wait3A_203 = arith.constant 0 : i32
        %dma_wait3A_204 = tpu.memref_slice %arg7[%add3A_145, %dma_wait3A_203] : memref<125x80xi32, #tpu.memory_space<vmem>> -> memref<1x80xi32, #tpu.memory_space<vmem>>
        %dma_wait3A_205 = tpu.memref_squeeze %dma_wait3A_204 : memref<1x80xi32, #tpu.memory_space<vmem>> -> memref<80xi32, #tpu.memory_space<vmem>>
        %dma_wait3A_206 = arith.constant 0 : i32
        %dma_wait3A_207 = arith.constant 0 : i32
        %dma_wait3A_208 = tpu.memref_slice %arg9[%dma_wait3A_206, %dma_wait3A_207] : memref<10000x48xf32, #tpu.memory_space<vmem_shared>> -> memref<10000x48xf32, #tpu.memory_space<vmem_shared>>
        tpu.wait_indirect_dma semaphore(%run_scoped3A_188 : memref<!tpu.dma_semaphore, #tpu.memory_space<semaphore_mem>>) src(%dma_wait3A_202 : memref<80x48xf32, #tpu.memory_space<vmem>>) dst(%dma_wait3A_208 : memref<10000x48xf32, #tpu.memory_space<vmem_shared>>)
        tpu.yield
      }) : () -> ()
      %add3A_158 = arith.constant 5 : i32
      %add3A_159 = arith.addi %add3A_145, %add3A_158 : i32
      %lt3A_160 = arith.constant 125 : i32
      %lt3A_161 = arith.cmpi slt, %add3A_159, %lt3A_160 : i32
      %convert_element_type3A_162 = arith.extui %lt3A_161 : i1 to i32
      %cond3A_163 = arith.constant 0 : i32
      %cond3A_164 = arith.cmpi ne, %convert_element_type3A_162, %cond3A_163 : i32
      scf.if %cond3A_164 {
        %add3A_188 = arith.constant 5 : i32
        %add3A_189 = arith.addi %add3A_145, %add3A_188 : i32
        %dma_start3A_190 = arith.constant 3 : i32
        %dma_start3A_191 = arith.constant 0 : i32
        %dma_start3A_192 = arith.constant 0 : i32
        %dma_start3A_193 = tpu.memref_slice %arg8[%dma_start3A_190, %dma_start3A_191, %dma_start3A_192] : memref<5x80x48xf32, #tpu.memory_space<vmem>> -> memref<1x80x48xf32, #tpu.memory_space<vmem>>
        %dma_start3A_194 = tpu.memref_squeeze %dma_start3A_193 : memref<1x80x48xf32, #tpu.memory_space<vmem>> -> memref<80x48xf32, #tpu.memory_space<vmem>>
        %dma_start3A_195 = arith.constant 0 : i32
        %dma_start3A_196 = tpu.memref_slice %arg6[%add3A_189, %dma_start3A_195] : memref<125x80xi32, #tpu.memory_space<vmem>> -> memref<1x80xi32, #tpu.memory_space<vmem>>
        %dma_start3A_197 = tpu.memref_squeeze %dma_start3A_196 : memref<1x80xi32, #tpu.memory_space<vmem>> -> memref<80xi32, #tpu.memory_space<vmem>>
        %dma_start3A_198 = arith.constant 0 : i32
        %dma_start3A_199 = arith.constant 0 : i32
        %dma_start3A_200 = tpu.memref_slice %arg2[%dma_start3A_198, %dma_start3A_199] : memref<10000x48xf32, #tpu.memory_space<hbm>> -> memref<10000x48xf32, #tpu.memory_space<hbm>>
        tpu.enqueue_indirect_dma source(%dma_start3A_200 : memref<10000x48xf32, #tpu.memory_space<hbm>>) target(%dma_start3A_194 : memref<80x48xf32, #tpu.memory_space<vmem>>) offsets(%dma_start3A_197 : memref<80xi32, #tpu.memory_space<vmem>>) semaphore(%arg13 : memref<!tpu.dma_semaphore, #tpu.memory_space<semaphore_mem>>)
      } else {
      }
      %mul3A_165 = arith.constant 5 : i32
      %mul3A_166 = arith.muli %scan3A_74, %mul3A_165 : i32
      %add3A_167 = arith.constant 4 : i32
      %add3A_168 = arith.addi %mul3A_166, %add3A_167 : i32
      %dma_wait3A_169 = arith.constant 4 : i32
      %dma_wait3A_170 = arith.constant 0 : i32
      %dma_wait3A_171 = arith.constant 0 : i32
      %dma_wait3A_172 = tpu.memref_slice %arg8[%dma_wait3A_169, %dma_wait3A_170, %dma_wait3A_171] : memref<5x80x48xf32, #tpu.memory_space<vmem>> -> memref<1x80x48xf32, #tpu.memory_space<vmem>>
      %dma_wait3A_173 = tpu.memref_squeeze %dma_wait3A_172 : memref<1x80x48xf32, #tpu.memory_space<vmem>> -> memref<80x48xf32, #tpu.memory_space<vmem>>
      %dma_wait3A_174 = arith.constant 0 : i32
      %dma_wait3A_175 = tpu.memref_slice %arg6[%add3A_168, %dma_wait3A_174] : memref<125x80xi32, #tpu.memory_space<vmem>> -> memref<1x80xi32, #tpu.memory_space<vmem>>
      %dma_wait3A_176 = tpu.memref_squeeze %dma_wait3A_175 : memref<1x80xi32, #tpu.memory_space<vmem>> -> memref<80xi32, #tpu.memory_space<vmem>>
      %dma_wait3A_177 = arith.constant 0 : i32
      %dma_wait3A_178 = arith.constant 0 : i32
      %dma_wait3A_179 = tpu.memref_slice %arg2[%dma_wait3A_177, %dma_wait3A_178] : memref<10000x48xf32, #tpu.memory_space<hbm>> -> memref<10000x48xf32, #tpu.memory_space<hbm>>
      tpu.wait_indirect_dma semaphore(%arg14 : memref<!tpu.dma_semaphore, #tpu.memory_space<semaphore_mem>>) src(%dma_wait3A_179 : memref<10000x48xf32, #tpu.memory_space<hbm>>) dst(%dma_wait3A_173 : memref<80x48xf32, #tpu.memory_space<vmem>>)
      %run_scoped3A_180 = arith.constant 4 : i32
      "tpu.region"() ({
        %run_scoped3A_188 = tpu.sem_alloc : memref<!tpu.dma_semaphore, #tpu.memory_space<semaphore_mem>>
        %dma_start3A_189 = arith.constant 0 : i32
        %dma_start3A_190 = arith.constant 0 : i32
        %dma_start3A_191 = tpu.memref_slice %arg8[%run_scoped3A_180, %dma_start3A_189, %dma_start3A_190] : memref<5x80x48xf32, #tpu.memory_space<vmem>> -> memref<1x80x48xf32, #tpu.memory_space<vmem>>
        %dma_start3A_192 = tpu.memref_squeeze %dma_start3A_191 : memref<1x80x48xf32, #tpu.memory_space<vmem>> -> memref<80x48xf32, #tpu.memory_space<vmem>>
        %dma_start3A_193 = arith.constant 0 : i32
        %dma_start3A_194 = tpu.memref_slice %arg7[%add3A_168, %dma_start3A_193] : memref<125x80xi32, #tpu.memory_space<vmem>> -> memref<1x80xi32, #tpu.memory_space<vmem>>
        %dma_start3A_195 = tpu.memref_squeeze %dma_start3A_194 : memref<1x80xi32, #tpu.memory_space<vmem>> -> memref<80xi32, #tpu.memory_space<vmem>>
        %dma_start3A_196 = arith.constant 0 : i32
        %dma_start3A_197 = arith.constant 0 : i32
        %dma_start3A_198 = tpu.memref_slice %arg9[%dma_start3A_196, %dma_start3A_197] : memref<10000x48xf32, #tpu.memory_space<vmem_shared>> -> memref<10000x48xf32, #tpu.memory_space<vmem_shared>>
        tpu.enqueue_indirect_dma source(%dma_start3A_192 : memref<80x48xf32, #tpu.memory_space<vmem>>) target(%dma_start3A_198 : memref<10000x48xf32, #tpu.memory_space<vmem_shared>>) offsets(%dma_start3A_195 : memref<80xi32, #tpu.memory_space<vmem>>) semaphore(%run_scoped3A_188 : memref<!tpu.dma_semaphore, #tpu.memory_space<semaphore_mem>>) {add = true}
        %dma_wait3A_199 = arith.constant 0 : i32
        %dma_wait3A_200 = arith.constant 0 : i32
        %dma_wait3A_201 = tpu.memref_slice %arg8[%run_scoped3A_180, %dma_wait3A_199, %dma_wait3A_200] : memref<5x80x48xf32, #tpu.memory_space<vmem>> -> memref<1x80x48xf32, #tpu.memory_space<vmem>>
        %dma_wait3A_202 = tpu.memref_squeeze %dma_wait3A_201 : memref<1x80x48xf32, #tpu.memory_space<vmem>> -> memref<80x48xf32, #tpu.memory_space<vmem>>
        %dma_wait3A_203 = arith.constant 0 : i32
        %dma_wait3A_204 = tpu.memref_slice %arg7[%add3A_168, %dma_wait3A_203] : memref<125x80xi32, #tpu.memory_space<vmem>> -> memref<1x80xi32, #tpu.memory_space<vmem>>
        %dma_wait3A_205 = tpu.memref_squeeze %dma_wait3A_204 : memref<1x80xi32, #tpu.memory_space<vmem>> -> memref<80xi32, #tpu.memory_space<vmem>>
        %dma_wait3A_206 = arith.constant 0 : i32
        %dma_wait3A_207 = arith.constant 0 : i32
        %dma_wait3A_208 = tpu.memref_slice %arg9[%dma_wait3A_206, %dma_wait3A_207] : memref<10000x48xf32, #tpu.memory_space<vmem_shared>> -> memref<10000x48xf32, #tpu.memory_space<vmem_shared>>
        tpu.wait_indirect_dma semaphore(%run_scoped3A_188 : memref<!tpu.dma_semaphore, #tpu.memory_space<semaphore_mem>>) src(%dma_wait3A_202 : memref<80x48xf32, #tpu.memory_space<vmem>>) dst(%dma_wait3A_208 : memref<10000x48xf32, #tpu.memory_space<vmem_shared>>)
        tpu.yield
      }) : () -> ()
      %add3A_181 = arith.constant 5 : i32
      %add3A_182 = arith.addi %add3A_168, %add3A_181 : i32
      %lt3A_183 = arith.constant 125 : i32
      %lt3A_184 = arith.cmpi slt, %add3A_182, %lt3A_183 : i32
      %convert_element_type3A_185 = arith.extui %lt3A_184 : i1 to i32
      %cond3A_186 = arith.constant 0 : i32
      %cond3A_187 = arith.cmpi ne, %convert_element_type3A_185, %cond3A_186 : i32
      scf.if %cond3A_187 {
        %add3A_188 = arith.constant 5 : i32
        %add3A_189 = arith.addi %add3A_168, %add3A_188 : i32
        %dma_start3A_190 = arith.constant 4 : i32
        %dma_start3A_191 = arith.constant 0 : i32
        %dma_start3A_192 = arith.constant 0 : i32
        %dma_start3A_193 = tpu.memref_slice %arg8[%dma_start3A_190, %dma_start3A_191, %dma_start3A_192] : memref<5x80x48xf32, #tpu.memory_space<vmem>> -> memref<1x80x48xf32, #tpu.memory_space<vmem>>
        %dma_start3A_194 = tpu.memref_squeeze %dma_start3A_193 : memref<1x80x48xf32, #tpu.memory_space<vmem>> -> memref<80x48xf32, #tpu.memory_space<vmem>>
        %dma_start3A_195 = arith.constant 0 : i32
        %dma_start3A_196 = tpu.memref_slice %arg6[%add3A_189, %dma_start3A_195] : memref<125x80xi32, #tpu.memory_space<vmem>> -> memref<1x80xi32, #tpu.memory_space<vmem>>
        %dma_start3A_197 = tpu.memref_squeeze %dma_start3A_196 : memref<1x80xi32, #tpu.memory_space<vmem>> -> memref<80xi32, #tpu.memory_space<vmem>>
        %dma_start3A_198 = arith.constant 0 : i32
        %dma_start3A_199 = arith.constant 0 : i32
        %dma_start3A_200 = tpu.memref_slice %arg2[%dma_start3A_198, %dma_start3A_199] : memref<10000x48xf32, #tpu.memory_space<hbm>> -> memref<10000x48xf32, #tpu.memory_space<hbm>>
        tpu.enqueue_indirect_dma source(%dma_start3A_200 : memref<10000x48xf32, #tpu.memory_space<hbm>>) target(%dma_start3A_194 : memref<80x48xf32, #tpu.memory_space<vmem>>) offsets(%dma_start3A_197 : memref<80xi32, #tpu.memory_space<vmem>>) semaphore(%arg14 : memref<!tpu.dma_semaphore, #tpu.memory_space<semaphore_mem>>)
      } else {
      }
    }
    %scan3A_67 = arith.constant 25 : i32
    %barrier3A_68 = arith.constant 0 : index
    tpu.barrier barrier_id(%barrier3A_68)
    %eq3A_69 = arith.constant 0 : i32
    %eq3A_70 = arith.cmpi eq, %arg1, %eq3A_69 : i32
    %convert_element_type3A_71 = arith.extui %eq3A_70 : i1 to i32
    %cond3A_72 = arith.constant 0 : i32
    %cond3A_73 = arith.cmpi ne, %convert_element_type3A_71, %cond3A_72 : i32
    scf.if %cond3A_73 {
      %mul3A_74 = arith.constant 48 : i32
      %mul3A_75 = arith.muli %mul3A_74, %arg0 : i32
      "tpu.region"() ({
        %run_scoped3A_76 = tpu.sem_alloc : memref<!tpu.dma_semaphore, #tpu.memory_space<semaphore_mem>>
        %dma_start3A_77 = arith.constant 0 : i32
        %dma_start3A_78 = tpu.memref_slice %arg5[%dma_start3A_77, %mul3A_75] : memref<10000x128xf32, #tpu.memory_space<hbm>> -> memref<10000x48xf32, #tpu.memory_space<hbm>>
        tpu.enqueue_dma source(%arg9 : memref<10000x48xf32, #tpu.memory_space<vmem_shared>>) target(%dma_start3A_78 : memref<10000x48xf32, #tpu.memory_space<hbm>>) target_semaphore(%run_scoped3A_76 : memref<!tpu.dma_semaphore, #tpu.memory_space<semaphore_mem>>)
        %dma_wait3A = arith.constant 0 : i32
        %dma_wait3A_79 = tpu.memref_slice %arg5[%dma_wait3A, %mul3A_75] : memref<10000x128xf32, #tpu.memory_space<hbm>> -> memref<10000x48xf32, #tpu.memory_space<hbm>>
        tpu.wait_dma2 semaphore(%run_scoped3A_76 : memref<!tpu.dma_semaphore, #tpu.memory_space<semaphore_mem>>) src(%arg9 : memref<10000x48xf32, #tpu.memory_space<vmem_shared>>) dst(%dma_wait3A_79 : memref<10000x48xf32, #tpu.memory_space<hbm>>)
        tpu.yield
      }) : () -> ()
    } else {
    }
    return
  }
}

module attributes {stable_mosaic.version = 14 : i64} {
  func.func @_mm1_body(%arg0: i32, %arg1: memref<1000x128xf32, #tpu.memory_space<vmem>>, %arg2: memref<128x128xf32, #tpu.memory_space<vmem>>, %arg3: memref<1000x128xf32, #tpu.memory_space<vmem>>, %arg4: memref<1000x128xf32, #tpu.memory_space<vmem>>) attributes {dimension_semantics = [#tpu.dimension_semantics<arbitrary>], iteration_bounds = array<i64: 10>, scalar_prefetch = 0 : i64, scratch_operands = 0 : i64, tpu.core_type = #tpu.core_type<tc>, window_params = [{transform_indices = @transform_0, window_bounds = array<i64: 1000, 128>}, {pipeline_mode = #tpu.pipeline_mode<synchronous>, transform_indices = @transform_1, window_bounds = array<i64: 128, 128>}, {transform_indices = @transform_2, window_bounds = array<i64: 1000, 128>}, {transform_indices = @transform_3, window_bounds = array<i64: 1000, 128>}]} {
    %get3A = arith.constant 0 : index
    %get3A_0 = arith.constant 0 : index
    %get3A_1 = vector.load %arg3[%get3A, %get3A_0] : memref<1000x128xf32, #tpu.memory_space<vmem>>, vector<1000x1xf32>
    %get3A_2 = arith.constant 0 : index
    %get3A_3 = arith.constant 16 : index
    %get3A_4 = vector.load %arg3[%get3A_2, %get3A_3] : memref<1000x128xf32, #tpu.memory_space<vmem>>, vector<1000x1xf32>
    %add3A = arith.addf %get3A_1, %get3A_4 : vector<1000x1xf32>
    %add3A_5 = arith.constant 1.000000e+00 : f32
    %add3A_6 = vector.broadcast %add3A_5 : f32 to vector<1000x1xf32>
    %add3A_7 = arith.addf %add3A, %add3A_6 : vector<1000x1xf32>
    %max3A = arith.constant 1.000000e+00 : f32
    %max3A_8 = vector.broadcast %max3A : f32 to vector<1000x1xf32>
    %max3A_9 = arith.maximumf %add3A_7, %max3A_8 : vector<1000x1xf32>
    %rsqrt3A = math.rsqrt %max3A_9 : vector<1000x1xf32>
    %get3A_10 = arith.constant 0 : index
    %get3A_11 = arith.constant 0 : index
    %get3A_12 = vector.load %arg1[%get3A_10, %get3A_11] : memref<1000x128xf32, #tpu.memory_space<vmem>>, vector<1000x128xf32>
    %get3A_13 = arith.constant 0 : index
    %get3A_14 = arith.constant 0 : index
    %get3A_15 = vector.load %arg2[%get3A_13, %get3A_14] : memref<128x128xf32, #tpu.memory_space<vmem>>, vector<128x128xf32>
    %dot_general3A = arith.constant dense<0.000000e+00> : vector<1000x128xf32>
    %dot_general3A_16 = tpu.matmul %get3A_12, %get3A_15, %dot_general3A {dimension_numbers = #tpu.dot_dimension_numbers<[1], [0], [0], [1], [0, 0, 1, 1], [], []>, transpose_lhs_hint = false} : vector<1000x128xf32>, vector<128x128xf32>, vector<1000x128xf32> -> vector<1000x128xf32>
    %mul3A = vector.broadcast %rsqrt3A : vector<1000x1xf32> to vector<1000x128xf32>
    %mul3A_17 = arith.mulf %dot_general3A_16, %mul3A : vector<1000x128xf32>
    %swap3A = arith.constant 0 : index
    %swap3A_18 = arith.constant 0 : index
    %swap3A_19 = vector.load %arg4[%swap3A, %swap3A_18] : memref<1000x128xf32, #tpu.memory_space<vmem>>, vector<1000x128xf32>
    tpu.vector_store %arg4[%swap3A, %swap3A_18], %mul3A_17 {strides = array<i32>} : memref<1000x128xf32, #tpu.memory_space<vmem>>, vector<1000x128xf32>,
    return
  }
  func.func @transform_0(%arg0: i32) -> (i32, i32) {
    %c0_i32 = arith.constant 0 : i32
    %c0_i32_0 = arith.constant 0 : i32
    return %arg0, %c0_i32 : i32, i32
  }
  func.func @transform_1(%arg0: i32) -> (i32, i32) {
    %c0_i32 = arith.constant 0 : i32
    %c0_i32_0 = arith.constant 0 : i32
    %c0_i32_1 = arith.constant 0 : i32
    return %c0_i32, %c0_i32_0 : i32, i32
  }
  func.func @transform_2(%arg0: i32) -> (i32, i32) {
    %c0_i32 = arith.constant 0 : i32
    %c0_i32_0 = arith.constant 0 : i32
    return %arg0, %c0_i32 : i32, i32
  }
  func.func @transform_3(%arg0: i32) -> (i32, i32) {
    %c0_i32 = arith.constant 0 : i32
    %c0_i32_0 = arith.constant 0 : i32
    return %arg0, %c0_i32 : i32, i32
  }
}

module attributes {stable_mosaic.version = 14 : i64} {
  func.func @_mid_body(%arg0: i32, %arg1: memref<1000x128xf32, #tpu.memory_space<vmem>>, %arg2: memref<1000x128xf32, #tpu.memory_space<vmem>>, %arg3: memref<1000x128xf32, #tpu.memory_space<vmem>>, %arg4: memref<1x128xf32, #tpu.memory_space<vmem>>, %arg5: memref<128x48xf32, #tpu.memory_space<vmem>>, %arg6: memref<1000x48xf32, #tpu.memory_space<vmem>>) attributes {dimension_semantics = [#tpu.dimension_semantics<arbitrary>], iteration_bounds = array<i64: 10>, scalar_prefetch = 0 : i64, scratch_operands = 0 : i64, tpu.core_type = #tpu.core_type<tc>, window_params = [{transform_indices = @transform_0, window_bounds = array<i64: 1000, 128>}, {transform_indices = @transform_1, window_bounds = array<i64: 1000, 128>}, {transform_indices = @transform_2, window_bounds = array<i64: 1000, 128>}, {pipeline_mode = #tpu.pipeline_mode<synchronous>, transform_indices = @transform_3, window_bounds = array<i64: 1, 128>}, {pipeline_mode = #tpu.pipeline_mode<synchronous>, transform_indices = @transform_4, window_bounds = array<i64: 128, 48>}, {transform_indices = @transform_5, window_bounds = array<i64: 1000, 48>}]} {
    %get3A = arith.constant 0 : index
    %get3A_0 = arith.constant 0 : index
    %get3A_1 = vector.load %arg3[%get3A, %get3A_0] : memref<1000x128xf32, #tpu.memory_space<vmem>>, vector<1000x1xf32>
    %get3A_2 = arith.constant 0 : index
    %get3A_3 = arith.constant 16 : index
    %get3A_4 = vector.load %arg3[%get3A_2, %get3A_3] : memref<1000x128xf32, #tpu.memory_space<vmem>>, vector<1000x1xf32>
    %add3A = arith.addf %get3A_1, %get3A_4 : vector<1000x1xf32>
    %add3A_5 = arith.constant 1.000000e+00 : f32
    %add3A_6 = vector.broadcast %add3A_5 : f32 to vector<1000x1xf32>
    %add3A_7 = arith.addf %add3A, %add3A_6 : vector<1000x1xf32>
    %max3A = arith.constant 1.000000e+00 : f32
    %max3A_8 = vector.broadcast %max3A : f32 to vector<1000x1xf32>
    %max3A_9 = arith.maximumf %add3A_7, %max3A_8 : vector<1000x1xf32>
    %rsqrt3A = math.rsqrt %max3A_9 : vector<1000x1xf32>
    %get3A_10 = arith.constant 0 : index
    %get3A_11 = arith.constant 0 : index
    %get3A_12 = vector.load %arg1[%get3A_10, %get3A_11] : memref<1000x128xf32, #tpu.memory_space<vmem>>, vector<1000x128xf32>
    %get3A_13 = arith.constant 0 : index
    %get3A_14 = arith.constant 0 : index
    %get3A_15 = vector.load %arg2[%get3A_13, %get3A_14] : memref<1000x128xf32, #tpu.memory_space<vmem>>, vector<1000x128xf32>
    %add3A_16 = arith.addf %get3A_12, %get3A_15 : vector<1000x128xf32>
    %mul3A = vector.broadcast %rsqrt3A : vector<1000x1xf32> to vector<1000x128xf32>
    %mul3A_17 = arith.mulf %add3A_16, %mul3A : vector<1000x128xf32>
    %get3A_18 = arith.constant 0 : index
    %get3A_19 = arith.constant 0 : index
    %get3A_20 = vector.load %arg4[%get3A_18, %get3A_19] : memref<1x128xf32, #tpu.memory_space<vmem>>, vector<1x128xf32>
    %add3A_21 = vector.broadcast %get3A_20 : vector<1x128xf32> to vector<1000x128xf32>
    %add3A_22 = arith.addf %mul3A_17, %add3A_21 : vector<1000x128xf32>
    %max3A_23 = arith.constant 0.000000e+00 : f32
    %max3A_24 = vector.broadcast %max3A_23 : f32 to vector<1000x128xf32>
    %max3A_25 = arith.maximumf %add3A_22, %max3A_24 : vector<1000x128xf32>
    %get3A_26 = arith.constant 0 : index
    %get3A_27 = arith.constant 0 : index
    %get3A_28 = vector.load %arg5[%get3A_26, %get3A_27] : memref<128x48xf32, #tpu.memory_space<vmem>>, vector<128x48xf32>
    %dot_general3A = arith.constant dense<0.000000e+00> : vector<1000x48xf32>
    %dot_general3A_29 = tpu.matmul %max3A_25, %get3A_28, %dot_general3A {dimension_numbers = #tpu.dot_dimension_numbers<[1], [0], [0], [1], [0, 0, 1, 1], [], []>, transpose_lhs_hint = false} : vector<1000x128xf32>, vector<128x48xf32>, vector<1000x48xf32> -> vector<1000x48xf32>
    %mul3A_30 = vector.broadcast %rsqrt3A : vector<1000x1xf32> to vector<1000x48xf32>
    %mul3A_31 = arith.mulf %dot_general3A_29, %mul3A_30 : vector<1000x48xf32>
    %swap3A = arith.constant 0 : index
    %swap3A_32 = arith.constant 0 : index
    %swap3A_33 = vector.load %arg6[%swap3A, %swap3A_32] : memref<1000x48xf32, #tpu.memory_space<vmem>>, vector<1000x48xf32>
    tpu.vector_store %arg6[%swap3A, %swap3A_32], %mul3A_31 {strides = array<i32>} : memref<1000x48xf32, #tpu.memory_space<vmem>>, vector<1000x48xf32>,
    return
  }
  func.func @transform_0(%arg0: i32) -> (i32, i32) {
    %c0_i32 = arith.constant 0 : i32
    %c0_i32_0 = arith.constant 0 : i32
    return %arg0, %c0_i32 : i32, i32
  }
  func.func @transform_1(%arg0: i32) -> (i32, i32) {
    %c0_i32 = arith.constant 0 : i32
    %c0_i32_0 = arith.constant 0 : i32
    return %arg0, %c0_i32 : i32, i32
  }
  func.func @transform_2(%arg0: i32) -> (i32, i32) {
    %c0_i32 = arith.constant 0 : i32
    %c0_i32_0 = arith.constant 0 : i32
    return %arg0, %c0_i32 : i32, i32
  }
  func.func @transform_3(%arg0: i32) -> (i32, i32) {
    %c0_i32 = arith.constant 0 : i32
    %c0_i32_0 = arith.constant 0 : i32
    %c0_i32_1 = arith.constant 0 : i32
    return %c0_i32, %c0_i32_0 : i32, i32
  }
  func.func @transform_4(%arg0: i32) -> (i32, i32) {
    %c0_i32 = arith.constant 0 : i32
    %c0_i32_0 = arith.constant 0 : i32
    %c0_i32_1 = arith.constant 0 : i32
    return %c0_i32, %c0_i32_0 : i32, i32
  }
  func.func @transform_5(%arg0: i32) -> (i32, i32) {
    %c0_i32 = arith.constant 0 : i32
    %c0_i32_0 = arith.constant 0 : i32
    return %arg0, %c0_i32 : i32, i32
  }
}

module attributes {stable_mosaic.version = 14 : i64} {
  func.func @_fin_body(%arg0: i32, %arg1: memref<1000x128xf32, #tpu.memory_space<vmem>>, %arg2: memref<1000x48xf32, #tpu.memory_space<vmem>>, %arg3: memref<1000x128xf32, #tpu.memory_space<vmem>>, %arg4: memref<1x48xf32, #tpu.memory_space<vmem>>, %arg5: memref<1000x40xf32, #tpu.memory_space<vmem>>) attributes {dimension_semantics = [#tpu.dimension_semantics<arbitrary>], iteration_bounds = array<i64: 10>, scalar_prefetch = 0 : i64, scratch_operands = 0 : i64, tpu.core_type = #tpu.core_type<tc>, window_params = [{transform_indices = @transform_0, window_bounds = array<i64: 1000, 128>}, {transform_indices = @transform_1, window_bounds = array<i64: 1000, 48>}, {transform_indices = @transform_2, window_bounds = array<i64: 1000, 128>}, {pipeline_mode = #tpu.pipeline_mode<synchronous>, transform_indices = @transform_3, window_bounds = array<i64: 1, 48>}, {transform_indices = @transform_4, window_bounds = array<i64: 1000, 40>}]} {
    %get3A = arith.constant 0 : index
    %get3A_0 = arith.constant 0 : index
    %get3A_1 = vector.load %arg3[%get3A, %get3A_0] : memref<1000x128xf32, #tpu.memory_space<vmem>>, vector<1000x1xf32>
    %get3A_2 = arith.constant 0 : index
    %get3A_3 = arith.constant 16 : index
    %get3A_4 = vector.load %arg3[%get3A_2, %get3A_3] : memref<1000x128xf32, #tpu.memory_space<vmem>>, vector<1000x1xf32>
    %add3A = arith.addf %get3A_1, %get3A_4 : vector<1000x1xf32>
    %add3A_5 = arith.constant 1.000000e+00 : f32
    %add3A_6 = vector.broadcast %add3A_5 : f32 to vector<1000x1xf32>
    %add3A_7 = arith.addf %add3A, %add3A_6 : vector<1000x1xf32>
    %max3A = arith.constant 1.000000e+00 : f32
    %max3A_8 = vector.broadcast %max3A : f32 to vector<1000x1xf32>
    %max3A_9 = arith.maximumf %add3A_7, %max3A_8 : vector<1000x1xf32>
    %rsqrt3A = math.rsqrt %max3A_9 : vector<1000x1xf32>
    %get3A_10 = arith.constant 0 : index
    %get3A_11 = arith.constant 0 : index
    %get3A_12 = vector.load %arg1[%get3A_10, %get3A_11] : memref<1000x128xf32, #tpu.memory_space<vmem>>, vector<1000x48xf32>
    %get3A_13 = arith.constant 0 : index
    %get3A_14 = arith.constant 48 : index
    %get3A_15 = vector.load %arg1[%get3A_13, %get3A_14] : memref<1000x128xf32, #tpu.memory_space<vmem>>, vector<1000x48xf32>
    %add3A_16 = arith.addf %get3A_12, %get3A_15 : vector<1000x48xf32>
    %get3A_17 = arith.constant 0 : index
    %get3A_18 = arith.constant 0 : index
    %get3A_19 = vector.load %arg2[%get3A_17, %get3A_18] : memref<1000x48xf32, #tpu.memory_space<vmem>>, vector<1000x48xf32>
    %add3A_20 = arith.addf %add3A_16, %get3A_19 : vector<1000x48xf32>
    %mul3A = vector.broadcast %rsqrt3A : vector<1000x1xf32> to vector<1000x48xf32>
    %mul3A_21 = arith.mulf %add3A_20, %mul3A : vector<1000x48xf32>
    %get3A_22 = arith.constant 0 : index
    %get3A_23 = arith.constant 0 : index
    %get3A_24 = vector.load %arg4[%get3A_22, %get3A_23] : memref<1x48xf32, #tpu.memory_space<vmem>>, vector<1x48xf32>
    %add3A_25 = vector.broadcast %get3A_24 : vector<1x48xf32> to vector<1000x48xf32>
    %add3A_26 = arith.addf %mul3A_21, %add3A_25 : vector<1000x48xf32>
    %iota3A = tpu.iota {dimensions = array<i32: 1>} : vector<1000x48xi32>
    %lt3A = arith.constant 40 : i32
    %lt3A_27 = vector.broadcast %lt3A : i32 to vector<1000x48xi32>
    %lt3A_28 = arith.cmpi slt, %iota3A, %lt3A_27 : vector<1000x48xi32>
    %jit3A = arith.constant 0xFF800000 : f32
    %broadcast_in_dim3A = vector.broadcast %jit3A : f32 to vector<1000x48xf32>
    %select_n3A = arith.select %lt3A_28, %add3A_26, %broadcast_in_dim3A : vector<1000x48xi1>, vector<1000x48xf32>
    %reduce_max3A = arith.constant dense<0xFF800000> : vector<1000xf32>
    %reduce_max3A_29 = vector.multi_reduction <maximumf>, %select_n3A, %reduce_max3A [1] : vector<1000x48xf32> to vector<1000xf32>
    %broadcast_in_dim3A_30 = vector.shape_cast %reduce_max3A_29 : vector<1000xf32> to vector<1000x1xf32>
    %sub3A = vector.broadcast %broadcast_in_dim3A_30 : vector<1000x1xf32> to vector<1000x48xf32>
    %sub3A_31 = arith.subf %add3A_26, %sub3A : vector<1000x48xf32>
    %exp3A = math.exp %sub3A_31 : vector<1000x48xf32>
    %jit3A_32 = arith.constant 0.000000e+00 : f32
    %broadcast_in_dim3A_33 = vector.broadcast %jit3A_32 : f32 to vector<1000x48xf32>
    %select_n3A_34 = arith.select %lt3A_28, %exp3A, %broadcast_in_dim3A_33 : vector<1000x48xi1>, vector<1000x48xf32>
    %reduce_sum3A = arith.constant dense<0.000000e+00> : vector<1000xf32>
    %reduce_sum3A_35 = vector.multi_reduction <add>, %select_n3A_34, %reduce_sum3A [1] : vector<1000x48xf32> to vector<1000xf32>
    %broadcast_in_dim3A_36 = vector.shape_cast %reduce_sum3A_35 : vector<1000xf32> to vector<1000x1xf32>
    %sub3A_37 = vector.broadcast %broadcast_in_dim3A_30 : vector<1000x1xf32> to vector<1000x48xf32>
    %sub3A_38 = arith.subf %add3A_26, %sub3A_37 : vector<1000x48xf32>
    %log3A = math.log %broadcast_in_dim3A_36 : vector<1000x1xf32>
    %sub3A_39 = vector.broadcast %log3A : vector<1000x1xf32> to vector<1000x48xf32>
    %sub3A_40 = arith.subf %sub3A_38, %sub3A_39 : vector<1000x48xf32>
    %slice3A = vector.extract_strided_slice %sub3A_40 {offsets = [0, 0], sizes = [1000, 40], strides = [1, 1]} : vector<1000x48xf32> to vector<1000x40xf32>
    %swap3A = arith.constant 0 : index
    %swap3A_41 = arith.constant 0 : index
    %swap3A_42 = vector.load %arg5[%swap3A, %swap3A_41] : memref<1000x40xf32, #tpu.memory_space<vmem>>, vector<1000x40xf32>
    tpu.vector_store %arg5[%swap3A, %swap3A_41], %slice3A {strides = array<i32>} : memref<1000x40xf32, #tpu.memory_space<vmem>>, vector<1000x40xf32>,
    return
  }
  func.func @transform_0(%arg0: i32) -> (i32, i32) {
    %c0_i32 = arith.constant 0 : i32
    %c0_i32_0 = arith.constant 0 : i32
    return %arg0, %c0_i32 : i32, i32
  }
  func.func @transform_1(%arg0: i32) -> (i32, i32) {
    %c0_i32 = arith.constant 0 : i32
    %c0_i32_0 = arith.constant 0 : i32
    return %arg0, %c0_i32 : i32, i32
  }
  func.func @transform_2(%arg0: i32) -> (i32, i32) {
    %c0_i32 = arith.constant 0 : i32
    %c0_i32_0 = arith.constant 0 : i32
    return %arg0, %c0_i32 : i32, i32
  }
  func.func @transform_3(%arg0: i32) -> (i32, i32) {
    %c0_i32 = arith.constant 0 : i32
    %c0_i32_0 = arith.constant 0 : i32
    %c0_i32_1 = arith.constant 0 : i32
    return %c0_i32, %c0_i32_0 : i32, i32
  }
  func.func @transform_4(%arg0: i32) -> (i32, i32) {
    %c0_i32 = arith.constant 0 : i32
    %c0_i32_0 = arith.constant 0 : i32
    return %arg0, %c0_i32 : i32, i32
  }
}

</mosaic_0001>

<sc_bundles>
// kernel: kernel.11.cloned.1.call-start
scs
__scs_entry_jumppad:
0x0: {  	(pc) =	sbr.rel $0x88, $3  }
0x1: {  	(tag) =	ssettag $0x0;
	lr =	simm.s32 $0x1  }
0x2: {  	[smem:$0x3F9B] =	sst lr;
	_ =	strace $0xD0000000  }
0x3: {  	_ = 	snop  }
0x4: {  	_ = 	snop  }
0x5: {  	_ = 	snop  }
0x6: {  	_ = 	snop  }
0x7: {  	_ = 	snop  }
__scs_overlays_trampoline_lowered:
0x8: {  	[smem:$0x3FAA] =	sst s0  }
0x9: {  	[smem:$0x3FAB] =	sst s1  }
0xa: {  	[smem:$0x3FAC] =	sst s2  }
0xb: {  	[smem:$0x3FAD] =	sst s3  }
0xc: {  	[smem:$0x3FAE] =	sst s4  }
0xd: {  	[smem:$0x3FAF] =	sst s5  }
0xe: {  	[smem:$0x3FB0] =	sst s6  }
0xf: {  	[smem:$0x3FB1] =	sst s7  }
0x10: {  	[smem:$0x3FB2] =	sst s8  }
0x11: {  	[smem:$0x3FB3] =	sst s9;
	s0 =	simm.s32 @!p0 $0x0  }
0x12: {  	s1 =	sld [smem:$0x3F99];
	s0 =	simm.s32 @p0 $0x1  }
0x13: {  	[smem:$0x3FB4] =	sst s0;
	s0 =	simm.s32 @!p1 $0x0  }
0x14: {  	s2 =	sld [smem:$0x3F98];
	s0 =	simm.s32 @p1 $0x1  }
0x15: {  	[smem:$0x3FB5] =	sst s0;
	s0 =	simm.s32 @!p2 $0x0  }
0x16: {  	s3 =	sld [smem:$0x3FDB];
	s0 =	simm.s32 @p2 $0x1  }
0x17: {  	s4 =	simm.s32 $0x1BF5;
	[smem:$0x3FB7] =	sst s0  }
0x18: {  	s0 =	sld [smem:$0x3F9A];
	_ =	swait.ge [sflag:s4], $0x0  }
0x19: {  	s7 =	sld [smem:$0x3F9B]  }
0x1a: {  	s8 =	sadd.s32 $0xFFFFE003, lr  }
0x1b: {  	s9 =	sadd.s32 $0xFFFFFEF7, lr;
	s5 =	simm.s32 $0xFFFFFFFF;
	p2 =	slt.u32 s8, $0xFFFFF086  }
0x1c: {  	p1 =	slt.u32 s9, $0xF7A;
	s5 =	simm.s32 @!p2 $0x0  }
0x1d: {  	s5 =	simm.s32 @p1 $0x1;
	p0 =	seq.s32 s7, s2  }
0x1e: {  	s7 =	smul.u32 @!p0 $0xF7A, s2;
	p2 =	seq.s32 @!p0 s5, $0x0  }
0x1f: {  	s9 =	smul.u32 $0xF7A, s1;
	s8 =	simm.s32 @!p0 $0x1BF5;
	p2 =	por !p2, p0  }
0x20: {  	[sflag:s8] =	ssyncset.s32 @!p0 $0xFFFFF086;
	s6 =	sadd.s32 @!p0 s3, s7;
	s7 =	simm.s32 @!p0 $0x108  }
0x21: {  	s3 =	sadd.s32 s3, s9;
	s6 =	sadd.s32 @!p0 $0x88, s6;
	s7 =	simm.s32 @p2 $0x1082  }
0x22: {  	[simem:s7], [sflag:s8] =	dma.local @!p0 [hbm:s6], $0xF7A  }
0x23: {  	s9 =	sor.u32 $0xD0000000, s2;
	s6 =	simm.s32 $0x108;
	_ =	swait.ge @!p0 [sflag:s8], $0x0  }
0x24: {  	s3 =	sadd.s32 $0x88, s3;
	s6 =	simm.s32 @!p1 $0x1082;
	[sflag:s4] =	ssyncset.s32 $0xFFFFF086  }
0x25: {  	[simem:s6], [sflag:s4] =	dma.local [hbm:s3], $0xF7A  }
0x26: {  	[smem:$0x3F9B] =	sst s1;
	(tag) =	ssettag s2;
	_ =	strace s9  }
0x27: {  	s1 =	sld [smem:$0x3FAB]  }
0x28: {  	s2 =	sld [smem:$0x3FAC]  }
0x29: {  	s4 =	sld [smem:$0x3FAE]  }
0x2a: {  	p0 =	seq.s32 s5, $0x0;
	s5 =	sld [smem:$0x3FAF]  }
0x2b: {  	s6 =	sld [smem:$0x3FB0]  }
0x2c: {  	s7 =	sld [smem:$0x3FB1]  }
0x2d: {  	s3 =	simm.s32 $0x108;
	s8 =	sld [smem:$0x3FB2]  }
0x2e: {  	s3 =	simm.s32 @!p0 $0x1082;
	s9 =	sld [smem:$0x3FB3]  }
0x2f: {  	lr =	sadd.s32 s0, s3;
	s0 =	sld [smem:$0x3FAA]  }
0x30: {  	s3 =	sld [smem:$0x3FAD]  }
0x31: {  	[smem:$0x3FB6] =	sst s10  }
0x32: {  	s10 =	sld [smem:$0x3FB4];
	_ =	sdelay $0x3  }
0x33: {  	p0 =	seq.s32 s10, $0x1;
	s10 =	sld [smem:$0x3FB6];
	_ =	sdelay $0x3  }
0x34: {  	[smem:$0x3FB6] =	sst s10  }
0x35: {  	s10 =	sld [smem:$0x3FB5];
	_ =	sdelay $0x3  }
0x36: {  	p1 =	seq.s32 s10, $0x1;
	s10 =	sld [smem:$0x3FB6];
	_ =	sdelay $0x3  }
0x37: {  	[smem:$0x3FB6] =	sst s10  }
0x38: {  	s10 =	sld [smem:$0x3FB7]  }
0x39: {  	_ = 	snop;
	(pc) =	sbr.ind lr, $3  }
0x3a: {  	_ = 	snop  }
0x3b: {  	_ = 	snop  }
0x3c: {  	p2 =	seq.s32 s10, $0x1;
	s10 =	sld [smem:$0x3FB6]  }
0x3d: {  	_ =	shalt  }
0x3e: {  	_ =	shalt  }
0x3f: {  	_ =	shalt  }
0x40: {  	_ =	shalt  }
0x41: {  	_ =	shalt  }
0x42: {  	_ =	shalt  }
0x43: {  	_ =	shalt  }
0x44: {  	_ =	shalt  }
0x45: {  	_ =	shalt  }
0x46: {  	_ =	shalt  }
0x47: {  	_ =	shalt  }
0x48: {  	_ =	shalt  }
0x49: {  	_ =	shalt  }
0x4a: {  	_ =	shalt  }
0x4b: {  	_ =	shalt  }
0x4c: {  	_ =	shalt  }
0x4d: {  	_ =	shalt  }
0x4e: {  	_ =	shalt  }
0x4f: {  	_ =	shalt  }
0x50: {  	_ =	shalt  }
0x51: {  	_ =	shalt  }
0x52: {  	_ =	shalt  }
0x53: {  	_ =	shalt  }
0x54: {  	_ =	shalt  }
0x55: {  	_ =	shalt  }
0x56: {  	_ =	shalt  }
0x57: {  	_ =	shalt  }
0x58: {  	_ =	shalt  }
0x59: {  	_ =	shalt  }
0x5a: {  	_ =	shalt  }
0x5b: {  	_ =	shalt  }
0x5c: {  	_ =	shalt  }
0x5d: {  	_ =	shalt  }
0x5e: {  	_ =	shalt  }
0x5f: {  	_ =	shalt  }
0x60: {  	_ =	shalt  }
0x61: {  	_ =	shalt  }
0x62: {  	_ =	shalt  }
0x63: {  	_ =	shalt  }
0x64: {  	_ =	shalt  }
0x65: {  	_ =	shalt  }
0x66: {  	_ =	shalt  }
0x67: {  	_ =	shalt  }
0x68: {  	_ =	shalt  }
0x69: {  	_ =	shalt  }
0x6a: {  	_ =	shalt  }
0x6b: {  	_ =	shalt  }
0x6c: {  	_ =	shalt  }
0x6d: {  	_ =	shalt  }
0x6e: {  	_ =	shalt  }
0x6f: {  	_ =	shalt  }
0x70: {  	_ =	shalt  }
0x71: {  	_ =	shalt  }
0x72: {  	_ =	shalt  }
0x73: {  	_ =	shalt  }
0x74: {  	_ =	shalt  }
0x75: {  	_ =	shalt  }
0x76: {  	_ =	shalt  }
0x77: {  	_ =	shalt  }
0x78: {  	_ =	shalt  }
0x79: {  	_ =	shalt  }
0x7a: {  	_ =	shalt  }
0x7b: {  	_ =	shalt  }
0x7c: {  	_ =	shalt  }
0x7d: {  	_ =	shalt  }
0x7e: {  	_ =	shalt  }
0x7f: {  	_ =	shalt  }
0x80: {  	_ =	shalt  }
0x81: {  	_ =	shalt  }
0x82: {  	_ =	shalt  }
0x83: {  	_ =	shalt  }
0x84: {  	_ =	shalt  }
0x85: {  	_ =	shalt  }
0x86: {  	_ =	shalt  }
0x87: {  	_ =	shalt  }
.Lfunc_end0:
.L_simem_size_0:
called_computation.1_lowered:
.L_overlay_start_0:
0x88: {  	s2 =	sld [smem:$0x3FD9]  }
0x89: {  	s3 =	sld [smem:$0x3FFE];
	_ =	sdelay $0x1  }
0x8a: {  	s1 =	srdreg.scid  }
0x8b: {  	s0 =	sand.u32 $0x1, s1  }
0x8c: {  	s16 =	sshll.u32 s0, $0xA;
	s2 =	sadd.s32 s3, s2  }
0x8d: {  	s2 =	sadd.s32 s2, s16  }
0x8e: {  	[smem:$0x3FC2] =	sst s2  }
0x8f: {  	_ = 	snop  }
0x90: {  	(tm) =	ssettm $0x1  }
0x91: {  	s17 =	sld [smem:$0x3FFB];
	_ =	sdelay $0x3  }
0x92: {  	_ =	strace s17  }
0x93: {  	s2 =	sld [smem:$0x3FFC];
	_ =	sdelay $0x3  }
0x94: {  	_ =	strace s2  }
0x95: {  	s2 =	sld [smem:$0x3FFD];
	_ =	sdelay $0x3  }
0x96: {  	_ =	strace s2  }
0x97: {  	_ =	strace $0x8FFFFFFF  }
0x98: {  	s18 =	sld [smem:$0x3FDB];
	_ =	sdelay $0x1  }
0x99: {  	s19 =	simm.s32 $_scs_section_size  }
0x9a: {  	s4 =	simm.s32 $_size__tile_overlayer_lowered;
	s5 =	simm.s32 $_tile_overlayer_lowered  }
0x9b: {  	s22 =	simm.s32 $0x1BFF;
	s21 =	sshll.u32 s5, $0x1;
	s2 =	sadd.s32 s19, s18  }
0x9c: {  	s6 =	simm.s32 $0x0;
	s20 =	sshll.u32 s4, $0x1;
	s4 =	sadd.s32 s21, s2  }
0x9d: {  	[timem:s6], [sflag:s22] =	dma.local [hbm:s4], s20  }
0x9e: {  	_ =	swait.ge [sflag:s22], s20  }
0x9f: {  	s3 =	ssub.s32 $0x0, s20;
	[sflag:s22] =	ssyncset.done $0x0  }
0xa0: {  	[sflag:s22] =	ssyncadd.s32 s3;
	_ =	sdelay $0x1  }
0xa1: {  	s23 =	simm.s32 $0x1B8B  }
0xa2: {  	_ =	swait.ge [sflag:s23], $0x1  }
0xa3: {  	[sflag:s23] =	ssyncset.done $0x0  }
0xa4: {  	s25 =	simm.s32 $0x1B8E;
	s24 =	sld [smem:$0x3FFE];
	[sflag:s23] =	ssyncadd.s32 $0xFFFFFFFF  }
0xa5: {  	s26 =	simm.s32 $execute0_lowered;
	[smem:$0x3FD2] =	sst s25  }
0xa6: {  	s4 =	sshll.u32 s26, $0x1;
	_ =	strace $0x80000049;
	[dreg:$0x1] =	wrdreg $0xFFFFFFFF  }
0xa7: {  	s28 =	simm.s32 $_size_execute0_lowered;
	s2 =	sadd.s32 s2, s4;
	[dreg:$0x0] =	wrdreg $0x0  }
0xa8: {  	s4 =	sshll.u32 s28, $0x1;
	[dreg:$0x2] =	wrdreg s2  }
0xa9: {  	[dreg:$0x3] =	wrdreg s4  }
0xaa: {  	[dreg:$0x4] =	wrdreg $0xC0  }
0xab: {  	_ =	task [dreg:s6], $0x5FFFF  }
0xac: {  	[dreg:$0x1] =	wrdreg $0xFFFFFFFF  }
0xad: {  	[dreg:$0x0] =	wrdreg $0x60  }
0xae: {  	[dreg:$0x2] =	wrdreg s24  }
0xaf: {  	[dreg:$0x3] =	wrdreg $0x100400  }
0xb0: {  	[dreg:$0x4] =	wrdreg $0x9  }
0xb1: {  	_ =	task.clear_ibuf [dreg:s6], $0x5FFFF;
	_ =	strace $0x90000049  }
0xb2: {  	s29 =	simm.s32 $0x9;
	_ =	strace $0x8000004B  }
0xb3: {  	_ =	swait.ge [sflag:s29], $0x1  }
0xb4: {  	[sflag:s29] =	ssyncadd.s32 $0xFFFFFFFF  }
0xb5: {  	_ =	strace $0x9000004B  }
0xb6: {  	_ =	sfence  }
0xb7: {  	s30 =	sld [smem:$0x0];
	_ =	sdelay $0x2  }
0xb8: {  	s31 =	sshll.u32 s1, $0xD;
	s1 =	sshrl.u32 s1, $0x2  }
0xb9: {  	s3 =	sand.u32 $0x4000, s31;
	s1 =	sadd.s32 s1, s30  }
0xba: {  	s0 =	sor.u32 s3, s0;
	s1 =	sshll.u32 s1, $0x11  }
0xbb: {  	s0 =	sor.u32 s1, s0  }
0xbc: {  	s0 =	sadd.s32 $0x8F2B, s0  }
0xbd: {  	[sflag:s0] =	ssyncadd.remote.s32 $0x1  }
0xbe: {  	_ =	sfence.sel $0xFFFF  }
0xbf: {  	[dreg:$0x0] =	wrdreg $0xFFFFFFFF;
	(pc) =	sbr.abs _section_cstart, $3  }
0xc0: {  	[dreg:$0x1] =	wrdreg $0xFFFFFFFF  }
0xc1: {  	_ =	task.clear_ibuf [dreg:s6], $0x2FFFF;
	_ =	strace $0x9FFFFFFF  }
0xc2: {  	(tm) =	ssettm $0x7FFFFFFF  }
0xc3: {  	_ =	shalt  }
tec
execute0_lowered:
.L_overlay_start_1:
0x0: {  	(tag) =	ssettag $0x1  }
0x1: {  	s0 =	rddreg [dreg:$0x0]  }
0x2: {  	s1 =	rddreg [dreg:$0x1];
	s2 =	simm.s32 $0x0  }
0x3: {  	s9 =	stileid.u32;
	s5 =	srdreg.scid;
	s10 =	simm.s32 $0x6  }
0x4: {  	s12 =	simm.s32 $0x50;
	s13 =	simm.s32 $0x9C40;
	s14 =	simm.s32 $0xB040  }
0x5: {  	s16 =	simm.s32 $0xC440;
	s18 =	simm.s32 $0xD840;
	s20 =	simm.s32 $0xEC40  }
0x6: {  	s21 =	simm.s32 $0x1;
	s22 =	simm.s32 $0x2;
	s23 =	simm.s32 $0x3  }
0x7: {  	s24 =	simm.s32 $0x4;
	s25 =	simm.s32 $0x5;
	s28 =	simm.s32 $0x9B00  }
0x8: {  	s29 =	simm.s32 $0x9B50;
	s30 =	simm.s32 $0x9BA0;
	s31 =	simm.s32 $0x9BF0  }
0x9: {  	[smem:$0x7FF] =	sst s2;
	s4 =	smul.u32 $0x4E20, s9;
	s3 =	sadd.s32 $0x16600, s0  }
0xa: {  	s11 =	sand.u32 $0x1, s5;
	p0 =	sne.s32 s9, $0x0;
	_ =	strace $0x8000004A  }
0xb: {  	s5 =	sshll.u32 s11, $0x3;
	s7 =	ssub.s32 $0x2, s11;
	s4 =	sshrl.u32 s4, $0x3  }
0xc: {  	s9 =	sshrl.u32 @!p0 s1, $0x3;
	s26 =	sshrl.u32 s7, $0x1;
	s6 =	sadd.s32 s4, s0  }
0xd: {  	s4 =	sadd.s32 $0x3D800, s0;
	s0 =	sadd.s32 s5, s0;
	s8 =	ssub.s32 s7, s26  }
0xe: {  	s26 =	simm.s32 $0x9AB0;
	s5 =	sadd.s32 $0x2C00, s6;
	s6 =	sadd.s32 $0xC840, s6  }
0xf: {  	v0 =	vmov s11;
	s7 =	sadd.s32 $0x51200, s0;
	s8 =	smax.u32 s8, $0x1;
	s0 =	simm.s32 $0x0  }
.LBB2_1:
0x10: {  	s11 =	simm.s32 @!p0 $0x1C06  }
0x11: {  	[spmem:s9], [sflag:s11] =	dma.local @!p0 [hbm:s4], $0x13880  }
0x12: {  	s11 =	simm.s32 @!p0 $0x6  }
0x13: {  	_ =	swait.ge @!p0 [sflag:s11], $0x13880  }
0x14: {  	[sflag:s11] =	ssyncset.done @!p0 $0x0  }
0x15: {  	[sflag:s11] =	ssyncadd.s32 @!p0 $0xFFFEC780  }
0x16: {  	[tilespmem:s2], [sflag:$0x6] =	stream.linear.gather [hbm4b:s5+s2], $0x4E20, $0x38;
	[tilespmem:$0x19C80] =	vst v63  }
0x17: {  	_ =	swait.ge [sflag:s10], $0x4E20  }
0x18: {  	[sflag:s10] =	ssyncset.done $0x0  }
0x19: {  	s19 =	simm.s32 $0x4E20;
	[sflag:s10] =	ssyncadd.s32 $0xFFFFB1E0  }
0x1a: {  	[tilespmem:s19], [sflag:$0x6] =	stream.linear.gather [hbm4b:s6+s2], $0x4E20, $0x38;
	[tilespmem:$0x19C80] =	vst v63  }
0x1b: {  	_ =	swait.ge [sflag:s10], $0x4E20  }
0x1c: {  	[sflag:s10] =	ssyncset.done $0x0  }
0x1d: {  	s11 =	simm.s32 $0x0;
	[sflag:s10] =	ssyncadd.s32 $0xFFFFB1E0  }
0x1e: {  	v3 =	vld [tilespmem:s11+$0x0]  }
0x1f: {  	v4 =	vld [tilespmem:s11+$0x10]  }
0x20: {  	v2 =	vld [tilespmem:s11+$0x20]  }
0x21: {  	s15 =	simm.s32 $0x140;
	v1 =	vld [tilespmem:s11+$0x30]  }
.LBB2_2:
0x22: {  	p1 =	sne.s32 s15, $0x9B00;
	v5 =	vld [tilespmem:s11+$0x40]  }
0x23: {  	v3 =	vshll.u32 v3, $0x1  }
0x24: {  	v3 =	vor.u32 v0, v3;
	v4 =	vshll.u32 v4, $0x1  }
.Ltmp0:
0x25: {  	s17 =	sshra.s32 s15, $0x2;
	[tilespmem:s11+$0x0] =	vst v3;
	v4 =	vor.u32 v0, v4;
	v2 =	vshll.u32 v2, $0x1;
	(pc) =	sbr.rel @p1 .LBB2_2-.Ltmp0, $4  }
0x26: {  	v3 =	vld [tilespmem:s17+$0x0];
	[tilespmem:s11+$0x10] =	vst v4;
	v2 =	vor.u32 v0, v2;
	v1 =	vshll.u32 v1, $0x1  }
0x27: {  	v4 =	vld [tilespmem:s17+$0x10];
	[tilespmem:s11+$0x20] =	vst v2;
	v1 =	vor.u32 v0, v1;
	v5 =	vshll.u32 v5, $0x1  }
0x28: {  	v2 =	vld [tilespmem:s17+$0x20];
	[tilespmem:s11+$0x30] =	vst v1;
	v5 =	vor.u32 v0, v5  }
0x29: {  	s15 =	sadd.s32 $0x140, s15;
	v1 =	vld [tilespmem:s17+$0x30];
	[tilespmem:s11+$0x40] =	vst v5;
	s11 =	smov.u32 s17  }
0x2a: {  	v5 =	vld [tilespmem:s11+$0x40]  }
0x2b: {  	v3 =	vshll.u32 v3, $0x1  }
0x2c: {  	v3 =	vor.u32 v0, v3;
	v4 =	vshll.u32 v4, $0x1  }
0x2d: {  	[tilespmem:s11+$0x0] =	vst v3;
	v3 =	vor.u32 v0, v4;
	v2 =	vshll.u32 v2, $0x1  }
0x2e: {  	[tilespmem:s11+$0x10] =	vst v3;
	v2 =	vor.u32 v0, v2;
	v1 =	vshll.u32 v1, $0x1  }
0x2f: {  	[tilespmem:s11+$0x20] =	vst v2;
	v1 =	vor.u32 v0, v1;
	v2 =	vshll.u32 v5, $0x1  }
0x30: {  	[tilespmem:s11+$0x30] =	vst v1;
	v1 =	vor.u32 v0, v2  }
0x31: {  	[tilespmem:s11+$0x40] =	vst v1;
	s11 =	simm.s32 $0x0  }
0x32: {  	v3 =	vld [tilespmem:s11+$0x2710]  }
0x33: {  	v4 =	vld [tilespmem:s11+$0x2720]  }
0x34: {  	v2 =	vld [tilespmem:s11+$0x2730]  }
0x35: {  	s15 =	simm.s32 $0x140;
	v1 =	vld [tilespmem:s11+$0x2740]  }
.LBB2_4:
0x36: {  	p1 =	sne.s32 s15, $0x9B00;
	v5 =	vld [tilespmem:s11+$0x2750]  }
0x37: {  	v3 =	vshll.u32 v3, $0x1  }
0x38: {  	v3 =	vor.u32 v0, v3;
	v4 =	vshll.u32 v4, $0x1  }
.Ltmp1:
0x39: {  	s17 =	sshra.s32 s15, $0x2;
	[tilespmem:s11+$0x2710] =	vst v3;
	v4 =	vor.u32 v0, v4;
	v2 =	vshll.u32 v2, $0x1;
	(pc) =	sbr.rel @p1 .LBB2_4-.Ltmp1, $4  }
0x3a: {  	v3 =	vld [tilespmem:s17+$0x2710];
	[tilespmem:s11+$0x2720] =	vst v4;
	v2 =	vor.u32 v0, v2;
	v1 =	vshll.u32 v1, $0x1  }
0x3b: {  	v4 =	vld [tilespmem:s17+$0x2720];
	[tilespmem:s11+$0x2730] =	vst v2;
	v1 =	vor.u32 v0, v1;
	v5 =	vshll.u32 v5, $0x1  }
0x3c: {  	v2 =	vld [tilespmem:s17+$0x2730];
	[tilespmem:s11+$0x2740] =	vst v1;
	v5 =	vor.u32 v0, v5  }
0x3d: {  	s15 =	sadd.s32 $0x140, s15;
	v1 =	vld [tilespmem:s17+$0x2740];
	[tilespmem:s11+$0x2750] =	vst v5;
	s11 =	smov.u32 s17  }
0x3e: {  	v5 =	vld [tilespmem:s11+$0x2750]  }
0x3f: {  	v3 =	vshll.u32 v3, $0x1  }
0x40: {  	v3 =	vor.u32 v0, v3;
	v4 =	vshll.u32 v4, $0x1  }
0x41: {  	[tilespmem:s11+$0x2710] =	vst v3;
	v3 =	vor.u32 v0, v4;
	v2 =	vshll.u32 v2, $0x1  }
0x42: {  	[tilespmem:s11+$0x2720] =	vst v3;
	v2 =	vor.u32 v0, v2;
	v1 =	vshll.u32 v1, $0x1  }
0x43: {  	[tilespmem:s11+$0x2730] =	vst v2;
	v1 =	vor.u32 v0, v1;
	v2 =	vshll.u32 v5, $0x1  }
0x44: {  	[tilespmem:s11+$0x2740] =	vst v1;
	v1 =	vor.u32 v0, v2  }
0x45: {  	[tilespmem:s11+$0x2750] =	vst v1  }
0x46: {  	s19 =	simm.s32 $0x0;
	[bflag:$0x0] =	sbarrier.arrive $0xFFFF  }
0x47: {  	[tilespmem:s13], [sflag:$0x1] =	stream.indirect.gather [hbm4b:s3+s12], $0x40, s19, s12, $0xb8;
	[tilespmem:$0x19C80] =	vst v63  }
0x48: {  	_ = 	snop  }
0x49: {  	[tilespmem:s14], [sflag:$0x2] =	stream.indirect.gather [hbm4b:s3+s12], $0x40, s12, s12, $0xb8;
	[tilespmem:$0x19C80] =	vst v63  }
0x4a: {  	s15 =	simm.s32 $0xA0  }
0x4b: {  	[tilespmem:s16], [sflag:$0x3] =	stream.indirect.gather [hbm4b:s3+s12], $0x40, s15, s12, $0xb8;
	[tilespmem:$0x19C80] =	vst v63  }
0x4c: {  	s17 =	simm.s32 $0xF0  }
0x4d: {  	[tilespmem:s18], [sflag:$0x4] =	stream.indirect.gather [hbm4b:s3+s12], $0x40, s17, s12, $0xb8;
	[tilespmem:$0x19C80] =	vst v63  }
0x4e: {  	s19 =	simm.s32 $0x140  }
0x4f: {  	[tilespmem:s20], [sflag:$0x5] =	stream.indirect.gather [hbm4b:s3+s12], $0x40, s19, s12, $0xb8;
	[tilespmem:$0x19C80] =	vst v63  }
0x50: {  	_ =	swait.ge [sflag:s21], $0x1400  }
0x51: {  	[sflag:s21] =	ssyncset.done $0x0  }
0x52: {  	s15 =	simm.s32 $0x4E20;
	[sflag:s21] =	ssyncadd.s32 $0xFFFFEC00  }
0x53: {  	[spmem:s1] =	stream.indirect.scatter.add.f32 [tilespmem:s13], [sflag:$0x6], $0x40, s15, s12, $0xb8;
	[tilespmem:$0x19C80] =	vst v63  }
0x54: {  	_ =	swait.ge [sflag:s10], $0x1400  }
0x55: {  	[sflag:s10] =	ssyncset.done $0x0  }
0x56: {  	s17 =	simm.s32 $0x190;
	[sflag:s10] =	ssyncadd.s32 $0xFFFFEC00  }
0x57: {  	[tilespmem:s13], [sflag:$0x1] =	stream.indirect.gather [hbm4b:s3+s12], $0x40, s17, s12, $0xb8;
	[tilespmem:$0x19C80] =	vst v63  }
0x58: {  	_ =	swait.ge [sflag:s22], $0x1400  }
0x59: {  	[sflag:s22] =	ssyncset.done $0x0  }
0x5a: {  	s19 =	simm.s32 $0x4E70;
	[sflag:s22] =	ssyncadd.s32 $0xFFFFEC00  }
0x5b: {  	[spmem:s1] =	stream.indirect.scatter.add.f32 [tilespmem:s14], [sflag:$0x6], $0x40, s19, s12, $0xb8;
	[tilespmem:$0x19C80] =	vst v63  }
0x5c: {  	_ =	swait.ge [sflag:s10], $0x1400  }
0x5d: {  	[sflag:s10] =	ssyncset.done $0x0  }
0x5e: {  	s15 =	simm.s32 $0x1E0;
	[sflag:s10] =	ssyncadd.s32 $0xFFFFEC00  }
0x5f: {  	[tilespmem:s14], [sflag:$0x2] =	stream.indirect.gather [hbm4b:s3+s12], $0x40, s15, s12, $0xb8;
	[tilespmem:$0x19C80] =	vst v63  }
0x60: {  	_ =	swait.ge [sflag:s23], $0x1400  }
0x61: {  	[sflag:s23] =	ssyncset.done $0x0  }
0x62: {  	s17 =	simm.s32 $0x4EC0;
	[sflag:s23] =	ssyncadd.s32 $0xFFFFEC00  }
0x63: {  	[spmem:s1] =	stream.indirect.scatter.add.f32 [tilespmem:s16], [sflag:$0x6], $0x40, s17, s12, $0xb8;
	[tilespmem:$0x19C80] =	vst v63  }
0x64: {  	_ =	swait.ge [sflag:s10], $0x1400  }
0x65: {  	[sflag:s10] =	ssyncset.done $0x0  }
0x66: {  	s19 =	simm.s32 $0x230;
	[sflag:s10] =	ssyncadd.s32 $0xFFFFEC00  }
0x67: {  	[tilespmem:s16], [sflag:$0x3] =	stream.indirect.gather [hbm4b:s3+s12], $0x40, s19, s12, $0xb8;
	[tilespmem:$0x19C80] =	vst v63  }
0x68: {  	_ =	swait.ge [sflag:s24], $0x1400  }
0x69: {  	[sflag:s24] =	ssyncset.done $0x0  }
0x6a: {  	s15 =	simm.s32 $0x4F10;
	[sflag:s24] =	ssyncadd.s32 $0xFFFFEC00  }
0x6b: {  	[spmem:s1] =	stream.indirect.scatter.add.f32 [tilespmem:s18], [sflag:$0x6], $0x40, s15, s12, $0xb8;
	[tilespmem:$0x19C80] =	vst v63  }
0x6c: {  	_ =	swait.ge [sflag:s10], $0x1400  }
0x6d: {  	[sflag:s10] =	ssyncset.done $0x0  }
0x6e: {  	s17 =	simm.s32 $0x280;
	[sflag:s10] =	ssyncadd.s32 $0xFFFFEC00  }
0x6f: {  	[tilespmem:s18], [sflag:$0x4] =	stream.indirect.gather [hbm4b:s3+s12], $0x40, s17, s12, $0xb8;
	[tilespmem:$0x19C80] =	vst v63  }
0x70: {  	_ =	swait.ge [sflag:s25], $0x1400  }
0x71: {  	[sflag:s25] =	ssyncset.done $0x0  }
0x72: {  	s19 =	simm.s32 $0x4F60;
	[sflag:s25] =	ssyncadd.s32 $0xFFFFEC00  }
0x73: {  	[spmem:s1] =	stream.indirect.scatter.add.f32 [tilespmem:s20], [sflag:$0x6], $0x40, s19, s12, $0xb8;
	[tilespmem:$0x19C80] =	vst v63  }
0x74: {  	_ =	swait.ge [sflag:s10], $0x1400  }
0x75: {  	[sflag:s10] =	ssyncset.done $0x0  }
0x76: {  	s11 =	simm.s32 $0x640;
	s15 =	simm.s32 $0x2D0;
	[sflag:s10] =	ssyncadd.s32 $0xFFFFEC00  }
.LBB2_6:
0x77: {  	[tilespmem:s20], [sflag:$0x5] =	stream.indirect.gather [hbm4b:s3+s12], $0x40, s15, s12, $0xb8;
	[tilespmem:$0x19C80] =	vst v63  }
0x78: {  	s15 =	smov.u32 s11  }
0x79: {  	p1 =	sne.s32 s11, $0x8FC0;
	s11 =	sadd.s32 $0x640, s11;
	_ =	swait.ge [sflag:s21], $0x1400  }
0x7a: {  	s15 =	sshra.s32 s15, $0x2;
	[sflag:s21] =	ssyncset.done $0x0  }
0x7b: {  	s17 =	sadd.s32 $0x4E20, s15;
	[sflag:s21] =	ssyncadd.s32 $0xFFFFEC00  }
0x7c: {  	[spmem:s1] =	stream.indirect.scatter.add.f32 [tilespmem:s13], [sflag:$0x6], $0x40, s17, s12, $0xb8;
	[tilespmem:$0x19C80] =	vst v63  }
0x7d: {  	_ =	swait.ge [sflag:s10], $0x1400  }
0x7e: {  	[sflag:s10] =	ssyncset.done $0x0  }
0x7f: {  	s17 =	sadd.s32 $0x190, s15;
	[sflag:s10] =	ssyncadd.s32 $0xFFFFEC00  }
0x80: {  	[tilespmem:s13], [sflag:$0x1] =	stream.indirect.gather [hbm4b:s3+s12], $0x40, s17, s12, $0xb8;
	[tilespmem:$0x19C80] =	vst v63  }
0x81: {  	_ =	swait.ge [sflag:s22], $0x1400  }
0x82: {  	[sflag:s22] =	ssyncset.done $0x0  }
0x83: {  	s17 =	sadd.s32 $0x4E70, s15;
	[sflag:s22] =	ssyncadd.s32 $0xFFFFEC00  }
0x84: {  	[spmem:s1] =	stream.indirect.scatter.add.f32 [tilespmem:s14], [sflag:$0x6], $0x40, s17, s12, $0xb8;
	[tilespmem:$0x19C80] =	vst v63  }
0x85: {  	_ =	swait.ge [sflag:s10], $0x1400  }
0x86: {  	[sflag:s10] =	ssyncset.done $0x0  }
0x87: {  	s17 =	sadd.s32 $0x1E0, s15;
	[sflag:s10] =	ssyncadd.s32 $0xFFFFEC00  }
0x88: {  	[tilespmem:s14], [sflag:$0x2] =	stream.indirect.gather [hbm4b:s3+s12], $0x40, s17, s12, $0xb8;
	[tilespmem:$0x19C80] =	vst v63  }
0x89: {  	_ =	swait.ge [sflag:s23], $0x1400  }
0x8a: {  	[sflag:s23] =	ssyncset.done $0x0  }
0x8b: {  	s17 =	sadd.s32 $0x4EC0, s15;
	[sflag:s23] =	ssyncadd.s32 $0xFFFFEC00  }
0x8c: {  	[spmem:s1] =	stream.indirect.scatter.add.f32 [tilespmem:s16], [sflag:$0x6], $0x40, s17, s12, $0xb8;
	[tilespmem:$0x19C80] =	vst v63  }
0x8d: {  	_ =	swait.ge [sflag:s10], $0x1400  }
0x8e: {  	[sflag:s10] =	ssyncset.done $0x0  }
0x8f: {  	s17 =	sadd.s32 $0x230, s15;
	[sflag:s10] =	ssyncadd.s32 $0xFFFFEC00  }
0x90: {  	[tilespmem:s16], [sflag:$0x3] =	stream.indirect.gather [hbm4b:s3+s12], $0x40, s17, s12, $0xb8;
	[tilespmem:$0x19C80] =	vst v63  }
0x91: {  	_ =	swait.ge [sflag:s24], $0x1400  }
0x92: {  	[sflag:s24] =	ssyncset.done $0x0  }
0x93: {  	s17 =	sadd.s32 $0x4F10, s15;
	[sflag:s24] =	ssyncadd.s32 $0xFFFFEC00  }
0x94: {  	[spmem:s1] =	stream.indirect.scatter.add.f32 [tilespmem:s18], [sflag:$0x6], $0x40, s17, s12, $0xb8;
	[tilespmem:$0x19C80] =	vst v63  }
0x95: {  	_ =	swait.ge [sflag:s10], $0x1400  }
0x96: {  	[sflag:s10] =	ssyncset.done $0x0  }
0x97: {  	s17 =	sadd.s32 $0x280, s15;
	[sflag:s10] =	ssyncadd.s32 $0xFFFFEC00  }
0x98: {  	[tilespmem:s18], [sflag:$0x4] =	stream.indirect.gather [hbm4b:s3+s12], $0x40, s17, s12, $0xb8;
	[tilespmem:$0x19C80] =	vst v63  }
0x99: {  	_ =	swait.ge [sflag:s25], $0x1400  }
0x9a: {  	[sflag:s25] =	ssyncset.done $0x0  }
.Ltmp2:
0x9b: {  	s17 =	sadd.s32 $0x4F60, s15;
	[sflag:s25] =	ssyncadd.s32 $0xFFFFEC00;
	(pc) =	sbr.rel @p1 .LBB2_6-.Ltmp2, $4  }
0x9c: {  	[spmem:s1] =	stream.indirect.scatter.add.f32 [tilespmem:s20], [sflag:$0x6], $0x40, s17, s12, $0xb8;
	[tilespmem:$0x19C80] =	vst v63  }
0x9d: {  	_ =	swait.ge [sflag:s10], $0x1400  }
0x9e: {  	[sflag:s10] =	ssyncset.done $0x0  }
0x9f: {  	s15 =	sadd.s32 $0x2D0, s15;
	[sflag:s10] =	ssyncadd.s32 $0xFFFFEC00  }
0xa0: {  	[tilespmem:s20], [sflag:$0x5] =	stream.indirect.gather [hbm4b:s3+s12], $0x40, s15, s12, $0xb8;
	[tilespmem:$0x19C80] =	vst v63  }
0xa1: {  	_ =	swait.ge [sflag:s21], $0x1400  }
0xa2: {  	[sflag:s21] =	ssyncset.done $0x0  }
0xa3: {  	s11 =	simm.s32 $0x73A0;
	[sflag:s21] =	ssyncadd.s32 $0xFFFFEC00  }
0xa4: {  	[spmem:s1] =	stream.indirect.scatter.add.f32 [tilespmem:s13], [sflag:$0x6], $0x40, s11, s12, $0xb8;
	[tilespmem:$0x19C80] =	vst v63  }
0xa5: {  	_ =	swait.ge [sflag:s10], $0x1400  }
0xa6: {  	[sflag:s10] =	ssyncset.done $0x0  }
0xa7: {  	[sflag:s10] =	ssyncadd.s32 $0xFFFFEC00  }
0xa8: {  	_ =	swait.ge [sflag:s22], $0x1400  }
0xa9: {  	[sflag:s22] =	ssyncset.done $0x0  }
0xaa: {  	s15 =	simm.s32 $0x73F0;
	[sflag:s22] =	ssyncadd.s32 $0xFFFFEC00  }
0xab: {  	[spmem:s1] =	stream.indirect.scatter.add.f32 [tilespmem:s14], [sflag:$0x6], $0x40, s15, s12, $0xb8;
	[tilespmem:$0x19C80] =	vst v63  }
0xac: {  	_ =	swait.ge [sflag:s10], $0x1400  }
0xad: {  	[sflag:s10] =	ssyncset.done $0x0  }
0xae: {  	[sflag:s10] =	ssyncadd.s32 $0xFFFFEC00  }
0xaf: {  	_ =	swait.ge [sflag:s23], $0x1400  }
0xb0: {  	[sflag:s23] =	ssyncset.done $0x0  }
0xb1: {  	s17 =	simm.s32 $0x7440;
	[sflag:s23] =	ssyncadd.s32 $0xFFFFEC00  }
0xb2: {  	[spmem:s1] =	stream.indirect.scatter.add.f32 [tilespmem:s16], [sflag:$0x6], $0x40, s17, s12, $0xb8;
	[tilespmem:$0x19C80] =	vst v63  }
0xb3: {  	_ =	swait.ge [sflag:s10], $0x1400  }
0xb4: {  	[sflag:s10] =	ssyncset.done $0x0  }
0xb5: {  	[sflag:s10] =	ssyncadd.s32 $0xFFFFEC00  }
0xb6: {  	_ =	swait.ge [sflag:s24], $0x1400  }
0xb7: {  	[sflag:s24] =	ssyncset.done $0x0  }
0xb8: {  	s19 =	simm.s32 $0x7490;
	[sflag:s24] =	ssyncadd.s32 $0xFFFFEC00  }
0xb9: {  	[spmem:s1] =	stream.indirect.scatter.add.f32 [tilespmem:s18], [sflag:$0x6], $0x40, s19, s12, $0xb8;
	[tilespmem:$0x19C80] =	vst v63  }
0xba: {  	_ =	swait.ge [sflag:s10], $0x1400  }
0xbb: {  	[sflag:s10] =	ssyncset.done $0x0  }
0xbc: {  	[sflag:s10] =	ssyncadd.s32 $0xFFFFEC00  }
0xbd: {  	_ =	swait.ge [sflag:s25], $0x1400  }
0xbe: {  	[sflag:s25] =	ssyncset.done $0x0  }
0xbf: {  	s15 =	simm.s32 $0x74E0;
	[sflag:s25] =	ssyncadd.s32 $0xFFFFEC00  }
0xc0: {  	[spmem:s1] =	stream.indirect.scatter.add.f32 [tilespmem:s20], [sflag:$0x6], $0x40, s15, s12, $0xb8;
	[tilespmem:$0x19C80] =	vst v63  }
0xc1: {  	_ =	swait.ge [sflag:s10], $0x1400  }
0xc2: {  	[sflag:s10] =	ssyncset.done $0x0  }
0xc3: {  	s17 =	simm.s32 $0x2710;
	[sflag:s10] =	ssyncadd.s32 $0xFFFFEC00  }
0xc4: {  	[tilespmem:s13], [sflag:$0x1] =	stream.indirect.gather [hbm4b:s3+s12], $0x40, s17, s12, $0xb8;
	[tilespmem:$0x19C80] =	vst v63  }
0xc5: {  	s19 =	simm.s32 $0x2760  }
0xc6: {  	[tilespmem:s14], [sflag:$0x2] =	stream.indirect.gather [hbm4b:s3+s12], $0x40, s19, s12, $0xb8;
	[tilespmem:$0x19C80] =	vst v63  }
0xc7: {  	s15 =	simm.s32 $0x27B0  }
0xc8: {  	[tilespmem:s16], [sflag:$0x3] =	stream.indirect.gather [hbm4b:s3+s12], $0x40, s15, s12, $0xb8;
	[tilespmem:$0x19C80] =	vst v63  }
0xc9: {  	s17 =	simm.s32 $0x2800  }
0xca: {  	[tilespmem:s18], [sflag:$0x4] =	stream.indirect.gather [hbm4b:s3+s12], $0x40, s17, s12, $0xb8;
	[tilespmem:$0x19C80] =	vst v63  }
0xcb: {  	s19 =	simm.s32 $0x2850  }
0xcc: {  	[tilespmem:s20], [sflag:$0x5] =	stream.indirect.gather [hbm4b:s3+s12], $0x40, s19, s12, $0xb8;
	[tilespmem:$0x19C80] =	vst v63  }
0xcd: {  	_ =	swait.ge [sflag:s21], $0x1400  }
0xce: {  	[sflag:s21] =	ssyncset.done $0x0  }
0xcf: {  	s15 =	simm.s32 $0x7530;
	[sflag:s21] =	ssyncadd.s32 $0xFFFFEC00  }
0xd0: {  	[spmem:s1] =	stream.indirect.scatter.add.f32 [tilespmem:s13], [sflag:$0x6], $0x40, s15, s12, $0xb8;
	[tilespmem:$0x19C80] =	vst v63  }
0xd1: {  	_ =	swait.ge [sflag:s10], $0x1400  }
0xd2: {  	[sflag:s10] =	ssyncset.done $0x0  }
0xd3: {  	s17 =	simm.s32 $0x28A0;
	[sflag:s10] =	ssyncadd.s32 $0xFFFFEC00  }
0xd4: {  	[tilespmem:s13], [sflag:$0x1] =	stream.indirect.gather [hbm4b:s3+s12], $0x40, s17, s12, $0xb8;
	[tilespmem:$0x19C80] =	vst v63  }
0xd5: {  	_ =	swait.ge [sflag:s22], $0x1400  }
0xd6: {  	[sflag:s22] =	ssyncset.done $0x0  }
0xd7: {  	s19 =	simm.s32 $0x7580;
	[sflag:s22] =	ssyncadd.s32 $0xFFFFEC00  }
0xd8: {  	[spmem:s1] =	stream.indirect.scatter.add.f32 [tilespmem:s14], [sflag:$0x6], $0x40, s19, s12, $0xb8;
	[tilespmem:$0x19C80] =	vst v63  }
0xd9: {  	_ =	swait.ge [sflag:s10], $0x1400  }
0xda: {  	[sflag:s10] =	ssyncset.done $0x0  }
0xdb: {  	s15 =	simm.s32 $0x28F0;
	[sflag:s10] =	ssyncadd.s32 $0xFFFFEC00  }
0xdc: {  	[tilespmem:s14], [sflag:$0x2] =	stream.indirect.gather [hbm4b:s3+s12], $0x40, s15, s12, $0xb8;
	[tilespmem:$0x19C80] =	vst v63  }
0xdd: {  	_ =	swait.ge [sflag:s23], $0x1400  }
0xde: {  	[sflag:s23] =	ssyncset.done $0x0  }
0xdf: {  	s17 =	simm.s32 $0x75D0;
	[sflag:s23] =	ssyncadd.s32 $0xFFFFEC00  }
0xe0: {  	[spmem:s1] =	stream.indirect.scatter.add.f32 [tilespmem:s16], [sflag:$0x6], $0x40, s17, s12, $0xb8;
	[tilespmem:$0x19C80] =	vst v63  }
0xe1: {  	_ =	swait.ge [sflag:s10], $0x1400  }
0xe2: {  	[sflag:s10] =	ssyncset.done $0x0  }
0xe3: {  	s19 =	simm.s32 $0x2940;
	[sflag:s10] =	ssyncadd.s32 $0xFFFFEC00  }
0xe4: {  	[tilespmem:s16], [sflag:$0x3] =	stream.indirect.gather [hbm4b:s3+s12], $0x40, s19, s12, $0xb8;
	[tilespmem:$0x19C80] =	vst v63  }
0xe5: {  	_ =	swait.ge [sflag:s24], $0x1400  }
0xe6: {  	[sflag:s24] =	ssyncset.done $0x0  }
0xe7: {  	s15 =	simm.s32 $0x7620;
	[sflag:s24] =	ssyncadd.s32 $0xFFFFEC00  }
0xe8: {  	[spmem:s1] =	stream.indirect.scatter.add.f32 [tilespmem:s18], [sflag:$0x6], $0x40, s15, s12, $0xb8;
	[tilespmem:$0x19C80] =	vst v63  }
0xe9: {  	_ =	swait.ge [sflag:s10], $0x1400  }
0xea: {  	[sflag:s10] =	ssyncset.done $0x0  }
0xeb: {  	s17 =	simm.s32 $0x2990;
	[sflag:s10] =	ssyncadd.s32 $0xFFFFEC00  }
0xec: {  	[tilespmem:s18], [sflag:$0x4] =	stream.indirect.gather [hbm4b:s3+s12], $0x40, s17, s12, $0xb8;
	[tilespmem:$0x19C80] =	vst v63  }
0xed: {  	_ =	swait.ge [sflag:s25], $0x1400  }
0xee: {  	[sflag:s25] =	ssyncset.done $0x0  }
0xef: {  	s19 =	simm.s32 $0x7670;
	[sflag:s25] =	ssyncadd.s32 $0xFFFFEC00  }
0xf0: {  	[spmem:s1] =	stream.indirect.scatter.add.f32 [tilespmem:s20], [sflag:$0x6], $0x40, s19, s12, $0xb8;
	[tilespmem:$0x19C80] =	vst v63  }
0xf1: {  	_ =	swait.ge [sflag:s10], $0x1400  }
0xf2: {  	[sflag:s10] =	ssyncset.done $0x0  }
0xf3: {  	s11 =	simm.s32 $0x640;
	s15 =	simm.s32 $0x29E0;
	[sflag:s10] =	ssyncadd.s32 $0xFFFFEC00  }
.LBB2_8:
0xf4: {  	[tilespmem:s20], [sflag:$0x5] =	stream.indirect.gather [hbm4b:s3+s12], $0x40, s15, s12, $0xb8;
	[tilespmem:$0x19C80] =	vst v63  }
0xf5: {  	s15 =	smov.u32 s11  }
0xf6: {  	p1 =	sne.s32 s11, $0x8FC0;
	s11 =	sadd.s32 $0x640, s11;
	_ =	swait.ge [sflag:s21], $0x1400  }
0xf7: {  	s15 =	sshra.s32 s15, $0x2;
	[sflag:s21] =	ssyncset.done $0x0  }
0xf8: {  	s17 =	sadd.s32 $0x7530, s15;
	[sflag:s21] =	ssyncadd.s32 $0xFFFFEC00  }
0xf9: {  	[spmem:s1] =	stream.indirect.scatter.add.f32 [tilespmem:s13], [sflag:$0x6], $0x40, s17, s12, $0xb8;
	[tilespmem:$0x19C80] =	vst v63  }
0xfa: {  	_ =	swait.ge [sflag:s10], $0x1400  }
0xfb: {  	[sflag:s10] =	ssyncset.done $0x0  }
0xfc: {  	s17 =	sadd.s32 $0x28A0, s15;
	[sflag:s10] =	ssyncadd.s32 $0xFFFFEC00  }
0xfd: {  	[tilespmem:s13], [sflag:$0x1] =	stream.indirect.gather [hbm4b:s3+s12], $0x40, s17, s12, $0xb8;
	[tilespmem:$0x19C80] =	vst v63  }
0xfe: {  	_ =	swait.ge [sflag:s22], $0x1400  }
0xff: {  	[sflag:s22] =	ssyncset.done $0x0  }
0x100: {  	s17 =	sadd.s32 $0x7580, s15;
	[sflag:s22] =	ssyncadd.s32 $0xFFFFEC00  }
0x101: {  	[spmem:s1] =	stream.indirect.scatter.add.f32 [tilespmem:s14], [sflag:$0x6], $0x40, s17, s12, $0xb8;
	[tilespmem:$0x19C80] =	vst v63  }
0x102: {  	_ =	swait.ge [sflag:s10], $0x1400  }
0x103: {  	[sflag:s10] =	ssyncset.done $0x0  }
0x104: {  	s17 =	sadd.s32 $0x28F0, s15;
	[sflag:s10] =	ssyncadd.s32 $0xFFFFEC00  }
0x105: {  	[tilespmem:s14], [sflag:$0x2] =	stream.indirect.gather [hbm4b:s3+s12], $0x40, s17, s12, $0xb8;
	[tilespmem:$0x19C80] =	vst v63  }
0x106: {  	_ =	swait.ge [sflag:s23], $0x1400  }
0x107: {  	[sflag:s23] =	ssyncset.done $0x0  }
0x108: {  	s17 =	sadd.s32 $0x75D0, s15;
	[sflag:s23] =	ssyncadd.s32 $0xFFFFEC00  }
0x109: {  	[spmem:s1] =	stream.indirect.scatter.add.f32 [tilespmem:s16], [sflag:$0x6], $0x40, s17, s12, $0xb8;
	[tilespmem:$0x19C80] =	vst v63  }
0x10a: {  	_ =	swait.ge [sflag:s10], $0x1400  }
0x10b: {  	[sflag:s10] =	ssyncset.done $0x0  }
0x10c: {  	s17 =	sadd.s32 $0x2940, s15;
	[sflag:s10] =	ssyncadd.s32 $0xFFFFEC00  }
0x10d: {  	[tilespmem:s16], [sflag:$0x3] =	stream.indirect.gather [hbm4b:s3+s12], $0x40, s17, s12, $0xb8;
	[tilespmem:$0x19C80] =	vst v63  }
0x10e: {  	_ =	swait.ge [sflag:s24], $0x1400  }
0x10f: {  	[sflag:s24] =	ssyncset.done $0x0  }
0x110: {  	s17 =	sadd.s32 $0x7620, s15;
	[sflag:s24] =	ssyncadd.s32 $0xFFFFEC00  }
0x111: {  	[spmem:s1] =	stream.indirect.scatter.add.f32 [tilespmem:s18], [sflag:$0x6], $0x40, s17, s12, $0xb8;
	[tilespmem:$0x19C80] =	vst v63  }
0x112: {  	_ =	swait.ge [sflag:s10], $0x1400  }
0x113: {  	[sflag:s10] =	ssyncset.done $0x0  }
0x114: {  	s17 =	sadd.s32 $0x2990, s15;
	[sflag:s10] =	ssyncadd.s32 $0xFFFFEC00  }
0x115: {  	[tilespmem:s18], [sflag:$0x4] =	stream.indirect.gather [hbm4b:s3+s12], $0x40, s17, s12, $0xb8;
	[tilespmem:$0x19C80] =	vst v63  }
0x116: {  	_ =	swait.ge [sflag:s25], $0x1400  }
0x117: {  	[sflag:s25] =	ssyncset.done $0x0  }
.Ltmp3:
0x118: {  	s17 =	sadd.s32 $0x7670, s15;
	[sflag:s25] =	ssyncadd.s32 $0xFFFFEC00;
	(pc) =	sbr.rel @p1 .LBB2_8-.Ltmp3, $4  }
0x119: {  	[spmem:s1] =	stream.indirect.scatter.add.f32 [tilespmem:s20], [sflag:$0x6], $0x40, s17, s12, $0xb8;
	[tilespmem:$0x19C80] =	vst v63  }
0x11a: {  	_ =	swait.ge [sflag:s10], $0x1400  }
0x11b: {  	[sflag:s10] =	ssyncset.done $0x0  }
0x11c: {  	s15 =	sadd.s32 $0x29E0, s15;
	[sflag:s10] =	ssyncadd.s32 $0xFFFFEC00  }
0x11d: {  	[tilespmem:s20], [sflag:$0x5] =	stream.indirect.gather [hbm4b:s3+s12], $0x40, s15, s12, $0xb8;
	[tilespmem:$0x19C80] =	vst v63  }
0x11e: {  	_ =	swait.ge [sflag:s21], $0x1400  }
0x11f: {  	[sflag:s21] =	ssyncset.done $0x0  }
0x120: {  	[sflag:s21] =	ssyncadd.s32 $0xFFFFEC00  }
0x121: {  	[spmem:s1] =	stream.indirect.scatter.add.f32 [tilespmem:s13], [sflag:$0x6], $0x40, s26, s12, $0xb8;
	[tilespmem:$0x19C80] =	vst v63  }
0x122: {  	_ =	swait.ge [sflag:s10], $0x1400  }
0x123: {  	[sflag:s10] =	ssyncset.done $0x0  }
0x124: {  	[sflag:s10] =	ssyncadd.s32 $0xFFFFEC00  }
0x125: {  	_ =	swait.ge [sflag:s22], $0x1400  }
0x126: {  	[sflag:s22] =	ssyncset.done $0x0  }
0x127: {  	[sflag:s22] =	ssyncadd.s32 $0xFFFFEC00  }
0x128: {  	[spmem:s1] =	stream.indirect.scatter.add.f32 [tilespmem:s14], [sflag:$0x6], $0x40, s28, s12, $0xb8;
	[tilespmem:$0x19C80] =	vst v63  }
0x129: {  	_ =	swait.ge [sflag:s10], $0x1400  }
0x12a: {  	[sflag:s10] =	ssyncset.done $0x0  }
0x12b: {  	[sflag:s10] =	ssyncadd.s32 $0xFFFFEC00  }
0x12c: {  	_ =	swait.ge [sflag:s23], $0x1400  }
0x12d: {  	[sflag:s23] =	ssyncset.done $0x0  }
0x12e: {  	[sflag:s23] =	ssyncadd.s32 $0xFFFFEC00  }
0x12f: {  	[spmem:s1] =	stream.indirect.scatter.add.f32 [tilespmem:s16], [sflag:$0x6], $0x40, s29, s12, $0xb8;
	[tilespmem:$0x19C80] =	vst v63  }
0x130: {  	_ =	swait.ge [sflag:s10], $0x1400  }
0x131: {  	[sflag:s10] =	ssyncset.done $0x0  }
0x132: {  	[sflag:s10] =	ssyncadd.s32 $0xFFFFEC00  }
0x133: {  	_ =	swait.ge [sflag:s24], $0x1400  }
0x134: {  	[sflag:s24] =	ssyncset.done $0x0  }
0x135: {  	[sflag:s24] =	ssyncadd.s32 $0xFFFFEC00  }
0x136: {  	[spmem:s1] =	stream.indirect.scatter.add.f32 [tilespmem:s18], [sflag:$0x6], $0x40, s30, s12, $0xb8;
	[tilespmem:$0x19C80] =	vst v63  }
0x137: {  	_ =	swait.ge [sflag:s10], $0x1400  }
0x138: {  	[sflag:s10] =	ssyncset.done $0x0  }
0x139: {  	[sflag:s10] =	ssyncadd.s32 $0xFFFFEC00  }
0x13a: {  	_ =	swait.ge [sflag:s25], $0x1400  }
0x13b: {  	[sflag:s25] =	ssyncset.done $0x0  }
0x13c: {  	[sflag:s25] =	ssyncadd.s32 $0xFFFFEC00  }
0x13d: {  	[spmem:s1] =	stream.indirect.scatter.add.f32 [tilespmem:s20], [sflag:$0x6], $0x40, s31, s12, $0xb8;
	[tilespmem:$0x19C80] =	vst v63  }
0x13e: {  	_ =	swait.ge [sflag:s10], $0x1400  }
0x13f: {  	s11 =	simm.s32 @!p0 $0x1;
	s15 =	simm.s32 @!p0 $0x10;
	[sflag:s10] =	ssyncset.done $0x0  }
0x140: {  	s17 =	simm.s32 @!p0 $0x8;
	s0 =	sadd.s32 $0x1, s0;
	[sflag:s10] =	ssyncadd.s32 $0xFFFFEC00  }
0x141: {  	s19 =	simm.s32 @!p0 $0x1C06;
	p1 =	sne.s32 s0, s8;
	[bflag:$0x0] =	sbarrier.arrive $0xFFFF  }
0x142: {  	[hbm:s7@s15], [sflag:s19] =	dma.strided @!p0 [spmem:s9@s17], $0x13880, s11, $0x8   }
.Ltmp4:
0x143: {  	_ = 	snop;
	(pc) =	sbr.rel @p1 .LBB2_1-.Ltmp4, $4  }
0x144: {  	s11 =	simm.s32 @!p0 $0x6  }
0x145: {  	_ =	swait.ge @!p0 [sflag:s11], $0x13880  }
0x146: {  	[sflag:s11] =	ssyncset.done @!p0 $0x0  }
0x147: {  	[sflag:s11] =	ssyncadd.s32 @!p0 $0xFFFEC780  }
0x148: {  	_ =	sfence.sel $0x180000  }
0x149: {  	[bflag:$0x0] =	sbarrier.arrive $0xFFFF  }
0x14a: {  	_ =	strace $0x9000004A  }
0x14b: {  	[bflag:$0x2] =	sbarrier.arrive $0xFFFF  }
0x14c: {  	s0 =	rddreg [dreg:$0x2]  }
0x14d: {  	s0 =	sadd.s32 @!p0 $0x100000, s0  }
0x14e: {  	[sflag:s0] =	ssyncadd.tile.s32 @!p0 $0x1;
	_ =	shalt  }
.Lfunc_end2:
_tile_overlayer_lowered:
.L_overlay_start_2:
0x14f: {  	(tag) =	ssettag $0x2  }
0x150: {  	s0 =	rddreg [dreg:$0x0];
	s2 =	stileid.u32  }
0x151: {  	s1 =	rddreg [dreg:$0x1];
	p0 =	sne.s32 s2, $0x0  }
0x152: {  	s3 =	rddreg [dreg:$0x2];
	[bflag:$0x3] =	sbarrier.arrive $0xFFFF;
	s2 =	simm.s32 @!p0 $0x1C06  }
0x153: {  	[timem:s3], [sflag:s2] =	dma.local @!p0 [hbm:s0], s1  }
0x154: {  	s0 =	simm.s32 @!p0 $0x6  }
0x155: {  	_ =	swait.ge @!p0 [sflag:s0], s1  }
0x156: {  	s1 =	ssub.s32 @!p0 $0x0, s1;
	[sflag:s0] =	ssyncset.done @!p0 $0x0  }
0x157: {  	[sflag:s0] =	ssyncadd.s32 @!p0 s1  }
0x158: {  	[bflag:$0x3] =	sbarrier.arrive $0xFFFF  }
0x159: {  	_ =	shalt  }

// kernel: kernel.14.cloned.1.call-start
scs
__scs_entry_jumppad:
0x0: {  	(pc) =	sbr.rel $0x88, $3  }
0x1: {  	(tag) =	ssettag $0x0;
	lr =	simm.s32 $0x1  }
0x2: {  	[smem:$0x3F9B] =	sst lr;
	_ =	strace $0xD0000000  }
0x3: {  	_ = 	snop  }
0x4: {  	_ = 	snop  }
0x5: {  	_ = 	snop  }
0x6: {  	_ = 	snop  }
0x7: {  	_ = 	snop  }
__scs_overlays_trampoline_lowered:
0x8: {  	[smem:$0x3FAA] =	sst s0  }
0x9: {  	[smem:$0x3FAB] =	sst s1  }
0xa: {  	[smem:$0x3FAC] =	sst s2  }
0xb: {  	[smem:$0x3FAD] =	sst s3  }
0xc: {  	[smem:$0x3FAE] =	sst s4  }
0xd: {  	[smem:$0x3FAF] =	sst s5  }
0xe: {  	[smem:$0x3FB0] =	sst s6  }
0xf: {  	[smem:$0x3FB1] =	sst s7  }
0x10: {  	[smem:$0x3FB2] =	sst s8  }
0x11: {  	[smem:$0x3FB3] =	sst s9;
	s0 =	simm.s32 @!p0 $0x0  }
0x12: {  	s1 =	sld [smem:$0x3F99];
	s0 =	simm.s32 @p0 $0x1  }
0x13: {  	[smem:$0x3FB4] =	sst s0;
	s0 =	simm.s32 @!p1 $0x0  }
0x14: {  	s2 =	sld [smem:$0x3F98];
	s0 =	simm.s32 @p1 $0x1  }
0x15: {  	[smem:$0x3FB5] =	sst s0;
	s0 =	simm.s32 @!p2 $0x0  }
0x16: {  	s3 =	sld [smem:$0x3FDB];
	s0 =	simm.s32 @p2 $0x1  }
0x17: {  	s4 =	simm.s32 $0x1BF5;
	[smem:$0x3FB7] =	sst s0  }
0x18: {  	s0 =	sld [smem:$0x3F9A];
	_ =	swait.ge [sflag:s4], $0x0  }
0x19: {  	s7 =	sld [smem:$0x3F9B]  }
0x1a: {  	s8 =	sadd.s32 $0xFFFFE003, lr  }
0x1b: {  	s9 =	sadd.s32 $0xFFFFFEF7, lr;
	s5 =	simm.s32 $0xFFFFFFFF;
	p2 =	slt.u32 s8, $0xFFFFF086  }
0x1c: {  	p1 =	slt.u32 s9, $0xF7A;
	s5 =	simm.s32 @!p2 $0x0  }
0x1d: {  	s5 =	simm.s32 @p1 $0x1;
	p0 =	seq.s32 s7, s2  }
0x1e: {  	s7 =	smul.u32 @!p0 $0xF7A, s2;
	p2 =	seq.s32 @!p0 s5, $0x0  }
0x1f: {  	s9 =	smul.u32 $0xF7A, s1;
	s8 =	simm.s32 @!p0 $0x1BF5;
	p2 =	por !p2, p0  }
0x20: {  	[sflag:s8] =	ssyncset.s32 @!p0 $0xFFFFF086;
	s6 =	sadd.s32 @!p0 s3, s7;
	s7 =	simm.s32 @!p0 $0x108  }
0x21: {  	s3 =	sadd.s32 s3, s9;
	s6 =	sadd.s32 @!p0 $0x88, s6;
	s7 =	simm.s32 @p2 $0x1082  }
0x22: {  	[simem:s7], [sflag:s8] =	dma.local @!p0 [hbm:s6], $0xF7A  }
0x23: {  	s9 =	sor.u32 $0xD0000000, s2;
	s6 =	simm.s32 $0x108;
	_ =	swait.ge @!p0 [sflag:s8], $0x0  }
0x24: {  	s3 =	sadd.s32 $0x88, s3;
	s6 =	simm.s32 @!p1 $0x1082;
	[sflag:s4] =	ssyncset.s32 $0xFFFFF086  }
0x25: {  	[simem:s6], [sflag:s4] =	dma.local [hbm:s3], $0xF7A  }
0x26: {  	[smem:$0x3F9B] =	sst s1;
	(tag) =	ssettag s2;
	_ =	strace s9  }
0x27: {  	s1 =	sld [smem:$0x3FAB]  }
0x28: {  	s2 =	sld [smem:$0x3FAC]  }
0x29: {  	s4 =	sld [smem:$0x3FAE]  }
0x2a: {  	p0 =	seq.s32 s5, $0x0;
	s5 =	sld [smem:$0x3FAF]  }
0x2b: {  	s6 =	sld [smem:$0x3FB0]  }
0x2c: {  	s7 =	sld [smem:$0x3FB1]  }
0x2d: {  	s3 =	simm.s32 $0x108;
	s8 =	sld [smem:$0x3FB2]  }
0x2e: {  	s3 =	simm.s32 @!p0 $0x1082;
	s9 =	sld [smem:$0x3FB3]  }
0x2f: {  	lr =	sadd.s32 s0, s3;
	s0 =	sld [smem:$0x3FAA]  }
0x30: {  	s3 =	sld [smem:$0x3FAD]  }
0x31: {  	[smem:$0x3FB6] =	sst s10  }
0x32: {  	s10 =	sld [smem:$0x3FB4];
	_ =	sdelay $0x3  }
0x33: {  	p0 =	seq.s32 s10, $0x1;
	s10 =	sld [smem:$0x3FB6];
	_ =	sdelay $0x3  }
0x34: {  	[smem:$0x3FB6] =	sst s10  }
0x35: {  	s10 =	sld [smem:$0x3FB5];
	_ =	sdelay $0x3  }
0x36: {  	p1 =	seq.s32 s10, $0x1;
	s10 =	sld [smem:$0x3FB6];
	_ =	sdelay $0x3  }
0x37: {  	[smem:$0x3FB6] =	sst s10  }
0x38: {  	s10 =	sld [smem:$0x3FB7]  }
0x39: {  	_ = 	snop;
	(pc) =	sbr.ind lr, $3  }
0x3a: {  	_ = 	snop  }
0x3b: {  	_ = 	snop  }
0x3c: {  	p2 =	seq.s32 s10, $0x1;
	s10 =	sld [smem:$0x3FB6]  }
0x3d: {  	_ =	shalt  }
0x3e: {  	_ =	shalt  }
0x3f: {  	_ =	shalt  }
0x40: {  	_ =	shalt  }
0x41: {  	_ =	shalt  }
0x42: {  	_ =	shalt  }
0x43: {  	_ =	shalt  }
0x44: {  	_ =	shalt  }
0x45: {  	_ =	shalt  }
0x46: {  	_ =	shalt  }
0x47: {  	_ =	shalt  }
0x48: {  	_ =	shalt  }
0x49: {  	_ =	shalt  }
0x4a: {  	_ =	shalt  }
0x4b: {  	_ =	shalt  }
0x4c: {  	_ =	shalt  }
0x4d: {  	_ =	shalt  }
0x4e: {  	_ =	shalt  }
0x4f: {  	_ =	shalt  }
0x50: {  	_ =	shalt  }
0x51: {  	_ =	shalt  }
0x52: {  	_ =	shalt  }
0x53: {  	_ =	shalt  }
0x54: {  	_ =	shalt  }
0x55: {  	_ =	shalt  }
0x56: {  	_ =	shalt  }
0x57: {  	_ =	shalt  }
0x58: {  	_ =	shalt  }
0x59: {  	_ =	shalt  }
0x5a: {  	_ =	shalt  }
0x5b: {  	_ =	shalt  }
0x5c: {  	_ =	shalt  }
0x5d: {  	_ =	shalt  }
0x5e: {  	_ =	shalt  }
0x5f: {  	_ =	shalt  }
0x60: {  	_ =	shalt  }
0x61: {  	_ =	shalt  }
0x62: {  	_ =	shalt  }
0x63: {  	_ =	shalt  }
0x64: {  	_ =	shalt  }
0x65: {  	_ =	shalt  }
0x66: {  	_ =	shalt  }
0x67: {  	_ =	shalt  }
0x68: {  	_ =	shalt  }
0x69: {  	_ =	shalt  }
0x6a: {  	_ =	shalt  }
0x6b: {  	_ =	shalt  }
0x6c: {  	_ =	shalt  }
0x6d: {  	_ =	shalt  }
0x6e: {  	_ =	shalt  }
0x6f: {  	_ =	shalt  }
0x70: {  	_ =	shalt  }
0x71: {  	_ =	shalt  }
0x72: {  	_ =	shalt  }
0x73: {  	_ =	shalt  }
0x74: {  	_ =	shalt  }
0x75: {  	_ =	shalt  }
0x76: {  	_ =	shalt  }
0x77: {  	_ =	shalt  }
0x78: {  	_ =	shalt  }
0x79: {  	_ =	shalt  }
0x7a: {  	_ =	shalt  }
0x7b: {  	_ =	shalt  }
0x7c: {  	_ =	shalt  }
0x7d: {  	_ =	shalt  }
0x7e: {  	_ =	shalt  }
0x7f: {  	_ =	shalt  }
0x80: {  	_ =	shalt  }
0x81: {  	_ =	shalt  }
0x82: {  	_ =	shalt  }
0x83: {  	_ =	shalt  }
0x84: {  	_ =	shalt  }
0x85: {  	_ =	shalt  }
0x86: {  	_ =	shalt  }
0x87: {  	_ =	shalt  }
.Lfunc_end0:
.L_simem_size_0:
called_computation.2_lowered:
.L_overlay_start_0:
0x88: {  	s2 =	sld [smem:$0x3FD9]  }
0x89: {  	s3 =	sld [smem:$0x3FFE];
	_ =	sdelay $0x1  }
0x8a: {  	s1 =	srdreg.scid  }
0x8b: {  	s0 =	sand.u32 $0x1, s1  }
0x8c: {  	s16 =	sshll.u32 s0, $0xA;
	s2 =	sadd.s32 s3, s2  }
0x8d: {  	s2 =	sadd.s32 s2, s16  }
0x8e: {  	[smem:$0x3FC2] =	sst s2  }
0x8f: {  	_ = 	snop  }
0x90: {  	(tm) =	ssettm $0x1  }
0x91: {  	s17 =	sld [smem:$0x3FFB];
	_ =	sdelay $0x3  }
0x92: {  	_ =	strace s17  }
0x93: {  	s2 =	sld [smem:$0x3FFC];
	_ =	sdelay $0x3  }
0x94: {  	_ =	strace s2  }
0x95: {  	s2 =	sld [smem:$0x3FFD];
	_ =	sdelay $0x3  }
0x96: {  	_ =	strace s2  }
0x97: {  	_ =	strace $0x8FFFFFFF  }
0x98: {  	s18 =	sld [smem:$0x3FDB];
	_ =	sdelay $0x1  }
0x99: {  	s19 =	simm.s32 $_scs_section_size  }
0x9a: {  	s4 =	simm.s32 $_size__tile_overlayer_lowered;
	s5 =	simm.s32 $_tile_overlayer_lowered  }
0x9b: {  	s22 =	simm.s32 $0x1BFF;
	s21 =	sshll.u32 s5, $0x1;
	s2 =	sadd.s32 s19, s18  }
0x9c: {  	s6 =	simm.s32 $0x0;
	s20 =	sshll.u32 s4, $0x1;
	s4 =	sadd.s32 s21, s2  }
0x9d: {  	[timem:s6], [sflag:s22] =	dma.local [hbm:s4], s20  }
0x9e: {  	_ =	swait.ge [sflag:s22], s20  }
0x9f: {  	s3 =	ssub.s32 $0x0, s20;
	[sflag:s22] =	ssyncset.done $0x0  }
0xa0: {  	[sflag:s22] =	ssyncadd.s32 s3;
	_ =	sdelay $0x1  }
0xa1: {  	s23 =	simm.s32 $0x1B8B  }
0xa2: {  	_ =	swait.ge [sflag:s23], $0x1  }
0xa3: {  	[sflag:s23] =	ssyncset.done $0x0  }
0xa4: {  	s25 =	simm.s32 $0x1B8E;
	s24 =	sld [smem:$0x3FFE];
	[sflag:s23] =	ssyncadd.s32 $0xFFFFFFFF  }
0xa5: {  	s26 =	simm.s32 $execute0_lowered;
	[smem:$0x3FD2] =	sst s25  }
0xa6: {  	s4 =	sshll.u32 s26, $0x1;
	_ =	strace $0x8000004C;
	[dreg:$0x1] =	wrdreg $0xFFFFFFFF  }
0xa7: {  	s28 =	simm.s32 $_size_execute0_lowered;
	s2 =	sadd.s32 s2, s4;
	[dreg:$0x0] =	wrdreg $0x0  }
0xa8: {  	s4 =	sshll.u32 s28, $0x1;
	[dreg:$0x2] =	wrdreg s2  }
0xa9: {  	[dreg:$0x3] =	wrdreg s4  }
0xaa: {  	[dreg:$0x4] =	wrdreg $0xC0  }
0xab: {  	_ =	task [dreg:s6], $0x5FFFF  }
0xac: {  	[dreg:$0x1] =	wrdreg $0xFFFFFFFF  }
0xad: {  	[dreg:$0x0] =	wrdreg $0x60  }
0xae: {  	[dreg:$0x2] =	wrdreg s24  }
0xaf: {  	[dreg:$0x3] =	wrdreg $0x99200  }
0xb0: {  	[dreg:$0x4] =	wrdreg $0x9  }
0xb1: {  	_ =	task.clear_ibuf [dreg:s6], $0x5FFFF;
	_ =	strace $0x9000004C  }
0xb2: {  	s29 =	simm.s32 $0x9;
	_ =	strace $0x8000004E  }
0xb3: {  	_ =	swait.ge [sflag:s29], $0x1  }
0xb4: {  	[sflag:s29] =	ssyncadd.s32 $0xFFFFFFFF  }
0xb5: {  	_ =	strace $0x9000004E  }
0xb6: {  	_ =	sfence  }
0xb7: {  	s30 =	sld [smem:$0x0];
	_ =	sdelay $0x2  }
0xb8: {  	s31 =	sshll.u32 s1, $0xD;
	s1 =	sshrl.u32 s1, $0x2  }
0xb9: {  	s3 =	sand.u32 $0x4000, s31;
	s1 =	sadd.s32 s1, s30  }
0xba: {  	s0 =	sor.u32 s3, s0;
	s1 =	sshll.u32 s1, $0x11  }
0xbb: {  	s0 =	sor.u32 s1, s0  }
0xbc: {  	s0 =	sadd.s32 $0x8F2B, s0  }
0xbd: {  	[sflag:s0] =	ssyncadd.remote.s32 $0x1  }
0xbe: {  	_ =	sfence.sel $0xFFFF  }
0xbf: {  	[dreg:$0x0] =	wrdreg $0xFFFFFFFF;
	(pc) =	sbr.abs _section_cstart, $3  }
0xc0: {  	[dreg:$0x1] =	wrdreg $0xFFFFFFFF  }
0xc1: {  	_ =	task.clear_ibuf [dreg:s6], $0x2FFFF;
	_ =	strace $0x9FFFFFFF  }
0xc2: {  	(tm) =	ssettm $0x7FFFFFFF  }
0xc3: {  	_ =	shalt  }
tec
execute0_lowered:
.L_overlay_start_1:
0x0: {  	(tag) =	ssettag $0x1  }
0x1: {  	s0 =	srdreg.scid;
	s5 =	rddreg [dreg:$0x0]  }
0x2: {  	s1 =	rddreg [dreg:$0x1];
	s8 =	stileid.u32;
	s2 =	simm.s32 $0x0  }
0x3: {  	s12 =	simm.s32 $0x50;
	s13 =	simm.s32 $0x4E20;
	s14 =	simm.s32 $0x5D20  }
0x4: {  	s16 =	simm.s32 $0x6C20;
	s18 =	simm.s32 $0x7B20;
	s20 =	simm.s32 $0x8A20  }
0x5: {  	s21 =	simm.s32 $0x1;
	s22 =	simm.s32 $0x2;
	s23 =	simm.s32 $0x3  }
0x6: {  	s24 =	simm.s32 $0x4;
	s25 =	simm.s32 $0x5;
	s26 =	simm.s32 $0x4C90  }
0x7: {  	s28 =	simm.s32 $0x4CE0;
	s29 =	simm.s32 $0x4D30;
	s0 =	sand.u32 $0x1, s0  }
0x8: {  	s30 =	simm.s32 $0x4D80;
	s31 =	simm.s32 $0x4DD0;
	s3 =	sshll.u32 s0, $0x4  }
0x9: {  	[smem:$0x7FF] =	sst s2;
	s6 =	smul.u32 $0x6, s0;
	s3 =	sor.u32 s8, s3  }
0xa: {  	p0 =	sne.s32 s8, $0x0;
	s0 =	ssub.s32 $0x2, s0;
	s4 =	smul.u32 $0x2710, s3  }
0xb: {  	_ =	strace $0x8000004D;
	s9 =	sshrl.u32 s0, $0x1;
	s3 =	sadd.s32 $0x16600, s5  }
0xc: {  	s10 =	sadd.s32 s6, s5;
	s0 =	ssub.s32 s0, s9;
	s4 =	sshrl.u32 s4, $0x3  }
0xd: {  	s9 =	sshrl.u32 @!p0 s1, $0x3;
	s8 =	smax.u32 s0, $0x1;
	s7 =	sadd.s32 s4, s5  }
0xe: {  	s0 =	simm.s32 $0x0;
	s4 =	sadd.s32 $0x25200, s5;
	s5 =	sadd.s32 $0x2C00, s7  }
0xf: {  	s6 =	sadd.s32 $0xC840, s7;
	s7 =	sadd.s32 $0x33E00, s10;
	s10 =	simm.s32 $0x6  }
.LBB2_1:
0x10: {  	s11 =	simm.s32 @!p0 $0x1C06  }
0x11: {  	[spmem:s9], [sflag:s11] =	dma.local @!p0 [hbm:s4], $0xEA60  }
0x12: {  	s11 =	simm.s32 @!p0 $0x6  }
0x13: {  	_ =	swait.ge @!p0 [sflag:s11], $0xEA60  }
0x14: {  	[sflag:s11] =	ssyncset.done @!p0 $0x0  }
0x15: {  	[sflag:s11] =	ssyncadd.s32 @!p0 $0xFFFF15A0  }
0x16: {  	[tilespmem:s2], [sflag:$0x6] =	stream.linear.gather [hbm4b:s5+s2], $0x2710, $0x38;
	[tilespmem:$0x10E50] =	vst v63  }
0x17: {  	_ =	swait.ge [sflag:s10], $0x2710  }
0x18: {  	[sflag:s10] =	ssyncset.done $0x0  }
0x19: {  	s19 =	simm.s32 $0x2710;
	[sflag:s10] =	ssyncadd.s32 $0xFFFFD8F0  }
0x1a: {  	[tilespmem:s19], [sflag:$0x6] =	stream.linear.gather [hbm4b:s6+s2], $0x2710, $0x38;
	[tilespmem:$0x10E50] =	vst v63  }
0x1b: {  	_ =	swait.ge [sflag:s10], $0x2710  }
0x1c: {  	[sflag:s10] =	ssyncset.done $0x0  }
0x1d: {  	[sflag:s10] =	ssyncadd.s32 $0xFFFFD8F0  }
0x1e: {  	[bflag:$0x0] =	sbarrier.arrive $0xFFFF  }
0x1f: {  	[tilespmem:s13], [sflag:$0x1] =	stream.indirect.gather [hbm4b:s3+s12], $0x30, s2, s12, $0xb8;
	[tilespmem:$0x10E50] =	vst v63  }
0x20: {  	_ = 	snop  }
0x21: {  	[tilespmem:s14], [sflag:$0x2] =	stream.indirect.gather [hbm4b:s3+s12], $0x30, s12, s12, $0xb8;
	[tilespmem:$0x10E50] =	vst v63  }
0x22: {  	s15 =	simm.s32 $0xA0  }
0x23: {  	[tilespmem:s16], [sflag:$0x3] =	stream.indirect.gather [hbm4b:s3+s12], $0x30, s15, s12, $0xb8;
	[tilespmem:$0x10E50] =	vst v63  }
0x24: {  	s17 =	simm.s32 $0xF0  }
0x25: {  	[tilespmem:s18], [sflag:$0x4] =	stream.indirect.gather [hbm4b:s3+s12], $0x30, s17, s12, $0xb8;
	[tilespmem:$0x10E50] =	vst v63  }
0x26: {  	s19 =	simm.s32 $0x140  }
0x27: {  	[tilespmem:s20], [sflag:$0x5] =	stream.indirect.gather [hbm4b:s3+s12], $0x30, s19, s12, $0xb8;
	[tilespmem:$0x10E50] =	vst v63  }
0x28: {  	_ =	swait.ge [sflag:s21], $0xF00  }
0x29: {  	[sflag:s21] =	ssyncset.done $0x0  }
0x2a: {  	s15 =	simm.s32 $0x2710;
	[sflag:s21] =	ssyncadd.s32 $0xFFFFF100  }
0x2b: {  	[spmem:s1] =	stream.indirect.scatter.add.f32 [tilespmem:s13], [sflag:$0x6], $0x30, s15, s12, $0xb8;
	[tilespmem:$0x10E50] =	vst v63  }
0x2c: {  	_ =	swait.ge [sflag:s10], $0xF00  }
0x2d: {  	[sflag:s10] =	ssyncset.done $0x0  }
0x2e: {  	s17 =	simm.s32 $0x190;
	[sflag:s10] =	ssyncadd.s32 $0xFFFFF100  }
0x2f: {  	[tilespmem:s13], [sflag:$0x1] =	stream.indirect.gather [hbm4b:s3+s12], $0x30, s17, s12, $0xb8;
	[tilespmem:$0x10E50] =	vst v63  }
0x30: {  	_ =	swait.ge [sflag:s22], $0xF00  }
0x31: {  	[sflag:s22] =	ssyncset.done $0x0  }
0x32: {  	s19 =	simm.s32 $0x2760;
	[sflag:s22] =	ssyncadd.s32 $0xFFFFF100  }
0x33: {  	[spmem:s1] =	stream.indirect.scatter.add.f32 [tilespmem:s14], [sflag:$0x6], $0x30, s19, s12, $0xb8;
	[tilespmem:$0x10E50] =	vst v63  }
0x34: {  	_ =	swait.ge [sflag:s10], $0xF00  }
0x35: {  	[sflag:s10] =	ssyncset.done $0x0  }
0x36: {  	s15 =	simm.s32 $0x1E0;
	[sflag:s10] =	ssyncadd.s32 $0xFFFFF100  }
0x37: {  	[tilespmem:s14], [sflag:$0x2] =	stream.indirect.gather [hbm4b:s3+s12], $0x30, s15, s12, $0xb8;
	[tilespmem:$0x10E50] =	vst v63  }
0x38: {  	_ =	swait.ge [sflag:s23], $0xF00  }
0x39: {  	[sflag:s23] =	ssyncset.done $0x0  }
0x3a: {  	s17 =	simm.s32 $0x27B0;
	[sflag:s23] =	ssyncadd.s32 $0xFFFFF100  }
0x3b: {  	[spmem:s1] =	stream.indirect.scatter.add.f32 [tilespmem:s16], [sflag:$0x6], $0x30, s17, s12, $0xb8;
	[tilespmem:$0x10E50] =	vst v63  }
0x3c: {  	_ =	swait.ge [sflag:s10], $0xF00  }
0x3d: {  	[sflag:s10] =	ssyncset.done $0x0  }
0x3e: {  	s19 =	simm.s32 $0x230;
	[sflag:s10] =	ssyncadd.s32 $0xFFFFF100  }
0x3f: {  	[tilespmem:s16], [sflag:$0x3] =	stream.indirect.gather [hbm4b:s3+s12], $0x30, s19, s12, $0xb8;
	[tilespmem:$0x10E50] =	vst v63  }
0x40: {  	_ =	swait.ge [sflag:s24], $0xF00  }
0x41: {  	[sflag:s24] =	ssyncset.done $0x0  }
0x42: {  	s15 =	simm.s32 $0x2800;
	[sflag:s24] =	ssyncadd.s32 $0xFFFFF100  }
0x43: {  	[spmem:s1] =	stream.indirect.scatter.add.f32 [tilespmem:s18], [sflag:$0x6], $0x30, s15, s12, $0xb8;
	[tilespmem:$0x10E50] =	vst v63  }
0x44: {  	_ =	swait.ge [sflag:s10], $0xF00  }
0x45: {  	[sflag:s10] =	ssyncset.done $0x0  }
0x46: {  	s17 =	simm.s32 $0x280;
	[sflag:s10] =	ssyncadd.s32 $0xFFFFF100  }
0x47: {  	[tilespmem:s18], [sflag:$0x4] =	stream.indirect.gather [hbm4b:s3+s12], $0x30, s17, s12, $0xb8;
	[tilespmem:$0x10E50] =	vst v63  }
0x48: {  	_ =	swait.ge [sflag:s25], $0xF00  }
0x49: {  	[sflag:s25] =	ssyncset.done $0x0  }
0x4a: {  	s19 =	simm.s32 $0x2850;
	[sflag:s25] =	ssyncadd.s32 $0xFFFFF100  }
0x4b: {  	[spmem:s1] =	stream.indirect.scatter.add.f32 [tilespmem:s20], [sflag:$0x6], $0x30, s19, s12, $0xb8;
	[tilespmem:$0x10E50] =	vst v63  }
0x4c: {  	_ =	swait.ge [sflag:s10], $0xF00  }
0x4d: {  	[sflag:s10] =	ssyncset.done $0x0  }
0x4e: {  	s11 =	simm.s32 $0x640;
	s15 =	simm.s32 $0x2D0;
	[sflag:s10] =	ssyncadd.s32 $0xFFFFF100  }
.LBB2_2:
0x4f: {  	[tilespmem:s20], [sflag:$0x5] =	stream.indirect.gather [hbm4b:s3+s12], $0x30, s15, s12, $0xb8;
	[tilespmem:$0x10E50] =	vst v63  }
0x50: {  	s15 =	smov.u32 s11  }
0x51: {  	p1 =	sne.s32 s11, $0x8FC0;
	s11 =	sadd.s32 $0x640, s11;
	_ =	swait.ge [sflag:s21], $0xF00  }
0x52: {  	s15 =	sshra.s32 s15, $0x2;
	[sflag:s21] =	ssyncset.done $0x0  }
0x53: {  	s17 =	sadd.s32 $0x2710, s15;
	[sflag:s21] =	ssyncadd.s32 $0xFFFFF100  }
0x54: {  	[spmem:s1] =	stream.indirect.scatter.add.f32 [tilespmem:s13], [sflag:$0x6], $0x30, s17, s12, $0xb8;
	[tilespmem:$0x10E50] =	vst v63  }
0x55: {  	_ =	swait.ge [sflag:s10], $0xF00  }
0x56: {  	[sflag:s10] =	ssyncset.done $0x0  }
0x57: {  	s17 =	sadd.s32 $0x190, s15;
	[sflag:s10] =	ssyncadd.s32 $0xFFFFF100  }
0x58: {  	[tilespmem:s13], [sflag:$0x1] =	stream.indirect.gather [hbm4b:s3+s12], $0x30, s17, s12, $0xb8;
	[tilespmem:$0x10E50] =	vst v63  }
0x59: {  	_ =	swait.ge [sflag:s22], $0xF00  }
0x5a: {  	[sflag:s22] =	ssyncset.done $0x0  }
0x5b: {  	s17 =	sadd.s32 $0x2760, s15;
	[sflag:s22] =	ssyncadd.s32 $0xFFFFF100  }
0x5c: {  	[spmem:s1] =	stream.indirect.scatter.add.f32 [tilespmem:s14], [sflag:$0x6], $0x30, s17, s12, $0xb8;
	[tilespmem:$0x10E50] =	vst v63  }
0x5d: {  	_ =	swait.ge [sflag:s10], $0xF00  }
0x5e: {  	[sflag:s10] =	ssyncset.done $0x0  }
0x5f: {  	s17 =	sadd.s32 $0x1E0, s15;
	[sflag:s10] =	ssyncadd.s32 $0xFFFFF100  }
0x60: {  	[tilespmem:s14], [sflag:$0x2] =	stream.indirect.gather [hbm4b:s3+s12], $0x30, s17, s12, $0xb8;
	[tilespmem:$0x10E50] =	vst v63  }
0x61: {  	_ =	swait.ge [sflag:s23], $0xF00  }
0x62: {  	[sflag:s23] =	ssyncset.done $0x0  }
0x63: {  	s17 =	sadd.s32 $0x27B0, s15;
	[sflag:s23] =	ssyncadd.s32 $0xFFFFF100  }
0x64: {  	[spmem:s1] =	stream.indirect.scatter.add.f32 [tilespmem:s16], [sflag:$0x6], $0x30, s17, s12, $0xb8;
	[tilespmem:$0x10E50] =	vst v63  }
0x65: {  	_ =	swait.ge [sflag:s10], $0xF00  }
0x66: {  	[sflag:s10] =	ssyncset.done $0x0  }
0x67: {  	s17 =	sadd.s32 $0x230, s15;
	[sflag:s10] =	ssyncadd.s32 $0xFFFFF100  }
0x68: {  	[tilespmem:s16], [sflag:$0x3] =	stream.indirect.gather [hbm4b:s3+s12], $0x30, s17, s12, $0xb8;
	[tilespmem:$0x10E50] =	vst v63  }
0x69: {  	_ =	swait.ge [sflag:s24], $0xF00  }
0x6a: {  	[sflag:s24] =	ssyncset.done $0x0  }
0x6b: {  	s17 =	sadd.s32 $0x2800, s15;
	[sflag:s24] =	ssyncadd.s32 $0xFFFFF100  }
0x6c: {  	[spmem:s1] =	stream.indirect.scatter.add.f32 [tilespmem:s18], [sflag:$0x6], $0x30, s17, s12, $0xb8;
	[tilespmem:$0x10E50] =	vst v63  }
0x6d: {  	_ =	swait.ge [sflag:s10], $0xF00  }
0x6e: {  	[sflag:s10] =	ssyncset.done $0x0  }
0x6f: {  	s17 =	sadd.s32 $0x280, s15;
	[sflag:s10] =	ssyncadd.s32 $0xFFFFF100  }
0x70: {  	[tilespmem:s18], [sflag:$0x4] =	stream.indirect.gather [hbm4b:s3+s12], $0x30, s17, s12, $0xb8;
	[tilespmem:$0x10E50] =	vst v63  }
0x71: {  	_ =	swait.ge [sflag:s25], $0xF00  }
0x72: {  	[sflag:s25] =	ssyncset.done $0x0  }
.Ltmp0:
0x73: {  	s17 =	sadd.s32 $0x2850, s15;
	[sflag:s25] =	ssyncadd.s32 $0xFFFFF100;
	(pc) =	sbr.rel @p1 .LBB2_2-.Ltmp0, $4  }
0x74: {  	[spmem:s1] =	stream.indirect.scatter.add.f32 [tilespmem:s20], [sflag:$0x6], $0x30, s17, s12, $0xb8;
	[tilespmem:$0x10E50] =	vst v63  }
0x75: {  	_ =	swait.ge [sflag:s10], $0xF00  }
0x76: {  	[sflag:s10] =	ssyncset.done $0x0  }
0x77: {  	s15 =	sadd.s32 $0x2D0, s15;
	[sflag:s10] =	ssyncadd.s32 $0xFFFFF100  }
0x78: {  	[tilespmem:s20], [sflag:$0x5] =	stream.indirect.gather [hbm4b:s3+s12], $0x30, s15, s12, $0xb8;
	[tilespmem:$0x10E50] =	vst v63  }
0x79: {  	_ =	swait.ge [sflag:s21], $0xF00  }
0x7a: {  	[sflag:s21] =	ssyncset.done $0x0  }
0x7b: {  	[sflag:s21] =	ssyncadd.s32 $0xFFFFF100  }
0x7c: {  	[spmem:s1] =	stream.indirect.scatter.add.f32 [tilespmem:s13], [sflag:$0x6], $0x30, s26, s12, $0xb8;
	[tilespmem:$0x10E50] =	vst v63  }
0x7d: {  	_ =	swait.ge [sflag:s10], $0xF00  }
0x7e: {  	[sflag:s10] =	ssyncset.done $0x0  }
0x7f: {  	[sflag:s10] =	ssyncadd.s32 $0xFFFFF100  }
0x80: {  	_ =	swait.ge [sflag:s22], $0xF00  }
0x81: {  	[sflag:s22] =	ssyncset.done $0x0  }
0x82: {  	[sflag:s22] =	ssyncadd.s32 $0xFFFFF100  }
0x83: {  	[spmem:s1] =	stream.indirect.scatter.add.f32 [tilespmem:s14], [sflag:$0x6], $0x30, s28, s12, $0xb8;
	[tilespmem:$0x10E50] =	vst v63  }
0x84: {  	_ =	swait.ge [sflag:s10], $0xF00  }
0x85: {  	[sflag:s10] =	ssyncset.done $0x0  }
0x86: {  	[sflag:s10] =	ssyncadd.s32 $0xFFFFF100  }
0x87: {  	_ =	swait.ge [sflag:s23], $0xF00  }
0x88: {  	[sflag:s23] =	ssyncset.done $0x0  }
0x89: {  	[sflag:s23] =	ssyncadd.s32 $0xFFFFF100  }
0x8a: {  	[spmem:s1] =	stream.indirect.scatter.add.f32 [tilespmem:s16], [sflag:$0x6], $0x30, s29, s12, $0xb8;
	[tilespmem:$0x10E50] =	vst v63  }
0x8b: {  	_ =	swait.ge [sflag:s10], $0xF00  }
0x8c: {  	[sflag:s10] =	ssyncset.done $0x0  }
0x8d: {  	[sflag:s10] =	ssyncadd.s32 $0xFFFFF100  }
0x8e: {  	_ =	swait.ge [sflag:s24], $0xF00  }
0x8f: {  	[sflag:s24] =	ssyncset.done $0x0  }
0x90: {  	[sflag:s24] =	ssyncadd.s32 $0xFFFFF100  }
0x91: {  	[spmem:s1] =	stream.indirect.scatter.add.f32 [tilespmem:s18], [sflag:$0x6], $0x30, s30, s12, $0xb8;
	[tilespmem:$0x10E50] =	vst v63  }
0x92: {  	_ =	swait.ge [sflag:s10], $0xF00  }
0x93: {  	[sflag:s10] =	ssyncset.done $0x0  }
0x94: {  	[sflag:s10] =	ssyncadd.s32 $0xFFFFF100  }
0x95: {  	_ =	swait.ge [sflag:s25], $0xF00  }
0x96: {  	[sflag:s25] =	ssyncset.done $0x0  }
0x97: {  	[sflag:s25] =	ssyncadd.s32 $0xFFFFF100  }
0x98: {  	[spmem:s1] =	stream.indirect.scatter.add.f32 [tilespmem:s20], [sflag:$0x6], $0x30, s31, s12, $0xb8;
	[tilespmem:$0x10E50] =	vst v63  }
0x99: {  	s11 =	simm.s32 @!p0 $0x1;
	_ =	swait.ge [sflag:s10], $0xF00  }
0x9a: {  	s15 =	simm.s32 @!p0 $0x10;
	s0 =	sadd.s32 $0x1, s0;
	[sflag:s10] =	ssyncset.done $0x0  }
0x9b: {  	s17 =	simm.s32 @!p0 $0x6;
	p1 =	sne.s32 s0, s8;
	[sflag:s10] =	ssyncadd.s32 $0xFFFFF100  }
.Ltmp1:
0x9c: {  	s19 =	simm.s32 @!p0 $0x1C06;
	[bflag:$0x0] =	sbarrier.arrive $0xFFFF;
	(pc) =	sbr.rel @p1 .LBB2_1-.Ltmp1, $4  }
0x9d: {  	[hbm:s7@s15], [sflag:s19] =	dma.strided @!p0 [spmem:s9@s17], $0xEA60, s11, $0x6   }
0x9e: {  	_ =	swait.ge @!p0 [sflag:s17], $0xEA60  }
0x9f: {  	[sflag:s17] =	ssyncset.done @!p0 $0x0  }
0xa0: {  	[sflag:s17] =	ssyncadd.s32 @!p0 $0xFFFF15A0  }
0xa1: {  	_ =	sfence.sel $0x180000  }
0xa2: {  	[bflag:$0x0] =	sbarrier.arrive $0xFFFF  }
0xa3: {  	_ =	strace $0x9000004D  }
0xa4: {  	[bflag:$0x2] =	sbarrier.arrive $0xFFFF  }
0xa5: {  	s0 =	rddreg [dreg:$0x2]  }
0xa6: {  	s0 =	sadd.s32 @!p0 $0x100000, s0  }
0xa7: {  	[sflag:s0] =	ssyncadd.tile.s32 @!p0 $0x1;
	_ =	shalt  }
.Lfunc_end2:
_tile_overlayer_lowered:
.L_overlay_start_2:
0xa8: {  	(tag) =	ssettag $0x2  }
0xa9: {  	s0 =	rddreg [dreg:$0x0];
	s2 =	stileid.u32  }
0xaa: {  	s1 =	rddreg [dreg:$0x1];
	p0 =	sne.s32 s2, $0x0  }
0xab: {  	s3 =	rddreg [dreg:$0x2];
	[bflag:$0x3] =	sbarrier.arrive $0xFFFF;
	s2 =	simm.s32 @!p0 $0x1C06  }
0xac: {  	[timem:s3], [sflag:s2] =	dma.local @!p0 [hbm:s0], s1  }
0xad: {  	s0 =	simm.s32 @!p0 $0x6  }
0xae: {  	_ =	swait.ge @!p0 [sflag:s0], s1  }
0xaf: {  	s1 =	ssub.s32 @!p0 $0x0, s1;
	[sflag:s0] =	ssyncset.done @!p0 $0x0  }
0xb0: {  	[sflag:s0] =	ssyncadd.s32 @!p0 s1  }
0xb1: {  	[bflag:$0x3] =	sbarrier.arrive $0xFFFF  }
0xb2: {  	_ =	shalt  }

// kernel: kernel.8.cloned.1.call-start
scs
__scs_entry_jumppad:
0x0: {  	(pc) =	sbr.rel $0x88, $3  }
0x1: {  	(tag) =	ssettag $0x0;
	lr =	simm.s32 $0x1  }
0x2: {  	[smem:$0x3F9B] =	sst lr;
	_ =	strace $0xD0000000  }
0x3: {  	_ = 	snop  }
0x4: {  	_ = 	snop  }
0x5: {  	_ = 	snop  }
0x6: {  	_ = 	snop  }
0x7: {  	_ = 	snop  }
__scs_overlays_trampoline_lowered:
0x8: {  	[smem:$0x3FAA] =	sst s0  }
0x9: {  	[smem:$0x3FAB] =	sst s1  }
0xa: {  	[smem:$0x3FAC] =	sst s2  }
0xb: {  	[smem:$0x3FAD] =	sst s3  }
0xc: {  	[smem:$0x3FAE] =	sst s4  }
0xd: {  	[smem:$0x3FAF] =	sst s5  }
0xe: {  	[smem:$0x3FB0] =	sst s6  }
0xf: {  	[smem:$0x3FB1] =	sst s7  }
0x10: {  	[smem:$0x3FB2] =	sst s8  }
0x11: {  	[smem:$0x3FB3] =	sst s9;
	s0 =	simm.s32 @!p0 $0x0  }
0x12: {  	s1 =	sld [smem:$0x3F99];
	s0 =	simm.s32 @p0 $0x1  }
0x13: {  	[smem:$0x3FB4] =	sst s0;
	s0 =	simm.s32 @!p1 $0x0  }
0x14: {  	s2 =	sld [smem:$0x3F98];
	s0 =	simm.s32 @p1 $0x1  }
0x15: {  	[smem:$0x3FB5] =	sst s0;
	s0 =	simm.s32 @!p2 $0x0  }
0x16: {  	s3 =	sld [smem:$0x3FDB];
	s0 =	simm.s32 @p2 $0x1  }
0x17: {  	s4 =	simm.s32 $0x1BF5;
	[smem:$0x3FB7] =	sst s0  }
0x18: {  	s0 =	sld [smem:$0x3F9A];
	_ =	swait.ge [sflag:s4], $0x0  }
0x19: {  	s7 =	sld [smem:$0x3F9B]  }
0x1a: {  	s8 =	sadd.s32 $0xFFFFE003, lr  }
0x1b: {  	s9 =	sadd.s32 $0xFFFFFEF7, lr;
	s5 =	simm.s32 $0xFFFFFFFF;
	p2 =	slt.u32 s8, $0xFFFFF086  }
0x1c: {  	p1 =	slt.u32 s9, $0xF7A;
	s5 =	simm.s32 @!p2 $0x0  }
0x1d: {  	s5 =	simm.s32 @p1 $0x1;
	p0 =	seq.s32 s7, s2  }
0x1e: {  	s7 =	smul.u32 @!p0 $0xF7A, s2;
	p2 =	seq.s32 @!p0 s5, $0x0  }
0x1f: {  	s9 =	smul.u32 $0xF7A, s1;
	s8 =	simm.s32 @!p0 $0x1BF5;
	p2 =	por !p2, p0  }
0x20: {  	[sflag:s8] =	ssyncset.s32 @!p0 $0xFFFFF086;
	s6 =	sadd.s32 @!p0 s3, s7;
	s7 =	simm.s32 @!p0 $0x108  }
0x21: {  	s3 =	sadd.s32 s3, s9;
	s6 =	sadd.s32 @!p0 $0x88, s6;
	s7 =	simm.s32 @p2 $0x1082  }
0x22: {  	[simem:s7], [sflag:s8] =	dma.local @!p0 [hbm:s6], $0xF7A  }
0x23: {  	s9 =	sor.u32 $0xD0000000, s2;
	s6 =	simm.s32 $0x108;
	_ =	swait.ge @!p0 [sflag:s8], $0x0  }
0x24: {  	s3 =	sadd.s32 $0x88, s3;
	s6 =	simm.s32 @!p1 $0x1082;
	[sflag:s4] =	ssyncset.s32 $0xFFFFF086  }
0x25: {  	[simem:s6], [sflag:s4] =	dma.local [hbm:s3], $0xF7A  }
0x26: {  	[smem:$0x3F9B] =	sst s1;
	(tag) =	ssettag s2;
	_ =	strace s9  }
0x27: {  	s1 =	sld [smem:$0x3FAB]  }
0x28: {  	s2 =	sld [smem:$0x3FAC]  }
0x29: {  	s4 =	sld [smem:$0x3FAE]  }
0x2a: {  	p0 =	seq.s32 s5, $0x0;
	s5 =	sld [smem:$0x3FAF]  }
0x2b: {  	s6 =	sld [smem:$0x3FB0]  }
0x2c: {  	s7 =	sld [smem:$0x3FB1]  }
0x2d: {  	s3 =	simm.s32 $0x108;
	s8 =	sld [smem:$0x3FB2]  }
0x2e: {  	s3 =	simm.s32 @!p0 $0x1082;
	s9 =	sld [smem:$0x3FB3]  }
0x2f: {  	lr =	sadd.s32 s0, s3;
	s0 =	sld [smem:$0x3FAA]  }
0x30: {  	s3 =	sld [smem:$0x3FAD]  }
0x31: {  	[smem:$0x3FB6] =	sst s10  }
0x32: {  	s10 =	sld [smem:$0x3FB4];
	_ =	sdelay $0x3  }
0x33: {  	p0 =	seq.s32 s10, $0x1;
	s10 =	sld [smem:$0x3FB6];
	_ =	sdelay $0x3  }
0x34: {  	[smem:$0x3FB6] =	sst s10  }
0x35: {  	s10 =	sld [smem:$0x3FB5];
	_ =	sdelay $0x3  }
0x36: {  	p1 =	seq.s32 s10, $0x1;
	s10 =	sld [smem:$0x3FB6];
	_ =	sdelay $0x3  }
0x37: {  	[smem:$0x3FB6] =	sst s10  }
0x38: {  	s10 =	sld [smem:$0x3FB7]  }
0x39: {  	_ = 	snop;
	(pc) =	sbr.ind lr, $3  }
0x3a: {  	_ = 	snop  }
0x3b: {  	_ = 	snop  }
0x3c: {  	p2 =	seq.s32 s10, $0x1;
	s10 =	sld [smem:$0x3FB6]  }
0x3d: {  	_ =	shalt  }
0x3e: {  	_ =	shalt  }
0x3f: {  	_ =	shalt  }
0x40: {  	_ =	shalt  }
0x41: {  	_ =	shalt  }
0x42: {  	_ =	shalt  }
0x43: {  	_ =	shalt  }
0x44: {  	_ =	shalt  }
0x45: {  	_ =	shalt  }
0x46: {  	_ =	shalt  }
0x47: {  	_ =	shalt  }
0x48: {  	_ =	shalt  }
0x49: {  	_ =	shalt  }
0x4a: {  	_ =	shalt  }
0x4b: {  	_ =	shalt  }
0x4c: {  	_ =	shalt  }
0x4d: {  	_ =	shalt  }
0x4e: {  	_ =	shalt  }
0x4f: {  	_ =	shalt  }
0x50: {  	_ =	shalt  }
0x51: {  	_ =	shalt  }
0x52: {  	_ =	shalt  }
0x53: {  	_ =	shalt  }
0x54: {  	_ =	shalt  }
0x55: {  	_ =	shalt  }
0x56: {  	_ =	shalt  }
0x57: {  	_ =	shalt  }
0x58: {  	_ =	shalt  }
0x59: {  	_ =	shalt  }
0x5a: {  	_ =	shalt  }
0x5b: {  	_ =	shalt  }
0x5c: {  	_ =	shalt  }
0x5d: {  	_ =	shalt  }
0x5e: {  	_ =	shalt  }
0x5f: {  	_ =	shalt  }
0x60: {  	_ =	shalt  }
0x61: {  	_ =	shalt  }
0x62: {  	_ =	shalt  }
0x63: {  	_ =	shalt  }
0x64: {  	_ =	shalt  }
0x65: {  	_ =	shalt  }
0x66: {  	_ =	shalt  }
0x67: {  	_ =	shalt  }
0x68: {  	_ =	shalt  }
0x69: {  	_ =	shalt  }
0x6a: {  	_ =	shalt  }
0x6b: {  	_ =	shalt  }
0x6c: {  	_ =	shalt  }
0x6d: {  	_ =	shalt  }
0x6e: {  	_ =	shalt  }
0x6f: {  	_ =	shalt  }
0x70: {  	_ =	shalt  }
0x71: {  	_ =	shalt  }
0x72: {  	_ =	shalt  }
0x73: {  	_ =	shalt  }
0x74: {  	_ =	shalt  }
0x75: {  	_ =	shalt  }
0x76: {  	_ =	shalt  }
0x77: {  	_ =	shalt  }
0x78: {  	_ =	shalt  }
0x79: {  	_ =	shalt  }
0x7a: {  	_ =	shalt  }
0x7b: {  	_ =	shalt  }
0x7c: {  	_ =	shalt  }
0x7d: {  	_ =	shalt  }
0x7e: {  	_ =	shalt  }
0x7f: {  	_ =	shalt  }
0x80: {  	_ =	shalt  }
0x81: {  	_ =	shalt  }
0x82: {  	_ =	shalt  }
0x83: {  	_ =	shalt  }
0x84: {  	_ =	shalt  }
0x85: {  	_ =	shalt  }
0x86: {  	_ =	shalt  }
0x87: {  	_ =	shalt  }
.Lfunc_end0:
.L_simem_size_0:
called_computation_lowered:
.L_overlay_start_0:
0x88: {  	s2 =	sld [smem:$0x3FD9]  }
0x89: {  	s3 =	sld [smem:$0x3FFE];
	_ =	sdelay $0x1  }
0x8a: {  	s1 =	srdreg.scid  }
0x8b: {  	s0 =	sand.u32 $0x1, s1  }
0x8c: {  	s17 =	sshll.u32 s0, $0xA;
	s2 =	sadd.s32 s3, s2  }
0x8d: {  	s2 =	sadd.s32 s2, s17  }
0x8e: {  	[smem:$0x3FC2] =	sst s2  }
0x8f: {  	_ = 	snop  }
0x90: {  	s2 =	sld [smem:$0x3FD0];
	(tm) =	ssettm $0x1  }
0x91: {  	s18 =	sld [smem:$0x3FFB];
	_ =	sdelay $0x3  }
0x92: {  	_ =	strace s18  }
0x93: {  	s3 =	sld [smem:$0x3FFC];
	_ =	sdelay $0x3  }
0x94: {  	_ =	strace s3  }
0x95: {  	s3 =	sld [smem:$0x3FFD];
	_ =	sdelay $0x3  }
0x96: {  	_ =	strace s3  }
0x97: {  	_ =	strace $0x8FFFFFFF  }
0x98: {  	s19 =	sld [smem:$0x3FDB];
	_ =	sdelay $0x1  }
0x99: {  	s4 =	simm.s32 $_scs_section_size  }
0x9a: {  	s5 =	simm.s32 $_size__tile_overlayer_lowered;
	s6 =	simm.s32 $_tile_overlayer_lowered  }
0x9b: {  	s22 =	simm.s32 $0x1BFF;
	s21 =	sshll.u32 s6, $0x1;
	s3 =	sadd.s32 s4, s19  }
0x9c: {  	s7 =	simm.s32 $0x0;
	s20 =	sshll.u32 s5, $0x1;
	s5 =	sadd.s32 s21, s3  }
0x9d: {  	[timem:s7], [sflag:s22] =	dma.local [hbm:s5], s20  }
0x9e: {  	_ =	swait.ge [sflag:s22], s20  }
0x9f: {  	s4 =	ssub.s32 $0x0, s20;
	[sflag:s22] =	ssyncset.done $0x0  }
0xa0: {  	[sflag:s22] =	ssyncadd.s32 s4;
	_ =	sdelay $0x1  }
0xa1: {  	s23 =	simm.s32 $0x1B8B  }
0xa2: {  	_ =	swait.ge [sflag:s23], $0x1  }
0xa3: {  	[sflag:s23] =	ssyncset.done $0x0  }
0xa4: {  	s25 =	simm.s32 $0x1B8E;
	s24 =	sld [smem:$0x3FFE];
	[sflag:s23] =	ssyncadd.s32 $0xFFFFFFFF  }
0xa5: {  	s26 =	simm.s32 $execute0_lowered;
	[smem:$0x3FD2] =	sst s25  }
0xa6: {  	s5 =	sshll.u32 s26, $0x1;
	_ =	strace $0x80000046;
	[dreg:$0x1] =	wrdreg $0xFFFFFFFF  }
0xa7: {  	s28 =	simm.s32 $_size_execute0_lowered;
	s3 =	sadd.s32 s3, s5;
	[dreg:$0x0] =	wrdreg $0x0  }
0xa8: {  	s5 =	sshll.u32 s28, $0x1;
	[dreg:$0x2] =	wrdreg s3  }
0xa9: {  	[dreg:$0x3] =	wrdreg s5  }
0xaa: {  	[dreg:$0x4] =	wrdreg $0xC0  }
0xab: {  	_ =	task [dreg:s7], $0x5FFFF  }
0xac: {  	[dreg:$0x1] =	wrdreg $0xFFFFFFFF  }
0xad: {  	[dreg:$0x0] =	wrdreg $0x60  }
0xae: {  	[dreg:$0x2] =	wrdreg s24  }
0xaf: {  	[dreg:$0x3] =	wrdreg s2  }
0xb0: {  	[dreg:$0x4] =	wrdreg $0x2C100  }
0xb1: {  	[dreg:$0x5] =	wrdreg $0x9  }
0xb2: {  	_ =	task.clear_ibuf [dreg:s7], $0x6FFFF;
	_ =	strace $0x90000046  }
0xb3: {  	s29 =	simm.s32 $0x9;
	_ =	strace $0x80000048  }
0xb4: {  	_ =	swait.ge [sflag:s29], $0x1  }
0xb5: {  	[sflag:s29] =	ssyncadd.s32 $0xFFFFFFFF  }
0xb6: {  	_ =	strace $0x90000048  }
0xb7: {  	_ =	sfence  }
0xb8: {  	s30 =	sld [smem:$0x0];
	_ =	sdelay $0x2  }
0xb9: {  	s31 =	sshll.u32 s1, $0xD;
	s1 =	sshrl.u32 s1, $0x2  }
0xba: {  	s3 =	sand.u32 $0x4000, s31;
	s1 =	sadd.s32 s1, s30  }
0xbb: {  	s0 =	sor.u32 s3, s0;
	s1 =	sshll.u32 s1, $0x11  }
0xbc: {  	s0 =	sor.u32 s1, s0  }
0xbd: {  	s0 =	sadd.s32 $0x8F2B, s0  }
0xbe: {  	[sflag:s0] =	ssyncadd.remote.s32 $0x1  }
0xbf: {  	_ =	sfence.sel $0xFFFF  }
0xc0: {  	[dreg:$0x0] =	wrdreg $0xFFFFFFFF;
	(pc) =	sbr.abs _section_cstart, $3  }
0xc1: {  	[dreg:$0x1] =	wrdreg $0xFFFFFFFF  }
0xc2: {  	_ =	task.clear_ibuf [dreg:s7], $0x2FFFF;
	_ =	strace $0x9FFFFFFF  }
0xc3: {  	(tm) =	ssettm $0x7FFFFFFF  }
tec
execute0_lowered:
.L_overlay_start_1:
0x0: {  	(tag) =	ssettag $0x1  }
0x1: {  	s5 =	rddreg [dreg:$0x0]  }
0x2: {  	s0 =	srdreg.scid;
	s1 =	rddreg [dreg:$0x1]  }
0x3: {  	s2 =	rddreg [dreg:$0x2];
	s7 =	stileid.u32  }
0x4: {  	s3 =	simm.s32 $0x0;
	s11 =	simm.s32 $0x50;
	s12 =	simm.s32 $0xA0  }
0x5: {  	s13 =	simm.s32 $0xF0;
	s14 =	simm.s32 $0x140;
	s15 =	simm.s32 $0x1  }
0x6: {  	s16 =	simm.s32 $0x2;
	s17 =	simm.s32 $0x3;
	s18 =	simm.s32 $0x4  }
0x7: {  	s19 =	simm.s32 $0x5;
	s6 =	sand.u32 $0x1, s0;
	s0 =	rddreg [dreg:$0x3]  }
0x8: {  	s20 =	simm.s32 $0x0;
	[smem:$0x7FF] =	sst s3;
	s4 =	sshll.u32 s6, $0x4  }
0x9: {  	p0 =	sne.s32 s7, $0x0;
	_ =	strace $0x80000047;
	s4 =	sor.u32 s7, s4  }
0xa: {  	s9 =	sshll.u32 s6, $0x1;
	s6 =	ssub.s32 $0x2, s6;
	s8 =	smul.u32 $0x2710, s4  }
0xb: {  	s9 =	sadd.s32 s9, s5;
	s10 =	sshrl.u32 s6, $0x1;
	s4 =	sadd.s32 $0x16600, s5  }
0xc: {  	s31 =	ssub.s32 s6, s10;
	s6 =	sadd.s32 $0x16800, s9;
	s8 =	sshrl.u32 s8, $0x3  }
0xd: {  	s9 =	simm.s32 $0x2710;
	s10 =	simm.s32 $0x6;
	s5 =	sadd.s32 s5, s8  }
0xe: {  	s7 =	smax.u32 s31, $0x1;
	s8 =	sshrl.u32 @!p0 s2, $0x3;
	s5 =	sadd.s32 $0xC840, s5  }
.LBB2_1:
0xf: {  	s21 =	simm.s32 @!p0 $0x1C06  }
0x10: {  	[spmem:s8], [sflag:s21] =	dma.local @!p0 [hbm:s1], $0x4E20  }
0x11: {  	s21 =	simm.s32 @!p0 $0x6  }
0x12: {  	_ =	swait.ge @!p0 [sflag:s21], $0x4E20  }
0x13: {  	[sflag:s21] =	ssyncset.done @!p0 $0x0  }
0x14: {  	[sflag:s21] =	ssyncadd.s32 @!p0 $0xFFFFB1E0  }
0x15: {  	[tilespmem:s9], [sflag:$0x6] =	stream.linear.gather [hbm4b:s4+s3], $0x500, $0x38;
	[tilespmem:$0x5320] =	vst v63  }
0x16: {  	_ =	swait.ge [sflag:s10], $0x500  }
0x17: {  	[sflag:s10] =	ssyncset.done $0x0  }
0x18: {  	[sflag:s10] =	ssyncadd.s32 $0xFFFFFB00  }
0x19: {  	[tilespmem:s3], [sflag:$0x6] =	stream.linear.gather [hbm4b:s5+s3], $0x2710, $0x38;
	[tilespmem:$0x5320] =	vst v63  }
0x1a: {  	_ =	swait.ge [sflag:s10], $0x2710  }
0x1b: {  	[sflag:s10] =	ssyncset.done $0x0  }
0x1c: {  	[sflag:s10] =	ssyncadd.s32 $0xFFFFD8F0  }
0x1d: {  	[bflag:$0x0] =	sbarrier.arrive $0xFFFF  }
0x1e: {  	[spmem:s2] =	stream.indirect.scatter.add.f32 [tilespmem:s9], [sflag:$0x1], $0x10, s3, s11, $0xb8;
	[tilespmem:$0x5320] =	vst v63  }
0x1f: {  	_ = 	snop  }
0x20: {  	[spmem:s2] =	stream.indirect.scatter.add.f32 [tilespmem:s9], [sflag:$0x2], $0x10, s11, s11, $0xb8;
	[tilespmem:$0x5320] =	vst v63  }
0x21: {  	_ = 	snop  }
0x22: {  	[spmem:s2] =	stream.indirect.scatter.add.f32 [tilespmem:s9], [sflag:$0x3], $0x10, s12, s11, $0xb8;
	[tilespmem:$0x5320] =	vst v63  }
0x23: {  	_ = 	snop  }
0x24: {  	[spmem:s2] =	stream.indirect.scatter.add.f32 [tilespmem:s9], [sflag:$0x4], $0x10, s13, s11, $0xb8;
	[tilespmem:$0x5320] =	vst v63  }
0x25: {  	_ = 	snop  }
0x26: {  	[spmem:s2] =	stream.indirect.scatter.add.f32 [tilespmem:s9], [sflag:$0x5], $0x10, s14, s11, $0xb8;
	[tilespmem:$0x5320] =	vst v63  }
0x27: {  	s26 =	simm.s32 $0x190  }
0x28: {  	[spmem:s2] =	stream.indirect.scatter.add.f32 [tilespmem:s9], [sflag:$0x1], $0x10, s26, s11, $0xb8;
	[tilespmem:$0x5320] =	vst v63  }
0x29: {  	_ =	swait.ge [sflag:s15], $0x500  }
0x2a: {  	[sflag:s15] =	ssyncset.done $0x0  }
0x2b: {  	s28 =	simm.s32 $0x1E0;
	[sflag:s15] =	ssyncadd.s32 $0xFFFFFB00  }
0x2c: {  	[spmem:s2] =	stream.indirect.scatter.add.f32 [tilespmem:s9], [sflag:$0x2], $0x10, s28, s11, $0xb8;
	[tilespmem:$0x5320] =	vst v63  }
0x2d: {  	_ =	swait.ge [sflag:s16], $0x500  }
0x2e: {  	[sflag:s16] =	ssyncset.done $0x0  }
0x2f: {  	s29 =	simm.s32 $0x230;
	[sflag:s16] =	ssyncadd.s32 $0xFFFFFB00  }
0x30: {  	[spmem:s2] =	stream.indirect.scatter.add.f32 [tilespmem:s9], [sflag:$0x3], $0x10, s29, s11, $0xb8;
	[tilespmem:$0x5320] =	vst v63  }
0x31: {  	_ =	swait.ge [sflag:s17], $0x500  }
0x32: {  	[sflag:s17] =	ssyncset.done $0x0  }
0x33: {  	s30 =	simm.s32 $0x280;
	[sflag:s17] =	ssyncadd.s32 $0xFFFFFB00  }
0x34: {  	[spmem:s2] =	stream.indirect.scatter.add.f32 [tilespmem:s9], [sflag:$0x4], $0x10, s30, s11, $0xb8;
	[tilespmem:$0x5320] =	vst v63  }
0x35: {  	_ =	swait.ge [sflag:s18], $0x500  }
0x36: {  	[sflag:s18] =	ssyncset.done $0x0  }
0x37: {  	s31 =	simm.s32 $0x2D0;
	[sflag:s18] =	ssyncadd.s32 $0xFFFFFB00  }
0x38: {  	[spmem:s2] =	stream.indirect.scatter.add.f32 [tilespmem:s9], [sflag:$0x5], $0x10, s31, s11, $0xb8;
	[tilespmem:$0x5320] =	vst v63  }
0x39: {  	_ =	swait.ge [sflag:s19], $0x500  }
0x3a: {  	s22 =	simm.s32 $0xFFFF7680;
	s21 =	simm.s32 $0xFFFFDC10;
	[sflag:s19] =	ssyncset.done $0x0  }
.LBB2_2:
0x3b: {  	s23 =	sadd.s32 $0x2710, s21  }
0x3c: {  	[sflag:s19] =	ssyncadd.s32 $0xFFFFFB00;
	s24 =	smov.u32 s22;
	s25 =	sadd.s32 $0x640, s22  }
0x3d: {  	[spmem:s2] =	stream.indirect.scatter.add.f32 [tilespmem:s9], [sflag:$0x1], $0x10, s23, s11, $0xb8;
	[tilespmem:$0x5320] =	vst v63  }
0x3e: {  	p1 =	sne.s32 s22, $0xFFFFF9C0;
	_ =	swait.ge [sflag:s15], $0x500  }
0x3f: {  	[sflag:s15] =	ssyncset.done $0x0  }
0x40: {  	s22 =	sadd.s32 $0x2760, s21;
	[sflag:s15] =	ssyncadd.s32 $0xFFFFFB00  }
0x41: {  	[spmem:s2] =	stream.indirect.scatter.add.f32 [tilespmem:s9], [sflag:$0x2], $0x10, s22, s11, $0xb8;
	[tilespmem:$0x5320] =	vst v63  }
0x42: {  	_ =	swait.ge [sflag:s16], $0x500  }
0x43: {  	[sflag:s16] =	ssyncset.done $0x0  }
0x44: {  	s22 =	sadd.s32 $0x27B0, s21;
	[sflag:s16] =	ssyncadd.s32 $0xFFFFFB00  }
0x45: {  	[spmem:s2] =	stream.indirect.scatter.add.f32 [tilespmem:s9], [sflag:$0x3], $0x10, s22, s11, $0xb8;
	[tilespmem:$0x5320] =	vst v63  }
0x46: {  	_ =	swait.ge [sflag:s17], $0x500  }
0x47: {  	[sflag:s17] =	ssyncset.done $0x0  }
0x48: {  	s22 =	sadd.s32 $0x2800, s21;
	[sflag:s17] =	ssyncadd.s32 $0xFFFFFB00  }
0x49: {  	[spmem:s2] =	stream.indirect.scatter.add.f32 [tilespmem:s9], [sflag:$0x4], $0x10, s22, s11, $0xb8;
	[tilespmem:$0x5320] =	vst v63  }
0x4a: {  	_ =	swait.ge [sflag:s18], $0x500  }
.Ltmp0:
0x4b: {  	[sflag:s18] =	ssyncset.done $0x0;
	(pc) =	sbr.rel @p1 .LBB2_2-.Ltmp0, $4  }
0x4c: {  	s21 =	sadd.s32 $0x2850, s21;
	[sflag:s18] =	ssyncadd.s32 $0xFFFFFB00  }
0x4d: {  	[spmem:s2] =	stream.indirect.scatter.add.f32 [tilespmem:s9], [sflag:$0x5], $0x10, s21, s11, $0xb8;
	[tilespmem:$0x5320] =	vst v63  }
0x4e: {  	_ =	swait.ge [sflag:s19], $0x500  }
0x4f: {  	s22 =	smov.u32 s25;
	s21 =	sshra.s32 s24, $0x2;
	[sflag:s19] =	ssyncset.done $0x0  }
0x50: {  	s22 =	sadd.s32 $0x2710, s21;
	[sflag:s19] =	ssyncadd.s32 $0xFFFFFB00  }
0x51: {  	[spmem:s2] =	stream.indirect.scatter.add.f32 [tilespmem:s9], [sflag:$0x1], $0x10, s22, s11, $0xb8;
	[tilespmem:$0x5320] =	vst v63  }
0x52: {  	_ =	swait.ge [sflag:s15], $0x500  }
0x53: {  	[sflag:s15] =	ssyncset.done $0x0  }
0x54: {  	s28 =	sadd.s32 $0x2760, s21;
	[sflag:s15] =	ssyncadd.s32 $0xFFFFFB00  }
0x55: {  	[spmem:s2] =	stream.indirect.scatter.add.f32 [tilespmem:s9], [sflag:$0x2], $0x10, s28, s11, $0xb8;
	[tilespmem:$0x5320] =	vst v63  }
0x56: {  	_ =	swait.ge [sflag:s16], $0x500  }
0x57: {  	[sflag:s16] =	ssyncset.done $0x0  }
0x58: {  	s29 =	sadd.s32 $0x27B0, s21;
	[sflag:s16] =	ssyncadd.s32 $0xFFFFFB00  }
0x59: {  	[spmem:s2] =	stream.indirect.scatter.add.f32 [tilespmem:s9], [sflag:$0x3], $0x10, s29, s11, $0xb8;
	[tilespmem:$0x5320] =	vst v63  }
0x5a: {  	_ =	swait.ge [sflag:s17], $0x500  }
0x5b: {  	[sflag:s17] =	ssyncset.done $0x0  }
0x5c: {  	s30 =	sadd.s32 $0x2800, s21;
	[sflag:s17] =	ssyncadd.s32 $0xFFFFFB00  }
0x5d: {  	[spmem:s2] =	stream.indirect.scatter.add.f32 [tilespmem:s9], [sflag:$0x4], $0x10, s30, s11, $0xb8;
	[tilespmem:$0x5320] =	vst v63  }
0x5e: {  	_ =	swait.ge [sflag:s18], $0x500  }
0x5f: {  	[sflag:s18] =	ssyncset.done $0x0  }
0x60: {  	s31 =	sadd.s32 $0x2850, s21;
	[sflag:s18] =	ssyncadd.s32 $0xFFFFFB00  }
0x61: {  	[spmem:s2] =	stream.indirect.scatter.add.f32 [tilespmem:s9], [sflag:$0x5], $0x10, s31, s11, $0xb8;
	[tilespmem:$0x5320] =	vst v63  }
0x62: {  	_ =	swait.ge [sflag:s19], $0x500  }
0x63: {  	[sflag:s19] =	ssyncset.done $0x0  }
0x64: {  	[sflag:s19] =	ssyncadd.s32 $0xFFFFFB00  }
0x65: {  	_ =	swait.ge [sflag:s15], $0x500  }
0x66: {  	[sflag:s15] =	ssyncset.done $0x0  }
0x67: {  	[sflag:s15] =	ssyncadd.s32 $0xFFFFFB00  }
0x68: {  	_ =	swait.ge [sflag:s16], $0x500  }
0x69: {  	[sflag:s16] =	ssyncset.done $0x0  }
0x6a: {  	[sflag:s16] =	ssyncadd.s32 $0xFFFFFB00  }
0x6b: {  	_ =	swait.ge [sflag:s17], $0x500  }
0x6c: {  	[sflag:s17] =	ssyncset.done $0x0  }
0x6d: {  	[sflag:s17] =	ssyncadd.s32 $0xFFFFFB00  }
0x6e: {  	_ =	swait.ge [sflag:s18], $0x500  }
0x6f: {  	[sflag:s18] =	ssyncset.done $0x0  }
0x70: {  	[sflag:s18] =	ssyncadd.s32 $0xFFFFFB00  }
0x71: {  	_ =	swait.ge [sflag:s19], $0x500  }
0x72: {  	s21 =	simm.s32 @!p0 $0x1;
	s23 =	simm.s32 @!p0 $0x2;
	[sflag:s19] =	ssyncset.done $0x0  }
0x73: {  	s24 =	simm.s32 @!p0 $0x1C06;
	s20 =	sadd.s32 $0x1, s20;
	[sflag:s19] =	ssyncadd.s32 $0xFFFFFB00  }
0x74: {  	s22 =	simm.s32 @!p0 $0x10;
	p1 =	sne.s32 s20, s7;
	[bflag:$0x0] =	sbarrier.arrive $0xFFFF  }
0x75: {  	[hbm:s6@s22], [sflag:s24] =	dma.strided @!p0 [spmem:s8@s23], $0x4E20, s21, $0x2   }
.Ltmp1:
0x76: {  	_ = 	snop;
	(pc) =	sbr.rel @p1 .LBB2_1-.Ltmp1, $4  }
0x77: {  	s21 =	simm.s32 @!p0 $0x6  }
0x78: {  	_ =	swait.ge @!p0 [sflag:s21], $0x4E20  }
0x79: {  	[sflag:s21] =	ssyncset.done @!p0 $0x0  }
0x7a: {  	[sflag:s21] =	ssyncadd.s32 @!p0 $0xFFFFB1E0  }
0x7b: {  	_ =	sfence.sel $0x180000  }
0x7c: {  	[bflag:$0x0] =	sbarrier.arrive $0xFFFF  }
0x7d: {  	_ =	strace $0x90000047  }
0x7e: {  	s0 =	sadd.s32 @!p0 $0x100000, s0;
	[bflag:$0x2] =	sbarrier.arrive $0xFFFF  }
0x7f: {  	[sflag:s0] =	ssyncadd.tile.s32 @!p0 $0x1;
	_ =	shalt  }
.Lfunc_end2:
_tile_overlayer_lowered:
.L_overlay_start_2:
0x80: {  	(tag) =	ssettag $0x2  }
0x81: {  	s0 =	rddreg [dreg:$0x0];
	s2 =	stileid.u32  }
0x82: {  	s1 =	rddreg [dreg:$0x1];
	p0 =	sne.s32 s2, $0x0  }
0x83: {  	s3 =	rddreg [dreg:$0x2];
	[bflag:$0x3] =	sbarrier.arrive $0xFFFF;
	s2 =	simm.s32 @!p0 $0x1C06  }
0x84: {  	[timem:s3], [sflag:s2] =	dma.local @!p0 [hbm:s0], s1  }
0x85: {  	s0 =	simm.s32 @!p0 $0x6  }
0x86: {  	_ =	swait.ge @!p0 [sflag:s0], s1  }
0x87: {  	s1 =	ssub.s32 @!p0 $0x0, s1;
	[sflag:s0] =	ssyncset.done @!p0 $0x0  }
0x88: {  	[sflag:s0] =	ssyncadd.s32 @!p0 s1  }
0x89: {  	[bflag:$0x3] =	sbarrier.arrive $0xFFFF  }
0x8a: {  	_ =	shalt  }

</sc_bundles>
